<compile_context>
chip_gen: v7x
topology: tpu7x:2x2x1
jax: 0.10.2.dev20260603
libtpu: 0.0.44.dev20260713+nightly
codegen_flags: <defaults>
</compile_context>

<pallas_src>
import functools

import jax
import jax.numpy as jnp
from jax import lax
from jax.experimental import pallas as pl
from jax.experimental.pallas import tpu as pltpu
from jax.experimental.pallas import tpu_sc as plsc

N = 10000
E = 320000
D = 128
H = 128
OUT = 10
G = 64
BN_EPS = 1e-5

CHUNK = 96
NCH = 106
NBUF = 2
BLK = 1000
NBLK = N // BLK



ZROWS = 80


def _sc_body(nc, ns, x_hbm, src_hbm, dst_hbm, zeros_hbm, out_hbm,
             sidx_v, didx_v, rows_v, acc_sh, *sems):
    c = lax.axis_index("c")
    s = lax.axis_index("s")
    wid = s * nc + c
    nzch = N // ZROWS

    for j in range((nzch + ns - 1) // ns):
        k = j * ns + s

        @pl.when(k < nzch)
        def _():
            pltpu.sync_copy(zeros_hbm, acc_sh.at[pl.ds(k * ZROWS, ZROWS)])

    pltpu.sync_copy(src_hbm.at[wid], sidx_v)
    pltpu.sync_copy(dst_hbm.at[wid], didx_v)
    plsc.subcore_barrier()

    sidx = lambda i: sidx_v.at[pl.ds(i * CHUNK, CHUNK)]

    for b in range(NBUF):
        pltpu.async_copy(x_hbm.at[sidx(b)], rows_v.at[b], sems[b])

    def outer(g, carry):
        i0 = g * NBUF
        for b in range(NBUF):
            i = i0 + b
            pltpu.make_async_copy(x_hbm.at[sidx(i)], rows_v.at[b],
                                  sems[b]).wait()
            pltpu.sync_copy(rows_v.at[b], acc_sh.at[didx_v.at[i]], add=True)

            @pl.when(i + NBUF < NCH)
            def _():
                pltpu.async_copy(x_hbm.at[sidx(i + NBUF)], rows_v.at[b],
                                 sems[b])
        return carry

    lax.fori_loop(0, NCH // NBUF, outer, 0)
    plsc.subcore_barrier()
    for j in range((nzch + ns - 1) // ns):
        k = j * ns + s

        @pl.when(k < nzch)
        def _():
            pltpu.sync_copy(acc_sh.at[pl.ds(k * ZROWS, ZROWS)],
                            out_hbm.at[c, pl.ds(k * ZROWS, ZROWS)])


def _sc_segment_sum(x, src3, dst3, zeros):
    try:
        info = plsc.get_sparse_core_info()
        nc, ns = info.num_cores, info.num_subcores
    except Exception:
        nc, ns = 2, 16
    mesh = plsc.VectorSubcoreMesh(core_axis_name="c", subcore_axis_name="s")
    kern = pl.kernel(
        functools.partial(_sc_body, nc, ns),
        out_type=jax.ShapeDtypeStruct((nc, N, D), jnp.float32),
        mesh=mesh,
        scratch_types=[
            pltpu.VMEM((NCH * CHUNK,), jnp.int32),
            pltpu.VMEM((NCH, CHUNK), jnp.int32),
            pltpu.VMEM((NBUF, CHUNK, D), jnp.float32),
            pltpu.VMEM_SHARED((N + 8, D), jnp.float32),
        ] + [pltpu.SemaphoreType.DMA] * NBUF,
    )
    return kern(x, src3, dst3, zeros)



def _tc_layer_body(x_ref, a0_ref, a1_ref, w1_ref, b1_ref, g_ref, be_ref,
                   w2_ref, b2_ref, batch_ref, xout_ref, pooled_ref,
                   h1_scr, sums_scr, bn_scr):
    p = pl.program_id(0)
    i = pl.program_id(1)

    @pl.when(p == 0)
    def _phase0():
        h = x_ref[...] + a0_ref[...] + a1_ref[...]
        h1 = lax.dot_general(h.astype(jnp.bfloat16),
                             w1_ref[...].astype(jnp.bfloat16),
                             (((1,), (0,)), ((), ())),
                             preferred_element_type=jnp.float32) + b1_ref[...]
        h1_scr[i] = h1
        s1 = jnp.sum(h1, axis=0, keepdims=True)
        s2 = jnp.sum(h1 * h1, axis=0, keepdims=True)
        blk_sums = jnp.concatenate([s1, s2], axis=0)

        @pl.when(i == 0)
        def _():
            sums_scr[...] = blk_sums

        @pl.when(i != 0)
        def _():
            sums_scr[...] += blk_sums

    @pl.when(p == 1)
    def _phase1():
        @pl.when(i == 0)
        def _():
            mean = sums_scr[0:1, :] / float(N)
            var = sums_scr[1:2, :] / float(N) - mean * mean
            inv = lax.rsqrt(var + BN_EPS)
            scale = g_ref[...] * inv
            shift = be_ref[...] - mean * scale
            bn_scr[...] = jnp.concatenate([scale, shift], axis=0)

        hn = jax.nn.relu(h1_scr[i] * bn_scr[0:1, :] + bn_scr[1:2, :])
        h2 = lax.dot_general(hn.astype(jnp.bfloat16),
                             w2_ref[...].astype(jnp.bfloat16),
                             (((1,), (0,)), ((), ())),
                             preferred_element_type=jnp.float32) + b2_ref[...]
        xo = jax.nn.relu(h2)
        xout_ref[...] = xo
        gids = lax.broadcasted_iota(jnp.int32, (G, BLK), 0)
        onehot = (gids == batch_ref[0]).astype(jnp.float32)
        pb = lax.dot_general(onehot, xo, (((1,), (0,)), ((), ())),
                             precision=lax.Precision.HIGHEST,
                             preferred_element_type=jnp.float32)

        @pl.when(i == 0)
        def _():
            pooled_ref[...] = pb

        @pl.when(i != 0)
        def _():
            pooled_ref[...] += pb


def _tc_layer(x, agg0, agg1, batch3, p):
    row = lambda pi, i: (i * pi, 0)
    full = lambda pi, i: (0, 0)
    return pl.pallas_call(
        _tc_layer_body,
        grid=(2, NBLK),
        in_specs=[
            pl.BlockSpec((BLK, D), lambda pi, i: (i, 0)),
            pl.BlockSpec((BLK, D), lambda pi, i: (i, 0)),
            pl.BlockSpec((BLK, D), lambda pi, i: (i, 0)),
            pl.BlockSpec((D, H), full),
            pl.BlockSpec((1, H), full),
            pl.BlockSpec((1, H), full),
            pl.BlockSpec((1, H), full),
            pl.BlockSpec((H, H), full),
            pl.BlockSpec((1, H), full),
            pl.BlockSpec((1, 1, BLK), lambda pi, i: (i, 0, 0)),
        ],
        out_specs=[
            pl.BlockSpec((BLK, H), row),
            pl.BlockSpec((G, H), full),
        ],
        out_shape=[
            jax.ShapeDtypeStruct((N, H), jnp.float32),
            jax.ShapeDtypeStruct((G, H), jnp.float32),
        ],
        scratch_shapes=[
            pltpu.VMEM((NBLK, BLK, H), jnp.float32),
            pltpu.VMEM((2, H), jnp.float32),
            pltpu.VMEM((2, H), jnp.float32),
        ],
    )(x, agg0, agg1, p["W1"], p["b1"].reshape(1, H), p["g"].reshape(1, H),
      p["be"].reshape(1, H), p["W2"], p["b2"].reshape(1, H), batch3)



def _head_body(p1_ref, p2_ref, p3_ref, wc_ref, bc_ref, ww1_ref, bw1_ref,
               ww2_ref, bw2_ref, cls_ref, wm_ref):
    pooled = jnp.concatenate([p1_ref[...], p2_ref[...], p3_ref[...]], axis=1)
    mm = lambda a, b: lax.dot_general(a.astype(jnp.bfloat16),
                                      b.astype(jnp.bfloat16),
                                      (((1,), (0,)), ((), ())),
                                      preferred_element_type=jnp.float32)
    cls_ref[...] = mm(pooled, wc_ref[...]) + bc_ref[...]
    wmh = jax.nn.relu(mm(pooled, ww1_ref[...]) + bw1_ref[...])
    z = mm(wmh, ww2_ref[...]) + bw2_ref[...]
    wm_ref[...] = 1.0 / (1.0 + jnp.exp(-z))


def _head(p1, p2, p3, p):
    return pl.pallas_call(
        _head_body,
        out_shape=[
            jax.ShapeDtypeStruct((G, OUT), jnp.float32),
            jax.ShapeDtypeStruct((G, 1), jnp.float32),
        ],
    )(p1, p2, p3, p["Wc"], p["bc"].reshape(1, OUT),
      p["Ww1"], p["bw1"].reshape(1, H // 2), p["Ww2"],
      p["bw2"].reshape(1, 1))


def kernel(x, edge_index, batch, params):
    nw = 32
    per_tile = E // nw
    pad = NCH * CHUNK - per_tile
    src3 = jnp.concatenate(
        [edge_index[0].reshape(nw, per_tile),
         jnp.zeros((nw, pad), jnp.int32)], axis=1)
    dst3 = jnp.concatenate(
        [edge_index[1].reshape(nw, per_tile),
         jnp.full((nw, pad), N, jnp.int32)], axis=1).reshape(nw, NCH, CHUNK)
    zeros = jnp.zeros((ZROWS, D), jnp.float32)
    batch3 = batch.reshape(NBLK, 1, BLK)

    xl = x
    pooled = []
    for name in ("c1", "c2", "c3"):
        parts = _sc_segment_sum(xl, src3, dst3, zeros)
        xl, pg = _tc_layer(xl, parts[0], parts[1], batch3, params[name])
        pooled.append(pg)

    return _head(pooled[0], pooled[1], pooled[2], params)

# --- scband reference (transcript-rebuilt; emitter-appended) ---
"""Pipeline reference for scband-classifier-5755256176863 (READ-ONLY COPY).

The authoritative reference and input builder live on the scoring server;
editing this copy changes nothing except your own understanding.
"""

import jax, jax.numpy as jnp
import numpy as np

N = 10000
E = 320000
D = 128
H = 128
OUT = 10
G = 64
BN_EPS = 1e-5


def _lin_init(key, fan_in, fan_out):
    k1, k2 = jax.random.split(key)
    bound = 1.0 / np.sqrt(fan_in)
    W = jax.random.uniform(k1, (fan_in, fan_out), minval=-bound, maxval=bound, dtype=jnp.float32)
    b = jax.random.uniform(k2, (fan_out,), minval=-bound, maxval=bound, dtype=jnp.float32)
    return W, b


def _gin_params(key, d_in, d_h):
    k1, k2 = jax.random.split(key)
    W1, b1 = _lin_init(k1, d_in, d_h)
    W2, b2 = _lin_init(k2, d_h, d_h)
    return {"W1": W1, "b1": b1, "g": jnp.ones((d_h,), jnp.float32), "be": jnp.zeros((d_h,), jnp.float32), "W2": W2, "b2": b2}


def setup_inputs(seed: int = 0) -> dict:
    key = jax.random.key(seed)
    ks = jax.random.split(key, 8)
    x = jax.random.normal(ks[0], (N, D), dtype=jnp.float32)
    edge_index = jax.random.randint(ks[1], (2, E), 0, N, dtype=jnp.int32)
    batch = jnp.sort(jax.random.randint(ks[2], (N,), 0, G, dtype=jnp.int32))
    Wc, bc = _lin_init(ks[6], 3 * H, OUT)
    kw1, kw2 = jax.random.split(ks[7])
    Ww1, bw1 = _lin_init(kw1, 3 * H, H // 2)
    Ww2, bw2 = _lin_init(kw2, H // 2, 1)
    params = {
        "c1": _gin_params(ks[3], D, H),
        "c2": _gin_params(ks[4], H, H),
        "c3": _gin_params(ks[5], H, H),
        "Wc": Wc, "bc": bc,
        "Ww1": Ww1, "bw1": bw1, "Ww2": Ww2, "bw2": bw2,
    }
    return {"x": x, "edge_index": edge_index, "batch": batch, "params": params}


def _mlp_bn(h, p):
    h = h @ p["W1"] + p["b1"]
    mean = jnp.mean(h, axis=0)
    var = jnp.mean((h - mean) ** 2, axis=0)  # biased var, training-mode BatchNorm1d
    h = (h - mean) / jnp.sqrt(var + BN_EPS) * p["g"] + p["be"]
    h = jax.nn.relu(h)
    h = h @ p["W2"] + p["b2"]
    return h


def _gin_conv(x, src, dst, p):
    # GINConv with eps=0: nn((1+eps)*x + sum_{j in N(i)} x_j)
    agg = jax.ops.segment_sum(x[src], dst, num_segments=N)
    return _mlp_bn(x + agg, p)


def reference(x, edge_index, batch, params):
    src = edge_index[0]
    dst = edge_index[1]
    x1 = jax.nn.relu(_gin_conv(x, src, dst, params["c1"]))
    x2 = jax.nn.relu(_gin_conv(x1, src, dst, params["c2"]))
    x3 = jax.nn.relu(_gin_conv(x2, src, dst, params["c3"]))
    pool = lambda h: jax.ops.segment_sum(h, batch, num_segments=G)
    out = jnp.concatenate([pool(x1), pool(x2), pool(x3)], axis=1)
    class_logits = out @ params["Wc"] + params["bc"]
    wm = jax.nn.relu(out @ params["Ww1"] + params["bw1"])
    watermark_score = jax.nn.sigmoid(wm @ params["Ww2"] + params["bw2"])
    return (class_logits, watermark_score)

if __name__ == "__main__":
    import jax
    _d = setup_inputs()
    print(jax.jit(kernel)(*tuple(_d.values())))

</pallas_src>

<mosaic_0001>
#map = affine_map<(d0, d1) -> (0, 0)>
#map1 = affine_map<(d0, d1) -> (0, 0, 0)>
module attributes {stable_mosaic.version = 14 : i64} {
  func.func @_sc_body(%arg0: i32, %arg1: i32, %arg2: memref<10000x128xf32, #tpu.memory_space<hbm>>, %arg3: memref<32x10176xi32, #tpu.memory_space<hbm>>, %arg4: memref<32x106x96xi32, #tpu.memory_space<hbm>>, %arg5: memref<80x128xf32, #tpu.memory_space<hbm>>, %arg6: memref<2x10000x128xf32, #tpu.memory_space<hbm>>, %arg7: memref<10176xi32, #tpu.memory_space<vmem>>, %arg8: memref<106x96xi32, #tpu.memory_space<vmem>>, %arg9: memref<2x96x128xf32, #tpu.memory_space<vmem>>, %arg10: memref<10008x128xf32, #tpu.memory_space<vmem_shared>>, %arg11: memref<!tpu.dma_semaphore, #tpu.memory_space<semaphore_mem>>, %arg12: memref<!tpu.dma_semaphore, #tpu.memory_space<semaphore_mem>>) attributes {dimension_semantics = [#tpu.dimension_semantics<core_parallel>, #tpu.dimension_semantics<subcore_parallel>], iteration_bounds = array<i64: 2, 16>, scalar_prefetch = 0 : i64, scratch_operands = 6 : i64, tpu.core_type = #tpu.core_type<sc_vector_subcore>, window_params = [{transform_indices = #map}, {transform_indices = #map}, {transform_indices = #map1}, {transform_indices = #map}, {transform_indices = #map1}]} {
    %mul3A = arith.constant 2 : i32
    %mul3A_0 = arith.muli %arg1, %mul3A : i32
    %add3A = arith.addi %mul3A_0, %arg0 : i32
    %add3A_1 = arith.constant 0 : i32
    %add3A_2 = arith.addi %add3A_1, %arg1 : i32
    %lt3A = arith.constant 125 : i32
    %lt3A_3 = arith.cmpi slt, %add3A_2, %lt3A : i32
    %convert_element_type3A = arith.extui %lt3A_3 : i1 to i32
    %cond3A = arith.constant 0 : i32
    %cond3A_4 = arith.cmpi ne, %convert_element_type3A, %cond3A : i32
    scf.if %cond3A_4 {
      %mul3A_135 = arith.constant 80 : i32
      %mul3A_136 = arith.muli %add3A_2, %mul3A_135 : i32
      "tpu.region"() ({
        %run_scoped3A = tpu.sem_alloc : memref<!tpu.dma_semaphore, #tpu.memory_space<semaphore_mem>>
        %dma_start3A_137 = arith.constant 0 : i32
        %dma_start3A_138 = tpu.memref_slice %arg10[%mul3A_136, %dma_start3A_137] : memref<10008x128xf32, #tpu.memory_space<vmem_shared>> -> memref<80x128xf32, #tpu.memory_space<vmem_shared>>
        tpu.enqueue_dma source(%arg5 : memref<80x128xf32, #tpu.memory_space<hbm>>) target(%dma_start3A_138 : memref<80x128xf32, #tpu.memory_space<vmem_shared>>) target_semaphore(%run_scoped3A : memref<!tpu.dma_semaphore, #tpu.memory_space<semaphore_mem>>)
        %dma_wait3A = arith.constant 0 : i32
        %dma_wait3A_139 = tpu.memref_slice %arg10[%mul3A_136, %dma_wait3A] : memref<10008x128xf32, #tpu.memory_space<vmem_shared>> -> memref<80x128xf32, #tpu.memory_space<vmem_shared>>
        tpu.wait_dma2 semaphore(%run_scoped3A : memref<!tpu.dma_semaphore, #tpu.memory_space<semaphore_mem>>) src(%arg5 : memref<80x128xf32, #tpu.memory_space<hbm>>) dst(%dma_wait3A_139 : memref<80x128xf32, #tpu.memory_space<vmem_shared>>)
        tpu.yield
      }) : () -> ()
    } else {
    }
    %add3A_5 = arith.constant 16 : i32
    %add3A_6 = arith.addi %add3A_5, %arg1 : i32
    %lt3A_7 = arith.constant 125 : i32
    %lt3A_8 = arith.cmpi slt, %add3A_6, %lt3A_7 : i32
    %convert_element_type3A_9 = arith.extui %lt3A_8 : i1 to i32
    %cond3A_10 = arith.constant 0 : i32
    %cond3A_11 = arith.cmpi ne, %convert_element_type3A_9, %cond3A_10 : i32
    scf.if %cond3A_11 {
      %mul3A_135 = arith.constant 80 : i32
      %mul3A_136 = arith.muli %add3A_6, %mul3A_135 : i32
      "tpu.region"() ({
        %run_scoped3A = tpu.sem_alloc : memref<!tpu.dma_semaphore, #tpu.memory_space<semaphore_mem>>
        %dma_start3A_137 = arith.constant 0 : i32
        %dma_start3A_138 = tpu.memref_slice %arg10[%mul3A_136, %dma_start3A_137] : memref<10008x128xf32, #tpu.memory_space<vmem_shared>> -> memref<80x128xf32, #tpu.memory_space<vmem_shared>>
        tpu.enqueue_dma source(%arg5 : memref<80x128xf32, #tpu.memory_space<hbm>>) target(%dma_start3A_138 : memref<80x128xf32, #tpu.memory_space<vmem_shared>>) target_semaphore(%run_scoped3A : memref<!tpu.dma_semaphore, #tpu.memory_space<semaphore_mem>>)
        %dma_wait3A = arith.constant 0 : i32
        %dma_wait3A_139 = tpu.memref_slice %arg10[%mul3A_136, %dma_wait3A] : memref<10008x128xf32, #tpu.memory_space<vmem_shared>> -> memref<80x128xf32, #tpu.memory_space<vmem_shared>>
        tpu.wait_dma2 semaphore(%run_scoped3A : memref<!tpu.dma_semaphore, #tpu.memory_space<semaphore_mem>>) src(%arg5 : memref<80x128xf32, #tpu.memory_space<hbm>>) dst(%dma_wait3A_139 : memref<80x128xf32, #tpu.memory_space<vmem_shared>>)
        tpu.yield
      }) : () -> ()
    } else {
    }
    %add3A_12 = arith.constant 32 : i32
    %add3A_13 = arith.addi %add3A_12, %arg1 : i32
    %lt3A_14 = arith.constant 125 : i32
    %lt3A_15 = arith.cmpi slt, %add3A_13, %lt3A_14 : i32
    %convert_element_type3A_16 = arith.extui %lt3A_15 : i1 to i32
    %cond3A_17 = arith.constant 0 : i32
    %cond3A_18 = arith.cmpi ne, %convert_element_type3A_16, %cond3A_17 : i32
    scf.if %cond3A_18 {
      %mul3A_135 = arith.constant 80 : i32
      %mul3A_136 = arith.muli %add3A_13, %mul3A_135 : i32
      "tpu.region"() ({
        %run_scoped3A = tpu.sem_alloc : memref<!tpu.dma_semaphore, #tpu.memory_space<semaphore_mem>>
        %dma_start3A_137 = arith.constant 0 : i32
        %dma_start3A_138 = tpu.memref_slice %arg10[%mul3A_136, %dma_start3A_137] : memref<10008x128xf32, #tpu.memory_space<vmem_shared>> -> memref<80x128xf32, #tpu.memory_space<vmem_shared>>
        tpu.enqueue_dma source(%arg5 : memref<80x128xf32, #tpu.memory_space<hbm>>) target(%dma_start3A_138 : memref<80x128xf32, #tpu.memory_space<vmem_shared>>) target_semaphore(%run_scoped3A : memref<!tpu.dma_semaphore, #tpu.memory_space<semaphore_mem>>)
        %dma_wait3A = arith.constant 0 : i32
        %dma_wait3A_139 = tpu.memref_slice %arg10[%mul3A_136, %dma_wait3A] : memref<10008x128xf32, #tpu.memory_space<vmem_shared>> -> memref<80x128xf32, #tpu.memory_space<vmem_shared>>
        tpu.wait_dma2 semaphore(%run_scoped3A : memref<!tpu.dma_semaphore, #tpu.memory_space<semaphore_mem>>) src(%arg5 : memref<80x128xf32, #tpu.memory_space<hbm>>) dst(%dma_wait3A_139 : memref<80x128xf32, #tpu.memory_space<vmem_shared>>)
        tpu.yield
      }) : () -> ()
    } else {
    }
    %add3A_19 = arith.constant 48 : i32
    %add3A_20 = arith.addi %add3A_19, %arg1 : i32
    %lt3A_21 = arith.constant 125 : i32
    %lt3A_22 = arith.cmpi slt, %add3A_20, %lt3A_21 : i32
    %convert_element_type3A_23 = arith.extui %lt3A_22 : i1 to i32
    %cond3A_24 = arith.constant 0 : i32
    %cond3A_25 = arith.cmpi ne, %convert_element_type3A_23, %cond3A_24 : i32
    scf.if %cond3A_25 {
      %mul3A_135 = arith.constant 80 : i32
      %mul3A_136 = arith.muli %add3A_20, %mul3A_135 : i32
      "tpu.region"() ({
        %run_scoped3A = tpu.sem_alloc : memref<!tpu.dma_semaphore, #tpu.memory_space<semaphore_mem>>
        %dma_start3A_137 = arith.constant 0 : i32
        %dma_start3A_138 = tpu.memref_slice %arg10[%mul3A_136, %dma_start3A_137] : memref<10008x128xf32, #tpu.memory_space<vmem_shared>> -> memref<80x128xf32, #tpu.memory_space<vmem_shared>>
        tpu.enqueue_dma source(%arg5 : memref<80x128xf32, #tpu.memory_space<hbm>>) target(%dma_start3A_138 : memref<80x128xf32, #tpu.memory_space<vmem_shared>>) target_semaphore(%run_scoped3A : memref<!tpu.dma_semaphore, #tpu.memory_space<semaphore_mem>>)
        %dma_wait3A = arith.constant 0 : i32
        %dma_wait3A_139 = tpu.memref_slice %arg10[%mul3A_136, %dma_wait3A] : memref<10008x128xf32, #tpu.memory_space<vmem_shared>> -> memref<80x128xf32, #tpu.memory_space<vmem_shared>>
        tpu.wait_dma2 semaphore(%run_scoped3A : memref<!tpu.dma_semaphore, #tpu.memory_space<semaphore_mem>>) src(%arg5 : memref<80x128xf32, #tpu.memory_space<hbm>>) dst(%dma_wait3A_139 : memref<80x128xf32, #tpu.memory_space<vmem_shared>>)
        tpu.yield
      }) : () -> ()
    } else {
    }
    %add3A_26 = arith.constant 64 : i32
    %add3A_27 = arith.addi %add3A_26, %arg1 : i32
    %lt3A_28 = arith.constant 125 : i32
    %lt3A_29 = arith.cmpi slt, %add3A_27, %lt3A_28 : i32
    %convert_element_type3A_30 = arith.extui %lt3A_29 : i1 to i32
    %cond3A_31 = arith.constant 0 : i32
    %cond3A_32 = arith.cmpi ne, %convert_element_type3A_30, %cond3A_31 : i32
    scf.if %cond3A_32 {
      %mul3A_135 = arith.constant 80 : i32
      %mul3A_136 = arith.muli %add3A_27, %mul3A_135 : i32
      "tpu.region"() ({
        %run_scoped3A = tpu.sem_alloc : memref<!tpu.dma_semaphore, #tpu.memory_space<semaphore_mem>>
        %dma_start3A_137 = arith.constant 0 : i32
        %dma_start3A_138 = tpu.memref_slice %arg10[%mul3A_136, %dma_start3A_137] : memref<10008x128xf32, #tpu.memory_space<vmem_shared>> -> memref<80x128xf32, #tpu.memory_space<vmem_shared>>
        tpu.enqueue_dma source(%arg5 : memref<80x128xf32, #tpu.memory_space<hbm>>) target(%dma_start3A_138 : memref<80x128xf32, #tpu.memory_space<vmem_shared>>) target_semaphore(%run_scoped3A : memref<!tpu.dma_semaphore, #tpu.memory_space<semaphore_mem>>)
        %dma_wait3A = arith.constant 0 : i32
        %dma_wait3A_139 = tpu.memref_slice %arg10[%mul3A_136, %dma_wait3A] : memref<10008x128xf32, #tpu.memory_space<vmem_shared>> -> memref<80x128xf32, #tpu.memory_space<vmem_shared>>
        tpu.wait_dma2 semaphore(%run_scoped3A : memref<!tpu.dma_semaphore, #tpu.memory_space<semaphore_mem>>) src(%arg5 : memref<80x128xf32, #tpu.memory_space<hbm>>) dst(%dma_wait3A_139 : memref<80x128xf32, #tpu.memory_space<vmem_shared>>)
        tpu.yield
      }) : () -> ()
    } else {
    }
    %add3A_33 = arith.constant 80 : i32
    %add3A_34 = arith.addi %add3A_33, %arg1 : i32
    %lt3A_35 = arith.constant 125 : i32
    %lt3A_36 = arith.cmpi slt, %add3A_34, %lt3A_35 : i32
    %convert_element_type3A_37 = arith.extui %lt3A_36 : i1 to i32
    %cond3A_38 = arith.constant 0 : i32
    %cond3A_39 = arith.cmpi ne, %convert_element_type3A_37, %cond3A_38 : i32
    scf.if %cond3A_39 {
      %mul3A_135 = arith.constant 80 : i32
      %mul3A_136 = arith.muli %add3A_34, %mul3A_135 : i32
      "tpu.region"() ({
        %run_scoped3A = tpu.sem_alloc : memref<!tpu.dma_semaphore, #tpu.memory_space<semaphore_mem>>
        %dma_start3A_137 = arith.constant 0 : i32
        %dma_start3A_138 = tpu.memref_slice %arg10[%mul3A_136, %dma_start3A_137] : memref<10008x128xf32, #tpu.memory_space<vmem_shared>> -> memref<80x128xf32, #tpu.memory_space<vmem_shared>>
        tpu.enqueue_dma source(%arg5 : memref<80x128xf32, #tpu.memory_space<hbm>>) target(%dma_start3A_138 : memref<80x128xf32, #tpu.memory_space<vmem_shared>>) target_semaphore(%run_scoped3A : memref<!tpu.dma_semaphore, #tpu.memory_space<semaphore_mem>>)
        %dma_wait3A = arith.constant 0 : i32
        %dma_wait3A_139 = tpu.memref_slice %arg10[%mul3A_136, %dma_wait3A] : memref<10008x128xf32, #tpu.memory_space<vmem_shared>> -> memref<80x128xf32, #tpu.memory_space<vmem_shared>>
        tpu.wait_dma2 semaphore(%run_scoped3A : memref<!tpu.dma_semaphore, #tpu.memory_space<semaphore_mem>>) src(%arg5 : memref<80x128xf32, #tpu.memory_space<hbm>>) dst(%dma_wait3A_139 : memref<80x128xf32, #tpu.memory_space<vmem_shared>>)
        tpu.yield
      }) : () -> ()
    } else {
    }
    %add3A_40 = arith.constant 96 : i32
    %add3A_41 = arith.addi %add3A_40, %arg1 : i32
    %lt3A_42 = arith.constant 125 : i32
    %lt3A_43 = arith.cmpi slt, %add3A_41, %lt3A_42 : i32
    %convert_element_type3A_44 = arith.extui %lt3A_43 : i1 to i32
    %cond3A_45 = arith.constant 0 : i32
    %cond3A_46 = arith.cmpi ne, %convert_element_type3A_44, %cond3A_45 : i32
    scf.if %cond3A_46 {
      %mul3A_135 = arith.constant 80 : i32
      %mul3A_136 = arith.muli %add3A_41, %mul3A_135 : i32
      "tpu.region"() ({
        %run_scoped3A = tpu.sem_alloc : memref<!tpu.dma_semaphore, #tpu.memory_space<semaphore_mem>>
        %dma_start3A_137 = arith.constant 0 : i32
        %dma_start3A_138 = tpu.memref_slice %arg10[%mul3A_136, %dma_start3A_137] : memref<10008x128xf32, #tpu.memory_space<vmem_shared>> -> memref<80x128xf32, #tpu.memory_space<vmem_shared>>
        tpu.enqueue_dma source(%arg5 : memref<80x128xf32, #tpu.memory_space<hbm>>) target(%dma_start3A_138 : memref<80x128xf32, #tpu.memory_space<vmem_shared>>) target_semaphore(%run_scoped3A : memref<!tpu.dma_semaphore, #tpu.memory_space<semaphore_mem>>)
        %dma_wait3A = arith.constant 0 : i32
        %dma_wait3A_139 = tpu.memref_slice %arg10[%mul3A_136, %dma_wait3A] : memref<10008x128xf32, #tpu.memory_space<vmem_shared>> -> memref<80x128xf32, #tpu.memory_space<vmem_shared>>
        tpu.wait_dma2 semaphore(%run_scoped3A : memref<!tpu.dma_semaphore, #tpu.memory_space<semaphore_mem>>) src(%arg5 : memref<80x128xf32, #tpu.memory_space<hbm>>) dst(%dma_wait3A_139 : memref<80x128xf32, #tpu.memory_space<vmem_shared>>)
        tpu.yield
      }) : () -> ()
    } else {
    }
    %add3A_47 = arith.constant 112 : i32
    %add3A_48 = arith.addi %add3A_47, %arg1 : i32
    %lt3A_49 = arith.constant 125 : i32
    %lt3A_50 = arith.cmpi slt, %add3A_48, %lt3A_49 : i32
    %convert_element_type3A_51 = arith.extui %lt3A_50 : i1 to i32
    %cond3A_52 = arith.constant 0 : i32
    %cond3A_53 = arith.cmpi ne, %convert_element_type3A_51, %cond3A_52 : i32
    scf.if %cond3A_53 {
      %mul3A_135 = arith.constant 80 : i32
      %mul3A_136 = arith.muli %add3A_48, %mul3A_135 : i32
      "tpu.region"() ({
        %run_scoped3A = tpu.sem_alloc : memref<!tpu.dma_semaphore, #tpu.memory_space<semaphore_mem>>
        %dma_start3A_137 = arith.constant 0 : i32
        %dma_start3A_138 = tpu.memref_slice %arg10[%mul3A_136, %dma_start3A_137] : memref<10008x128xf32, #tpu.memory_space<vmem_shared>> -> memref<80x128xf32, #tpu.memory_space<vmem_shared>>
        tpu.enqueue_dma source(%arg5 : memref<80x128xf32, #tpu.memory_space<hbm>>) target(%dma_start3A_138 : memref<80x128xf32, #tpu.memory_space<vmem_shared>>) target_semaphore(%run_scoped3A : memref<!tpu.dma_semaphore, #tpu.memory_space<semaphore_mem>>)
        %dma_wait3A = arith.constant 0 : i32
        %dma_wait3A_139 = tpu.memref_slice %arg10[%mul3A_136, %dma_wait3A] : memref<10008x128xf32, #tpu.memory_space<vmem_shared>> -> memref<80x128xf32, #tpu.memory_space<vmem_shared>>
        tpu.wait_dma2 semaphore(%run_scoped3A : memref<!tpu.dma_semaphore, #tpu.memory_space<semaphore_mem>>) src(%arg5 : memref<80x128xf32, #tpu.memory_space<hbm>>) dst(%dma_wait3A_139 : memref<80x128xf32, #tpu.memory_space<vmem_shared>>)
        tpu.yield
      }) : () -> ()
    } else {
    }
    "tpu.region"() ({
      %run_scoped3A = tpu.sem_alloc : memref<!tpu.dma_semaphore, #tpu.memory_space<semaphore_mem>>
      %dma_start3A_135 = arith.constant 0 : i32
      %dma_start3A_136 = tpu.memref_slice %arg3[%add3A, %dma_start3A_135] : memref<32x10176xi32, #tpu.memory_space<hbm>> -> memref<1x10176xi32, #tpu.memory_space<hbm>>
      %dma_start3A_137 = tpu.memref_squeeze %dma_start3A_136 : memref<1x10176xi32, #tpu.memory_space<hbm>> -> memref<10176xi32, #tpu.memory_space<hbm>>
      %dma_start3A_138 = arith.constant 0 : i32
      %dma_start3A_139 = tpu.memref_slice %arg3[%add3A, %dma_start3A_138] : memref<32x10176xi32, #tpu.memory_space<hbm>> -> memref<1x10176xi32, #tpu.memory_space<hbm>>
      %dma_start3A_140 = tpu.memref_squeeze %dma_start3A_139 : memref<1x10176xi32, #tpu.memory_space<hbm>> -> memref<10176xi32, #tpu.memory_space<hbm>>
      tpu.enqueue_dma source(%dma_start3A_140 : memref<10176xi32, #tpu.memory_space<hbm>>) target(%arg7 : memref<10176xi32, #tpu.memory_space<vmem>>) target_semaphore(%run_scoped3A : memref<!tpu.dma_semaphore, #tpu.memory_space<semaphore_mem>>)
      %dma_wait3A = arith.constant 0 : i32
      %dma_wait3A_141 = tpu.memref_slice %arg3[%add3A, %dma_wait3A] : memref<32x10176xi32, #tpu.memory_space<hbm>> -> memref<1x10176xi32, #tpu.memory_space<hbm>>
      %dma_wait3A_142 = tpu.memref_squeeze %dma_wait3A_141 : memref<1x10176xi32, #tpu.memory_space<hbm>> -> memref<10176xi32, #tpu.memory_space<hbm>>
      %dma_wait3A_143 = arith.constant 0 : i32
      %dma_wait3A_144 = tpu.memref_slice %arg3[%add3A, %dma_wait3A_143] : memref<32x10176xi32, #tpu.memory_space<hbm>> -> memref<1x10176xi32, #tpu.memory_space<hbm>>
      %dma_wait3A_145 = tpu.memref_squeeze %dma_wait3A_144 : memref<1x10176xi32, #tpu.memory_space<hbm>> -> memref<10176xi32, #tpu.memory_space<hbm>>
      tpu.wait_dma2 semaphore(%run_scoped3A : memref<!tpu.dma_semaphore, #tpu.memory_space<semaphore_mem>>) src(%dma_wait3A_145 : memref<10176xi32, #tpu.memory_space<hbm>>) dst(%arg7 : memref<10176xi32, #tpu.memory_space<vmem>>)
      tpu.yield
    }) : () -> ()
    "tpu.region"() ({
      %run_scoped3A = tpu.sem_alloc : memref<!tpu.dma_semaphore, #tpu.memory_space<semaphore_mem>>
      %dma_start3A_135 = arith.constant 0 : i32
      %dma_start3A_136 = arith.constant 0 : i32
      %dma_start3A_137 = tpu.memref_slice %arg4[%add3A, %dma_start3A_135, %dma_start3A_136] : memref<32x106x96xi32, #tpu.memory_space<hbm>> -> memref<1x106x96xi32, #tpu.memory_space<hbm>>
      %dma_start3A_138 = tpu.memref_squeeze %dma_start3A_137 : memref<1x106x96xi32, #tpu.memory_space<hbm>> -> memref<106x96xi32, #tpu.memory_space<hbm>>
      %dma_start3A_139 = arith.constant 0 : i32
      %dma_start3A_140 = arith.constant 0 : i32
      %dma_start3A_141 = tpu.memref_slice %arg4[%add3A, %dma_start3A_139, %dma_start3A_140] : memref<32x106x96xi32, #tpu.memory_space<hbm>> -> memref<1x106x96xi32, #tpu.memory_space<hbm>>
      %dma_start3A_142 = tpu.memref_squeeze %dma_start3A_141 : memref<1x106x96xi32, #tpu.memory_space<hbm>> -> memref<106x96xi32, #tpu.memory_space<hbm>>
      tpu.enqueue_dma source(%dma_start3A_142 : memref<106x96xi32, #tpu.memory_space<hbm>>) target(%arg8 : memref<106x96xi32, #tpu.memory_space<vmem>>) target_semaphore(%run_scoped3A : memref<!tpu.dma_semaphore, #tpu.memory_space<semaphore_mem>>)
      %dma_wait3A = arith.constant 0 : i32
      %dma_wait3A_143 = arith.constant 0 : i32
      %dma_wait3A_144 = tpu.memref_slice %arg4[%add3A, %dma_wait3A, %dma_wait3A_143] : memref<32x106x96xi32, #tpu.memory_space<hbm>> -> memref<1x106x96xi32, #tpu.memory_space<hbm>>
      %dma_wait3A_145 = tpu.memref_squeeze %dma_wait3A_144 : memref<1x106x96xi32, #tpu.memory_space<hbm>> -> memref<106x96xi32, #tpu.memory_space<hbm>>
      %dma_wait3A_146 = arith.constant 0 : i32
      %dma_wait3A_147 = arith.constant 0 : i32
      %dma_wait3A_148 = tpu.memref_slice %arg4[%add3A, %dma_wait3A_146, %dma_wait3A_147] : memref<32x106x96xi32, #tpu.memory_space<hbm>> -> memref<1x106x96xi32, #tpu.memory_space<hbm>>
      %dma_wait3A_149 = tpu.memref_squeeze %dma_wait3A_148 : memref<1x106x96xi32, #tpu.memory_space<hbm>> -> memref<106x96xi32, #tpu.memory_space<hbm>>
      tpu.wait_dma2 semaphore(%run_scoped3A : memref<!tpu.dma_semaphore, #tpu.memory_space<semaphore_mem>>) src(%dma_wait3A_149 : memref<106x96xi32, #tpu.memory_space<hbm>>) dst(%arg8 : memref<106x96xi32, #tpu.memory_space<vmem>>)
      tpu.yield
    }) : () -> ()
    %barrier3A = arith.constant 0 : index
    tpu.barrier barrier_id(%barrier3A)
    %dma_start3A = arith.constant 0 : i32
    %dma_start3A_54 = arith.constant 0 : i32
    %dma_start3A_55 = arith.constant 0 : i32
    %dma_start3A_56 = tpu.memref_slice %arg9[%dma_start3A, %dma_start3A_54, %dma_start3A_55] : memref<2x96x128xf32, #tpu.memory_space<vmem>> -> memref<1x96x128xf32, #tpu.memory_space<vmem>>
    %dma_start3A_57 = tpu.memref_squeeze %dma_start3A_56 : memref<1x96x128xf32, #tpu.memory_space<vmem>> -> memref<96x128xf32, #tpu.memory_space<vmem>>
    %dma_start3A_58 = arith.constant 0 : i32
    %dma_start3A_59 = tpu.memref_slice %arg7[%dma_start3A_58] : memref<10176xi32, #tpu.memory_space<vmem>> -> memref<96xi32, #tpu.memory_space<vmem>>
    %dma_start3A_60 = arith.constant 0 : i32
    %dma_start3A_61 = arith.constant 0 : i32
    %dma_start3A_62 = tpu.memref_slice %arg2[%dma_start3A_60, %dma_start3A_61] : memref<10000x128xf32, #tpu.memory_space<hbm>> -> memref<10000x128xf32, #tpu.memory_space<hbm>>
    tpu.enqueue_indirect_dma source(%dma_start3A_62 : memref<10000x128xf32, #tpu.memory_space<hbm>>) target(%dma_start3A_57 : memref<96x128xf32, #tpu.memory_space<vmem>>) offsets(%dma_start3A_59 : memref<96xi32, #tpu.memory_space<vmem>>) semaphore(%arg11 : memref<!tpu.dma_semaphore, #tpu.memory_space<semaphore_mem>>)
    %dma_start3A_63 = arith.constant 1 : i32
    %dma_start3A_64 = arith.constant 0 : i32
    %dma_start3A_65 = arith.constant 0 : i32
    %dma_start3A_66 = tpu.memref_slice %arg9[%dma_start3A_63, %dma_start3A_64, %dma_start3A_65] : memref<2x96x128xf32, #tpu.memory_space<vmem>> -> memref<1x96x128xf32, #tpu.memory_space<vmem>>
    %dma_start3A_67 = tpu.memref_squeeze %dma_start3A_66 : memref<1x96x128xf32, #tpu.memory_space<vmem>> -> memref<96x128xf32, #tpu.memory_space<vmem>>
    %dma_start3A_68 = arith.constant 96 : i32
    %dma_start3A_69 = tpu.memref_slice %arg7[%dma_start3A_68] : memref<10176xi32, #tpu.memory_space<vmem>> -> memref<96xi32, #tpu.memory_space<vmem>>
    %dma_start3A_70 = arith.constant 0 : i32
    %dma_start3A_71 = arith.constant 0 : i32
    %dma_start3A_72 = tpu.memref_slice %arg2[%dma_start3A_70, %dma_start3A_71] : memref<10000x128xf32, #tpu.memory_space<hbm>> -> memref<10000x128xf32, #tpu.memory_space<hbm>>
    tpu.enqueue_indirect_dma source(%dma_start3A_72 : memref<10000x128xf32, #tpu.memory_space<hbm>>) target(%dma_start3A_67 : memref<96x128xf32, #tpu.memory_space<vmem>>) offsets(%dma_start3A_69 : memref<96xi32, #tpu.memory_space<vmem>>) semaphore(%arg12 : memref<!tpu.dma_semaphore, #tpu.memory_space<semaphore_mem>>)
    %scan3A = arith.constant 0 : i32
    %scan3A_73 = arith.constant 0 : i32
    %scan3A_74 = arith.constant 53 : i32
    %scan3A_75 = arith.addi %scan3A_73, %scan3A_74 : i32
    %scan3A_76 = arith.constant 1 : i32
    scf.for %scan3A_135 = %scan3A_73 to %scan3A_75 step %scan3A_76  : i32 {
      %mul3A_136 = arith.constant 2 : i32
      %mul3A_137 = arith.muli %scan3A_135, %mul3A_136 : i32
      %add3A_138 = arith.constant 0 : i32
      %add3A_139 = arith.addi %mul3A_137, %add3A_138 : i32
      %mul3A_140 = arith.constant 96 : i32
      %mul3A_141 = arith.muli %add3A_139, %mul3A_140 : i32
      %dma_wait3A = arith.constant 0 : i32
      %dma_wait3A_142 = arith.constant 0 : i32
      %dma_wait3A_143 = arith.constant 0 : i32
      %dma_wait3A_144 = tpu.memref_slice %arg9[%dma_wait3A, %dma_wait3A_142, %dma_wait3A_143] : memref<2x96x128xf32, #tpu.memory_space<vmem>> -> memref<1x96x128xf32, #tpu.memory_space<vmem>>
      %dma_wait3A_145 = tpu.memref_squeeze %dma_wait3A_144 : memref<1x96x128xf32, #tpu.memory_space<vmem>> -> memref<96x128xf32, #tpu.memory_space<vmem>>
      %dma_wait3A_146 = tpu.memref_slice %arg7[%mul3A_141] : memref<10176xi32, #tpu.memory_space<vmem>> -> memref<96xi32, #tpu.memory_space<vmem>>
      %dma_wait3A_147 = arith.constant 0 : i32
      %dma_wait3A_148 = arith.constant 0 : i32
      %dma_wait3A_149 = tpu.memref_slice %arg2[%dma_wait3A_147, %dma_wait3A_148] : memref<10000x128xf32, #tpu.memory_space<hbm>> -> memref<10000x128xf32, #tpu.memory_space<hbm>>
      tpu.wait_indirect_dma semaphore(%arg11 : memref<!tpu.dma_semaphore, #tpu.memory_space<semaphore_mem>>) src(%dma_wait3A_149 : memref<10000x128xf32, #tpu.memory_space<hbm>>) dst(%dma_wait3A_145 : memref<96x128xf32, #tpu.memory_space<vmem>>)
      %run_scoped3A = arith.constant 0 : i32
      "tpu.region"() ({
        %run_scoped3A_178 = tpu.sem_alloc : memref<!tpu.dma_semaphore, #tpu.memory_space<semaphore_mem>>
        %dma_start3A_179 = arith.constant 0 : i32
        %dma_start3A_180 = arith.constant 0 : i32
        %dma_start3A_181 = tpu.memref_slice %arg9[%run_scoped3A, %dma_start3A_179, %dma_start3A_180] : memref<2x96x128xf32, #tpu.memory_space<vmem>> -> memref<1x96x128xf32, #tpu.memory_space<vmem>>
        %dma_start3A_182 = tpu.memref_squeeze %dma_start3A_181 : memref<1x96x128xf32, #tpu.memory_space<vmem>> -> memref<96x128xf32, #tpu.memory_space<vmem>>
        %dma_start3A_183 = arith.constant 0 : i32
        %dma_start3A_184 = tpu.memref_slice %arg8[%add3A_139, %dma_start3A_183] : memref<106x96xi32, #tpu.memory_space<vmem>> -> memref<1x96xi32, #tpu.memory_space<vmem>>
        %dma_start3A_185 = tpu.memref_squeeze %dma_start3A_184 : memref<1x96xi32, #tpu.memory_space<vmem>> -> memref<96xi32, #tpu.memory_space<vmem>>
        %dma_start3A_186 = arith.constant 0 : i32
        %dma_start3A_187 = arith.constant 0 : i32
        %dma_start3A_188 = tpu.memref_slice %arg10[%dma_start3A_186, %dma_start3A_187] : memref<10008x128xf32, #tpu.memory_space<vmem_shared>> -> memref<10008x128xf32, #tpu.memory_space<vmem_shared>>
        tpu.enqueue_indirect_dma source(%dma_start3A_182 : memref<96x128xf32, #tpu.memory_space<vmem>>) target(%dma_start3A_188 : memref<10008x128xf32, #tpu.memory_space<vmem_shared>>) offsets(%dma_start3A_185 : memref<96xi32, #tpu.memory_space<vmem>>) semaphore(%run_scoped3A_178 : memref<!tpu.dma_semaphore, #tpu.memory_space<semaphore_mem>>) {add = true}
        %dma_wait3A_189 = arith.constant 0 : i32
        %dma_wait3A_190 = arith.constant 0 : i32
        %dma_wait3A_191 = tpu.memref_slice %arg9[%run_scoped3A, %dma_wait3A_189, %dma_wait3A_190] : memref<2x96x128xf32, #tpu.memory_space<vmem>> -> memref<1x96x128xf32, #tpu.memory_space<vmem>>
        %dma_wait3A_192 = tpu.memref_squeeze %dma_wait3A_191 : memref<1x96x128xf32, #tpu.memory_space<vmem>> -> memref<96x128xf32, #tpu.memory_space<vmem>>
        %dma_wait3A_193 = arith.constant 0 : i32
        %dma_wait3A_194 = tpu.memref_slice %arg8[%add3A_139, %dma_wait3A_193] : memref<106x96xi32, #tpu.memory_space<vmem>> -> memref<1x96xi32, #tpu.memory_space<vmem>>
        %dma_wait3A_195 = tpu.memref_squeeze %dma_wait3A_194 : memref<1x96xi32, #tpu.memory_space<vmem>> -> memref<96xi32, #tpu.memory_space<vmem>>
        %dma_wait3A_196 = arith.constant 0 : i32
        %dma_wait3A_197 = arith.constant 0 : i32
        %dma_wait3A_198 = tpu.memref_slice %arg10[%dma_wait3A_196, %dma_wait3A_197] : memref<10008x128xf32, #tpu.memory_space<vmem_shared>> -> memref<10008x128xf32, #tpu.memory_space<vmem_shared>>
        tpu.wait_indirect_dma semaphore(%run_scoped3A_178 : memref<!tpu.dma_semaphore, #tpu.memory_space<semaphore_mem>>) src(%dma_wait3A_192 : memref<96x128xf32, #tpu.memory_space<vmem>>) dst(%dma_wait3A_198 : memref<10008x128xf32, #tpu.memory_space<vmem_shared>>)
        tpu.yield
      }) : () -> ()
      %add3A_150 = arith.constant 2 : i32
      %add3A_151 = arith.addi %add3A_139, %add3A_150 : i32
      %lt3A_152 = arith.constant 106 : i32
      %lt3A_153 = arith.cmpi slt, %add3A_151, %lt3A_152 : i32
      %convert_element_type3A_154 = arith.extui %lt3A_153 : i1 to i32
      %cond3A_155 = arith.constant 0 : i32
      %cond3A_156 = arith.cmpi ne, %convert_element_type3A_154, %cond3A_155 : i32
      scf.if %cond3A_156 {
        %add3A_178 = arith.constant 2 : i32
        %add3A_179 = arith.addi %add3A_139, %add3A_178 : i32
        %mul3A_180 = arith.constant 96 : i32
        %mul3A_181 = arith.muli %add3A_179, %mul3A_180 : i32
        %dma_start3A_182 = arith.constant 0 : i32
        %dma_start3A_183 = arith.constant 0 : i32
        %dma_start3A_184 = arith.constant 0 : i32
        %dma_start3A_185 = tpu.memref_slice %arg9[%dma_start3A_182, %dma_start3A_183, %dma_start3A_184] : memref<2x96x128xf32, #tpu.memory_space<vmem>> -> memref<1x96x128xf32, #tpu.memory_space<vmem>>
        %dma_start3A_186 = tpu.memref_squeeze %dma_start3A_185 : memref<1x96x128xf32, #tpu.memory_space<vmem>> -> memref<96x128xf32, #tpu.memory_space<vmem>>
        %dma_start3A_187 = tpu.memref_slice %arg7[%mul3A_181] : memref<10176xi32, #tpu.memory_space<vmem>> -> memref<96xi32, #tpu.memory_space<vmem>>
        %dma_start3A_188 = arith.constant 0 : i32
        %dma_start3A_189 = arith.constant 0 : i32
        %dma_start3A_190 = tpu.memref_slice %arg2[%dma_start3A_188, %dma_start3A_189] : memref<10000x128xf32, #tpu.memory_space<hbm>> -> memref<10000x128xf32, #tpu.memory_space<hbm>>
        tpu.enqueue_indirect_dma source(%dma_start3A_190 : memref<10000x128xf32, #tpu.memory_space<hbm>>) target(%dma_start3A_186 : memref<96x128xf32, #tpu.memory_space<vmem>>) offsets(%dma_start3A_187 : memref<96xi32, #tpu.memory_space<vmem>>) semaphore(%arg11 : memref<!tpu.dma_semaphore, #tpu.memory_space<semaphore_mem>>)
      } else {
      }
      %add3A_157 = arith.constant 1 : i32
      %add3A_158 = arith.addi %mul3A_137, %add3A_157 : i32
      %mul3A_159 = arith.constant 96 : i32
      %mul3A_160 = arith.muli %add3A_158, %mul3A_159 : i32
      %dma_wait3A_161 = arith.constant 1 : i32
      %dma_wait3A_162 = arith.constant 0 : i32
      %dma_wait3A_163 = arith.constant 0 : i32
      %dma_wait3A_164 = tpu.memref_slice %arg9[%dma_wait3A_161, %dma_wait3A_162, %dma_wait3A_163] : memref<2x96x128xf32, #tpu.memory_space<vmem>> -> memref<1x96x128xf32, #tpu.memory_space<vmem>>
      %dma_wait3A_165 = tpu.memref_squeeze %dma_wait3A_164 : memref<1x96x128xf32, #tpu.memory_space<vmem>> -> memref<96x128xf32, #tpu.memory_space<vmem>>
      %dma_wait3A_166 = tpu.memref_slice %arg7[%mul3A_160] : memref<10176xi32, #tpu.memory_space<vmem>> -> memref<96xi32, #tpu.memory_space<vmem>>
      %dma_wait3A_167 = arith.constant 0 : i32
      %dma_wait3A_168 = arith.constant 0 : i32
      %dma_wait3A_169 = tpu.memref_slice %arg2[%dma_wait3A_167, %dma_wait3A_168] : memref<10000x128xf32, #tpu.memory_space<hbm>> -> memref<10000x128xf32, #tpu.memory_space<hbm>>
      tpu.wait_indirect_dma semaphore(%arg12 : memref<!tpu.dma_semaphore, #tpu.memory_space<semaphore_mem>>) src(%dma_wait3A_169 : memref<10000x128xf32, #tpu.memory_space<hbm>>) dst(%dma_wait3A_165 : memref<96x128xf32, #tpu.memory_space<vmem>>)
      %run_scoped3A_170 = arith.constant 1 : i32
      "tpu.region"() ({
        %run_scoped3A_178 = tpu.sem_alloc : memref<!tpu.dma_semaphore, #tpu.memory_space<semaphore_mem>>
        %dma_start3A_179 = arith.constant 0 : i32
        %dma_start3A_180 = arith.constant 0 : i32
        %dma_start3A_181 = tpu.memref_slice %arg9[%run_scoped3A_170, %dma_start3A_179, %dma_start3A_180] : memref<2x96x128xf32, #tpu.memory_space<vmem>> -> memref<1x96x128xf32, #tpu.memory_space<vmem>>
        %dma_start3A_182 = tpu.memref_squeeze %dma_start3A_181 : memref<1x96x128xf32, #tpu.memory_space<vmem>> -> memref<96x128xf32, #tpu.memory_space<vmem>>
        %dma_start3A_183 = arith.constant 0 : i32
        %dma_start3A_184 = tpu.memref_slice %arg8[%add3A_158, %dma_start3A_183] : memref<106x96xi32, #tpu.memory_space<vmem>> -> memref<1x96xi32, #tpu.memory_space<vmem>>
        %dma_start3A_185 = tpu.memref_squeeze %dma_start3A_184 : memref<1x96xi32, #tpu.memory_space<vmem>> -> memref<96xi32, #tpu.memory_space<vmem>>
        %dma_start3A_186 = arith.constant 0 : i32
        %dma_start3A_187 = arith.constant 0 : i32
        %dma_start3A_188 = tpu.memref_slice %arg10[%dma_start3A_186, %dma_start3A_187] : memref<10008x128xf32, #tpu.memory_space<vmem_shared>> -> memref<10008x128xf32, #tpu.memory_space<vmem_shared>>
        tpu.enqueue_indirect_dma source(%dma_start3A_182 : memref<96x128xf32, #tpu.memory_space<vmem>>) target(%dma_start3A_188 : memref<10008x128xf32, #tpu.memory_space<vmem_shared>>) offsets(%dma_start3A_185 : memref<96xi32, #tpu.memory_space<vmem>>) semaphore(%run_scoped3A_178 : memref<!tpu.dma_semaphore, #tpu.memory_space<semaphore_mem>>) {add = true}
        %dma_wait3A_189 = arith.constant 0 : i32
        %dma_wait3A_190 = arith.constant 0 : i32
        %dma_wait3A_191 = tpu.memref_slice %arg9[%run_scoped3A_170, %dma_wait3A_189, %dma_wait3A_190] : memref<2x96x128xf32, #tpu.memory_space<vmem>> -> memref<1x96x128xf32, #tpu.memory_space<vmem>>
        %dma_wait3A_192 = tpu.memref_squeeze %dma_wait3A_191 : memref<1x96x128xf32, #tpu.memory_space<vmem>> -> memref<96x128xf32, #tpu.memory_space<vmem>>
        %dma_wait3A_193 = arith.constant 0 : i32
        %dma_wait3A_194 = tpu.memref_slice %arg8[%add3A_158, %dma_wait3A_193] : memref<106x96xi32, #tpu.memory_space<vmem>> -> memref<1x96xi32, #tpu.memory_space<vmem>>
        %dma_wait3A_195 = tpu.memref_squeeze %dma_wait3A_194 : memref<1x96xi32, #tpu.memory_space<vmem>> -> memref<96xi32, #tpu.memory_space<vmem>>
        %dma_wait3A_196 = arith.constant 0 : i32
        %dma_wait3A_197 = arith.constant 0 : i32
        %dma_wait3A_198 = tpu.memref_slice %arg10[%dma_wait3A_196, %dma_wait3A_197] : memref<10008x128xf32, #tpu.memory_space<vmem_shared>> -> memref<10008x128xf32, #tpu.memory_space<vmem_shared>>
        tpu.wait_indirect_dma semaphore(%run_scoped3A_178 : memref<!tpu.dma_semaphore, #tpu.memory_space<semaphore_mem>>) src(%dma_wait3A_192 : memref<96x128xf32, #tpu.memory_space<vmem>>) dst(%dma_wait3A_198 : memref<10008x128xf32, #tpu.memory_space<vmem_shared>>)
        tpu.yield
      }) : () -> ()
      %add3A_171 = arith.constant 2 : i32
      %add3A_172 = arith.addi %add3A_158, %add3A_171 : i32
      %lt3A_173 = arith.constant 106 : i32
      %lt3A_174 = arith.cmpi slt, %add3A_172, %lt3A_173 : i32
      %convert_element_type3A_175 = arith.extui %lt3A_174 : i1 to i32
      %cond3A_176 = arith.constant 0 : i32
      %cond3A_177 = arith.cmpi ne, %convert_element_type3A_175, %cond3A_176 : i32
      scf.if %cond3A_177 {
        %add3A_178 = arith.constant 2 : i32
        %add3A_179 = arith.addi %add3A_158, %add3A_178 : i32
        %mul3A_180 = arith.constant 96 : i32
        %mul3A_181 = arith.muli %add3A_179, %mul3A_180 : i32
        %dma_start3A_182 = arith.constant 1 : i32
        %dma_start3A_183 = arith.constant 0 : i32
        %dma_start3A_184 = arith.constant 0 : i32
        %dma_start3A_185 = tpu.memref_slice %arg9[%dma_start3A_182, %dma_start3A_183, %dma_start3A_184] : memref<2x96x128xf32, #tpu.memory_space<vmem>> -> memref<1x96x128xf32, #tpu.memory_space<vmem>>
        %dma_start3A_186 = tpu.memref_squeeze %dma_start3A_185 : memref<1x96x128xf32, #tpu.memory_space<vmem>> -> memref<96x128xf32, #tpu.memory_space<vmem>>
        %dma_start3A_187 = tpu.memref_slice %arg7[%mul3A_181] : memref<10176xi32, #tpu.memory_space<vmem>> -> memref<96xi32, #tpu.memory_space<vmem>>
        %dma_start3A_188 = arith.constant 0 : i32
        %dma_start3A_189 = arith.constant 0 : i32
        %dma_start3A_190 = tpu.memref_slice %arg2[%dma_start3A_188, %dma_start3A_189] : memref<10000x128xf32, #tpu.memory_space<hbm>> -> memref<10000x128xf32, #tpu.memory_space<hbm>>
        tpu.enqueue_indirect_dma source(%dma_start3A_190 : memref<10000x128xf32, #tpu.memory_space<hbm>>) target(%dma_start3A_186 : memref<96x128xf32, #tpu.memory_space<vmem>>) offsets(%dma_start3A_187 : memref<96xi32, #tpu.memory_space<vmem>>) semaphore(%arg12 : memref<!tpu.dma_semaphore, #tpu.memory_space<semaphore_mem>>)
      } else {
      }
    }
    %scan3A_77 = arith.constant 53 : i32
    %barrier3A_78 = arith.constant 0 : index
    tpu.barrier barrier_id(%barrier3A_78)
    %add3A_79 = arith.constant 0 : i32
    %add3A_80 = arith.addi %add3A_79, %arg1 : i32
    %lt3A_81 = arith.constant 125 : i32
    %lt3A_82 = arith.cmpi slt, %add3A_80, %lt3A_81 : i32
    %convert_element_type3A_83 = arith.extui %lt3A_82 : i1 to i32
    %cond3A_84 = arith.constant 0 : i32
    %cond3A_85 = arith.cmpi ne, %convert_element_type3A_83, %cond3A_84 : i32
    scf.if %cond3A_85 {
      %mul3A_135 = arith.constant 80 : i32
      %mul3A_136 = arith.muli %add3A_80, %mul3A_135 : i32
      %mul3A_137 = arith.constant 80 : i32
      %mul3A_138 = arith.muli %add3A_80, %mul3A_137 : i32
      "tpu.region"() ({
        %run_scoped3A = tpu.sem_alloc : memref<!tpu.dma_semaphore, #tpu.memory_space<semaphore_mem>>
        %dma_start3A_139 = arith.constant 0 : i32
        %dma_start3A_140 = tpu.memref_slice %arg6[%arg0, %mul3A_138, %dma_start3A_139] : memref<2x10000x128xf32, #tpu.memory_space<hbm>> -> memref<1x80x128xf32, #tpu.memory_space<hbm>>
        %dma_start3A_141 = tpu.memref_squeeze %dma_start3A_140 : memref<1x80x128xf32, #tpu.memory_space<hbm>> -> memref<80x128xf32, #tpu.memory_space<hbm>>
        %dma_start3A_142 = arith.constant 0 : i32
        %dma_start3A_143 = tpu.memref_slice %arg10[%mul3A_136, %dma_start3A_142] : memref<10008x128xf32, #tpu.memory_space<vmem_shared>> -> memref<80x128xf32, #tpu.memory_space<vmem_shared>>
        tpu.enqueue_dma source(%dma_start3A_143 : memref<80x128xf32, #tpu.memory_space<vmem_shared>>) target(%dma_start3A_141 : memref<80x128xf32, #tpu.memory_space<hbm>>) target_semaphore(%run_scoped3A : memref<!tpu.dma_semaphore, #tpu.memory_space<semaphore_mem>>)
        %dma_wait3A = arith.constant 0 : i32
        %dma_wait3A_144 = tpu.memref_slice %arg6[%arg0, %mul3A_138, %dma_wait3A] : memref<2x10000x128xf32, #tpu.memory_space<hbm>> -> memref<1x80x128xf32, #tpu.memory_space<hbm>>
        %dma_wait3A_145 = tpu.memref_squeeze %dma_wait3A_144 : memref<1x80x128xf32, #tpu.memory_space<hbm>> -> memref<80x128xf32, #tpu.memory_space<hbm>>
        %dma_wait3A_146 = arith.constant 0 : i32
        %dma_wait3A_147 = tpu.memref_slice %arg10[%mul3A_136, %dma_wait3A_146] : memref<10008x128xf32, #tpu.memory_space<vmem_shared>> -> memref<80x128xf32, #tpu.memory_space<vmem_shared>>
        tpu.wait_dma2 semaphore(%run_scoped3A : memref<!tpu.dma_semaphore, #tpu.memory_space<semaphore_mem>>) src(%dma_wait3A_147 : memref<80x128xf32, #tpu.memory_space<vmem_shared>>) dst(%dma_wait3A_145 : memref<80x128xf32, #tpu.memory_space<hbm>>)
        tpu.yield
      }) : () -> ()
    } else {
    }
    %add3A_86 = arith.constant 16 : i32
    %add3A_87 = arith.addi %add3A_86, %arg1 : i32
    %lt3A_88 = arith.constant 125 : i32
    %lt3A_89 = arith.cmpi slt, %add3A_87, %lt3A_88 : i32
    %convert_element_type3A_90 = arith.extui %lt3A_89 : i1 to i32
    %cond3A_91 = arith.constant 0 : i32
    %cond3A_92 = arith.cmpi ne, %convert_element_type3A_90, %cond3A_91 : i32
    scf.if %cond3A_92 {
      %mul3A_135 = arith.constant 80 : i32
      %mul3A_136 = arith.muli %add3A_87, %mul3A_135 : i32
      %mul3A_137 = arith.constant 80 : i32
      %mul3A_138 = arith.muli %add3A_87, %mul3A_137 : i32
      "tpu.region"() ({
        %run_scoped3A = tpu.sem_alloc : memref<!tpu.dma_semaphore, #tpu.memory_space<semaphore_mem>>
        %dma_start3A_139 = arith.constant 0 : i32
        %dma_start3A_140 = tpu.memref_slice %arg6[%arg0, %mul3A_138, %dma_start3A_139] : memref<2x10000x128xf32, #tpu.memory_space<hbm>> -> memref<1x80x128xf32, #tpu.memory_space<hbm>>
        %dma_start3A_141 = tpu.memref_squeeze %dma_start3A_140 : memref<1x80x128xf32, #tpu.memory_space<hbm>> -> memref<80x128xf32, #tpu.memory_space<hbm>>
        %dma_start3A_142 = arith.constant 0 : i32
        %dma_start3A_143 = tpu.memref_slice %arg10[%mul3A_136, %dma_start3A_142] : memref<10008x128xf32, #tpu.memory_space<vmem_shared>> -> memref<80x128xf32, #tpu.memory_space<vmem_shared>>
        tpu.enqueue_dma source(%dma_start3A_143 : memref<80x128xf32, #tpu.memory_space<vmem_shared>>) target(%dma_start3A_141 : memref<80x128xf32, #tpu.memory_space<hbm>>) target_semaphore(%run_scoped3A : memref<!tpu.dma_semaphore, #tpu.memory_space<semaphore_mem>>)
        %dma_wait3A = arith.constant 0 : i32
        %dma_wait3A_144 = tpu.memref_slice %arg6[%arg0, %mul3A_138, %dma_wait3A] : memref<2x10000x128xf32, #tpu.memory_space<hbm>> -> memref<1x80x128xf32, #tpu.memory_space<hbm>>
        %dma_wait3A_145 = tpu.memref_squeeze %dma_wait3A_144 : memref<1x80x128xf32, #tpu.memory_space<hbm>> -> memref<80x128xf32, #tpu.memory_space<hbm>>
        %dma_wait3A_146 = arith.constant 0 : i32
        %dma_wait3A_147 = tpu.memref_slice %arg10[%mul3A_136, %dma_wait3A_146] : memref<10008x128xf32, #tpu.memory_space<vmem_shared>> -> memref<80x128xf32, #tpu.memory_space<vmem_shared>>
        tpu.wait_dma2 semaphore(%run_scoped3A : memref<!tpu.dma_semaphore, #tpu.memory_space<semaphore_mem>>) src(%dma_wait3A_147 : memref<80x128xf32, #tpu.memory_space<vmem_shared>>) dst(%dma_wait3A_145 : memref<80x128xf32, #tpu.memory_space<hbm>>)
        tpu.yield
      }) : () -> ()
    } else {
    }
    %add3A_93 = arith.constant 32 : i32
    %add3A_94 = arith.addi %add3A_93, %arg1 : i32
    %lt3A_95 = arith.constant 125 : i32
    %lt3A_96 = arith.cmpi slt, %add3A_94, %lt3A_95 : i32
    %convert_element_type3A_97 = arith.extui %lt3A_96 : i1 to i32
    %cond3A_98 = arith.constant 0 : i32
    %cond3A_99 = arith.cmpi ne, %convert_element_type3A_97, %cond3A_98 : i32
    scf.if %cond3A_99 {
      %mul3A_135 = arith.constant 80 : i32
      %mul3A_136 = arith.muli %add3A_94, %mul3A_135 : i32
      %mul3A_137 = arith.constant 80 : i32
      %mul3A_138 = arith.muli %add3A_94, %mul3A_137 : i32
      "tpu.region"() ({
        %run_scoped3A = tpu.sem_alloc : memref<!tpu.dma_semaphore, #tpu.memory_space<semaphore_mem>>
        %dma_start3A_139 = arith.constant 0 : i32
        %dma_start3A_140 = tpu.memref_slice %arg6[%arg0, %mul3A_138, %dma_start3A_139] : memref<2x10000x128xf32, #tpu.memory_space<hbm>> -> memref<1x80x128xf32, #tpu.memory_space<hbm>>
        %dma_start3A_141 = tpu.memref_squeeze %dma_start3A_140 : memref<1x80x128xf32, #tpu.memory_space<hbm>> -> memref<80x128xf32, #tpu.memory_space<hbm>>
        %dma_start3A_142 = arith.constant 0 : i32
        %dma_start3A_143 = tpu.memref_slice %arg10[%mul3A_136, %dma_start3A_142] : memref<10008x128xf32, #tpu.memory_space<vmem_shared>> -> memref<80x128xf32, #tpu.memory_space<vmem_shared>>
        tpu.enqueue_dma source(%dma_start3A_143 : memref<80x128xf32, #tpu.memory_space<vmem_shared>>) target(%dma_start3A_141 : memref<80x128xf32, #tpu.memory_space<hbm>>) target_semaphore(%run_scoped3A : memref<!tpu.dma_semaphore, #tpu.memory_space<semaphore_mem>>)
        %dma_wait3A = arith.constant 0 : i32
        %dma_wait3A_144 = tpu.memref_slice %arg6[%arg0, %mul3A_138, %dma_wait3A] : memref<2x10000x128xf32, #tpu.memory_space<hbm>> -> memref<1x80x128xf32, #tpu.memory_space<hbm>>
        %dma_wait3A_145 = tpu.memref_squeeze %dma_wait3A_144 : memref<1x80x128xf32, #tpu.memory_space<hbm>> -> memref<80x128xf32, #tpu.memory_space<hbm>>
        %dma_wait3A_146 = arith.constant 0 : i32
        %dma_wait3A_147 = tpu.memref_slice %arg10[%mul3A_136, %dma_wait3A_146] : memref<10008x128xf32, #tpu.memory_space<vmem_shared>> -> memref<80x128xf32, #tpu.memory_space<vmem_shared>>
        tpu.wait_dma2 semaphore(%run_scoped3A : memref<!tpu.dma_semaphore, #tpu.memory_space<semaphore_mem>>) src(%dma_wait3A_147 : memref<80x128xf32, #tpu.memory_space<vmem_shared>>) dst(%dma_wait3A_145 : memref<80x128xf32, #tpu.memory_space<hbm>>)
        tpu.yield
      }) : () -> ()
    } else {
    }
    %add3A_100 = arith.constant 48 : i32
    %add3A_101 = arith.addi %add3A_100, %arg1 : i32
    %lt3A_102 = arith.constant 125 : i32
    %lt3A_103 = arith.cmpi slt, %add3A_101, %lt3A_102 : i32
    %convert_element_type3A_104 = arith.extui %lt3A_103 : i1 to i32
    %cond3A_105 = arith.constant 0 : i32
    %cond3A_106 = arith.cmpi ne, %convert_element_type3A_104, %cond3A_105 : i32
    scf.if %cond3A_106 {
      %mul3A_135 = arith.constant 80 : i32
      %mul3A_136 = arith.muli %add3A_101, %mul3A_135 : i32
      %mul3A_137 = arith.constant 80 : i32
      %mul3A_138 = arith.muli %add3A_101, %mul3A_137 : i32
      "tpu.region"() ({
        %run_scoped3A = tpu.sem_alloc : memref<!tpu.dma_semaphore, #tpu.memory_space<semaphore_mem>>
        %dma_start3A_139 = arith.constant 0 : i32
        %dma_start3A_140 = tpu.memref_slice %arg6[%arg0, %mul3A_138, %dma_start3A_139] : memref<2x10000x128xf32, #tpu.memory_space<hbm>> -> memref<1x80x128xf32, #tpu.memory_space<hbm>>
        %dma_start3A_141 = tpu.memref_squeeze %dma_start3A_140 : memref<1x80x128xf32, #tpu.memory_space<hbm>> -> memref<80x128xf32, #tpu.memory_space<hbm>>
        %dma_start3A_142 = arith.constant 0 : i32
        %dma_start3A_143 = tpu.memref_slice %arg10[%mul3A_136, %dma_start3A_142] : memref<10008x128xf32, #tpu.memory_space<vmem_shared>> -> memref<80x128xf32, #tpu.memory_space<vmem_shared>>
        tpu.enqueue_dma source(%dma_start3A_143 : memref<80x128xf32, #tpu.memory_space<vmem_shared>>) target(%dma_start3A_141 : memref<80x128xf32, #tpu.memory_space<hbm>>) target_semaphore(%run_scoped3A : memref<!tpu.dma_semaphore, #tpu.memory_space<semaphore_mem>>)
        %dma_wait3A = arith.constant 0 : i32
        %dma_wait3A_144 = tpu.memref_slice %arg6[%arg0, %mul3A_138, %dma_wait3A] : memref<2x10000x128xf32, #tpu.memory_space<hbm>> -> memref<1x80x128xf32, #tpu.memory_space<hbm>>
        %dma_wait3A_145 = tpu.memref_squeeze %dma_wait3A_144 : memref<1x80x128xf32, #tpu.memory_space<hbm>> -> memref<80x128xf32, #tpu.memory_space<hbm>>
        %dma_wait3A_146 = arith.constant 0 : i32
        %dma_wait3A_147 = tpu.memref_slice %arg10[%mul3A_136, %dma_wait3A_146] : memref<10008x128xf32, #tpu.memory_space<vmem_shared>> -> memref<80x128xf32, #tpu.memory_space<vmem_shared>>
        tpu.wait_dma2 semaphore(%run_scoped3A : memref<!tpu.dma_semaphore, #tpu.memory_space<semaphore_mem>>) src(%dma_wait3A_147 : memref<80x128xf32, #tpu.memory_space<vmem_shared>>) dst(%dma_wait3A_145 : memref<80x128xf32, #tpu.memory_space<hbm>>)
        tpu.yield
      }) : () -> ()
    } else {
    }
    %add3A_107 = arith.constant 64 : i32
    %add3A_108 = arith.addi %add3A_107, %arg1 : i32
    %lt3A_109 = arith.constant 125 : i32
    %lt3A_110 = arith.cmpi slt, %add3A_108, %lt3A_109 : i32
    %convert_element_type3A_111 = arith.extui %lt3A_110 : i1 to i32
    %cond3A_112 = arith.constant 0 : i32
    %cond3A_113 = arith.cmpi ne, %convert_element_type3A_111, %cond3A_112 : i32
    scf.if %cond3A_113 {
      %mul3A_135 = arith.constant 80 : i32
      %mul3A_136 = arith.muli %add3A_108, %mul3A_135 : i32
      %mul3A_137 = arith.constant 80 : i32
      %mul3A_138 = arith.muli %add3A_108, %mul3A_137 : i32
      "tpu.region"() ({
        %run_scoped3A = tpu.sem_alloc : memref<!tpu.dma_semaphore, #tpu.memory_space<semaphore_mem>>
        %dma_start3A_139 = arith.constant 0 : i32
        %dma_start3A_140 = tpu.memref_slice %arg6[%arg0, %mul3A_138, %dma_start3A_139] : memref<2x10000x128xf32, #tpu.memory_space<hbm>> -> memref<1x80x128xf32, #tpu.memory_space<hbm>>
        %dma_start3A_141 = tpu.memref_squeeze %dma_start3A_140 : memref<1x80x128xf32, #tpu.memory_space<hbm>> -> memref<80x128xf32, #tpu.memory_space<hbm>>
        %dma_start3A_142 = arith.constant 0 : i32
        %dma_start3A_143 = tpu.memref_slice %arg10[%mul3A_136, %dma_start3A_142] : memref<10008x128xf32, #tpu.memory_space<vmem_shared>> -> memref<80x128xf32, #tpu.memory_space<vmem_shared>>
        tpu.enqueue_dma source(%dma_start3A_143 : memref<80x128xf32, #tpu.memory_space<vmem_shared>>) target(%dma_start3A_141 : memref<80x128xf32, #tpu.memory_space<hbm>>) target_semaphore(%run_scoped3A : memref<!tpu.dma_semaphore, #tpu.memory_space<semaphore_mem>>)
        %dma_wait3A = arith.constant 0 : i32
        %dma_wait3A_144 = tpu.memref_slice %arg6[%arg0, %mul3A_138, %dma_wait3A] : memref<2x10000x128xf32, #tpu.memory_space<hbm>> -> memref<1x80x128xf32, #tpu.memory_space<hbm>>
        %dma_wait3A_145 = tpu.memref_squeeze %dma_wait3A_144 : memref<1x80x128xf32, #tpu.memory_space<hbm>> -> memref<80x128xf32, #tpu.memory_space<hbm>>
        %dma_wait3A_146 = arith.constant 0 : i32
        %dma_wait3A_147 = tpu.memref_slice %arg10[%mul3A_136, %dma_wait3A_146] : memref<10008x128xf32, #tpu.memory_space<vmem_shared>> -> memref<80x128xf32, #tpu.memory_space<vmem_shared>>
        tpu.wait_dma2 semaphore(%run_scoped3A : memref<!tpu.dma_semaphore, #tpu.memory_space<semaphore_mem>>) src(%dma_wait3A_147 : memref<80x128xf32, #tpu.memory_space<vmem_shared>>) dst(%dma_wait3A_145 : memref<80x128xf32, #tpu.memory_space<hbm>>)
        tpu.yield
      }) : () -> ()
    } else {
    }
    %add3A_114 = arith.constant 80 : i32
    %add3A_115 = arith.addi %add3A_114, %arg1 : i32
    %lt3A_116 = arith.constant 125 : i32
    %lt3A_117 = arith.cmpi slt, %add3A_115, %lt3A_116 : i32
    %convert_element_type3A_118 = arith.extui %lt3A_117 : i1 to i32
    %cond3A_119 = arith.constant 0 : i32
    %cond3A_120 = arith.cmpi ne, %convert_element_type3A_118, %cond3A_119 : i32
    scf.if %cond3A_120 {
      %mul3A_135 = arith.constant 80 : i32
      %mul3A_136 = arith.muli %add3A_115, %mul3A_135 : i32
      %mul3A_137 = arith.constant 80 : i32
      %mul3A_138 = arith.muli %add3A_115, %mul3A_137 : i32
      "tpu.region"() ({
        %run_scoped3A = tpu.sem_alloc : memref<!tpu.dma_semaphore, #tpu.memory_space<semaphore_mem>>
        %dma_start3A_139 = arith.constant 0 : i32
        %dma_start3A_140 = tpu.memref_slice %arg6[%arg0, %mul3A_138, %dma_start3A_139] : memref<2x10000x128xf32, #tpu.memory_space<hbm>> -> memref<1x80x128xf32, #tpu.memory_space<hbm>>
        %dma_start3A_141 = tpu.memref_squeeze %dma_start3A_140 : memref<1x80x128xf32, #tpu.memory_space<hbm>> -> memref<80x128xf32, #tpu.memory_space<hbm>>
        %dma_start3A_142 = arith.constant 0 : i32
        %dma_start3A_143 = tpu.memref_slice %arg10[%mul3A_136, %dma_start3A_142] : memref<10008x128xf32, #tpu.memory_space<vmem_shared>> -> memref<80x128xf32, #tpu.memory_space<vmem_shared>>
        tpu.enqueue_dma source(%dma_start3A_143 : memref<80x128xf32, #tpu.memory_space<vmem_shared>>) target(%dma_start3A_141 : memref<80x128xf32, #tpu.memory_space<hbm>>) target_semaphore(%run_scoped3A : memref<!tpu.dma_semaphore, #tpu.memory_space<semaphore_mem>>)
        %dma_wait3A = arith.constant 0 : i32
        %dma_wait3A_144 = tpu.memref_slice %arg6[%arg0, %mul3A_138, %dma_wait3A] : memref<2x10000x128xf32, #tpu.memory_space<hbm>> -> memref<1x80x128xf32, #tpu.memory_space<hbm>>
        %dma_wait3A_145 = tpu.memref_squeeze %dma_wait3A_144 : memref<1x80x128xf32, #tpu.memory_space<hbm>> -> memref<80x128xf32, #tpu.memory_space<hbm>>
        %dma_wait3A_146 = arith.constant 0 : i32
        %dma_wait3A_147 = tpu.memref_slice %arg10[%mul3A_136, %dma_wait3A_146] : memref<10008x128xf32, #tpu.memory_space<vmem_shared>> -> memref<80x128xf32, #tpu.memory_space<vmem_shared>>
        tpu.wait_dma2 semaphore(%run_scoped3A : memref<!tpu.dma_semaphore, #tpu.memory_space<semaphore_mem>>) src(%dma_wait3A_147 : memref<80x128xf32, #tpu.memory_space<vmem_shared>>) dst(%dma_wait3A_145 : memref<80x128xf32, #tpu.memory_space<hbm>>)
        tpu.yield
      }) : () -> ()
    } else {
    }
    %add3A_121 = arith.constant 96 : i32
    %add3A_122 = arith.addi %add3A_121, %arg1 : i32
    %lt3A_123 = arith.constant 125 : i32
    %lt3A_124 = arith.cmpi slt, %add3A_122, %lt3A_123 : i32
    %convert_element_type3A_125 = arith.extui %lt3A_124 : i1 to i32
    %cond3A_126 = arith.constant 0 : i32
    %cond3A_127 = arith.cmpi ne, %convert_element_type3A_125, %cond3A_126 : i32
    scf.if %cond3A_127 {
      %mul3A_135 = arith.constant 80 : i32
      %mul3A_136 = arith.muli %add3A_122, %mul3A_135 : i32
      %mul3A_137 = arith.constant 80 : i32
      %mul3A_138 = arith.muli %add3A_122, %mul3A_137 : i32
      "tpu.region"() ({
        %run_scoped3A = tpu.sem_alloc : memref<!tpu.dma_semaphore, #tpu.memory_space<semaphore_mem>>
        %dma_start3A_139 = arith.constant 0 : i32
        %dma_start3A_140 = tpu.memref_slice %arg6[%arg0, %mul3A_138, %dma_start3A_139] : memref<2x10000x128xf32, #tpu.memory_space<hbm>> -> memref<1x80x128xf32, #tpu.memory_space<hbm>>
        %dma_start3A_141 = tpu.memref_squeeze %dma_start3A_140 : memref<1x80x128xf32, #tpu.memory_space<hbm>> -> memref<80x128xf32, #tpu.memory_space<hbm>>
        %dma_start3A_142 = arith.constant 0 : i32
        %dma_start3A_143 = tpu.memref_slice %arg10[%mul3A_136, %dma_start3A_142] : memref<10008x128xf32, #tpu.memory_space<vmem_shared>> -> memref<80x128xf32, #tpu.memory_space<vmem_shared>>
        tpu.enqueue_dma source(%dma_start3A_143 : memref<80x128xf32, #tpu.memory_space<vmem_shared>>) target(%dma_start3A_141 : memref<80x128xf32, #tpu.memory_space<hbm>>) target_semaphore(%run_scoped3A : memref<!tpu.dma_semaphore, #tpu.memory_space<semaphore_mem>>)
        %dma_wait3A = arith.constant 0 : i32
        %dma_wait3A_144 = tpu.memref_slice %arg6[%arg0, %mul3A_138, %dma_wait3A] : memref<2x10000x128xf32, #tpu.memory_space<hbm>> -> memref<1x80x128xf32, #tpu.memory_space<hbm>>
        %dma_wait3A_145 = tpu.memref_squeeze %dma_wait3A_144 : memref<1x80x128xf32, #tpu.memory_space<hbm>> -> memref<80x128xf32, #tpu.memory_space<hbm>>
        %dma_wait3A_146 = arith.constant 0 : i32
        %dma_wait3A_147 = tpu.memref_slice %arg10[%mul3A_136, %dma_wait3A_146] : memref<10008x128xf32, #tpu.memory_space<vmem_shared>> -> memref<80x128xf32, #tpu.memory_space<vmem_shared>>
        tpu.wait_dma2 semaphore(%run_scoped3A : memref<!tpu.dma_semaphore, #tpu.memory_space<semaphore_mem>>) src(%dma_wait3A_147 : memref<80x128xf32, #tpu.memory_space<vmem_shared>>) dst(%dma_wait3A_145 : memref<80x128xf32, #tpu.memory_space<hbm>>)
        tpu.yield
      }) : () -> ()
    } else {
    }
    %add3A_128 = arith.constant 112 : i32
    %add3A_129 = arith.addi %add3A_128, %arg1 : i32
    %lt3A_130 = arith.constant 125 : i32
    %lt3A_131 = arith.cmpi slt, %add3A_129, %lt3A_130 : i32
    %convert_element_type3A_132 = arith.extui %lt3A_131 : i1 to i32
    %cond3A_133 = arith.constant 0 : i32
    %cond3A_134 = arith.cmpi ne, %convert_element_type3A_132, %cond3A_133 : i32
    scf.if %cond3A_134 {
      %mul3A_135 = arith.constant 80 : i32
      %mul3A_136 = arith.muli %add3A_129, %mul3A_135 : i32
      %mul3A_137 = arith.constant 80 : i32
      %mul3A_138 = arith.muli %add3A_129, %mul3A_137 : i32
      "tpu.region"() ({
        %run_scoped3A = tpu.sem_alloc : memref<!tpu.dma_semaphore, #tpu.memory_space<semaphore_mem>>
        %dma_start3A_139 = arith.constant 0 : i32
        %dma_start3A_140 = tpu.memref_slice %arg6[%arg0, %mul3A_138, %dma_start3A_139] : memref<2x10000x128xf32, #tpu.memory_space<hbm>> -> memref<1x80x128xf32, #tpu.memory_space<hbm>>
        %dma_start3A_141 = tpu.memref_squeeze %dma_start3A_140 : memref<1x80x128xf32, #tpu.memory_space<hbm>> -> memref<80x128xf32, #tpu.memory_space<hbm>>
        %dma_start3A_142 = arith.constant 0 : i32
        %dma_start3A_143 = tpu.memref_slice %arg10[%mul3A_136, %dma_start3A_142] : memref<10008x128xf32, #tpu.memory_space<vmem_shared>> -> memref<80x128xf32, #tpu.memory_space<vmem_shared>>
        tpu.enqueue_dma source(%dma_start3A_143 : memref<80x128xf32, #tpu.memory_space<vmem_shared>>) target(%dma_start3A_141 : memref<80x128xf32, #tpu.memory_space<hbm>>) target_semaphore(%run_scoped3A : memref<!tpu.dma_semaphore, #tpu.memory_space<semaphore_mem>>)
        %dma_wait3A = arith.constant 0 : i32
        %dma_wait3A_144 = tpu.memref_slice %arg6[%arg0, %mul3A_138, %dma_wait3A] : memref<2x10000x128xf32, #tpu.memory_space<hbm>> -> memref<1x80x128xf32, #tpu.memory_space<hbm>>
        %dma_wait3A_145 = tpu.memref_squeeze %dma_wait3A_144 : memref<1x80x128xf32, #tpu.memory_space<hbm>> -> memref<80x128xf32, #tpu.memory_space<hbm>>
        %dma_wait3A_146 = arith.constant 0 : i32
        %dma_wait3A_147 = tpu.memref_slice %arg10[%mul3A_136, %dma_wait3A_146] : memref<10008x128xf32, #tpu.memory_space<vmem_shared>> -> memref<80x128xf32, #tpu.memory_space<vmem_shared>>
        tpu.wait_dma2 semaphore(%run_scoped3A : memref<!tpu.dma_semaphore, #tpu.memory_space<semaphore_mem>>) src(%dma_wait3A_147 : memref<80x128xf32, #tpu.memory_space<vmem_shared>>) dst(%dma_wait3A_145 : memref<80x128xf32, #tpu.memory_space<hbm>>)
        tpu.yield
      }) : () -> ()
    } else {
    }
    return
  }
}

#map = affine_map<(d0, d1) -> (0, 0)>
#map1 = affine_map<(d0, d1) -> (0, 0, 0)>
module attributes {stable_mosaic.version = 14 : i64} {
  func.func @_sc_body(%arg0: i32, %arg1: i32, %arg2: memref<10000x128xf32, #tpu.memory_space<hbm>>, %arg3: memref<32x10176xi32, #tpu.memory_space<hbm>>, %arg4: memref<32x106x96xi32, #tpu.memory_space<hbm>>, %arg5: memref<80x128xf32, #tpu.memory_space<hbm>>, %arg6: memref<2x10000x128xf32, #tpu.memory_space<hbm>>, %arg7: memref<10176xi32, #tpu.memory_space<vmem>>, %arg8: memref<106x96xi32, #tpu.memory_space<vmem>>, %arg9: memref<2x96x128xf32, #tpu.memory_space<vmem>>, %arg10: memref<10008x128xf32, #tpu.memory_space<vmem_shared>>, %arg11: memref<!tpu.dma_semaphore, #tpu.memory_space<semaphore_mem>>, %arg12: memref<!tpu.dma_semaphore, #tpu.memory_space<semaphore_mem>>) attributes {dimension_semantics = [#tpu.dimension_semantics<core_parallel>, #tpu.dimension_semantics<subcore_parallel>], iteration_bounds = array<i64: 2, 16>, scalar_prefetch = 0 : i64, scratch_operands = 6 : i64, tpu.core_type = #tpu.core_type<sc_vector_subcore>, window_params = [{transform_indices = #map}, {transform_indices = #map}, {transform_indices = #map1}, {transform_indices = #map}, {transform_indices = #map1}]} {
    %mul3A = arith.constant 2 : i32
    %mul3A_0 = arith.muli %arg1, %mul3A : i32
    %add3A = arith.addi %mul3A_0, %arg0 : i32
    %add3A_1 = arith.constant 0 : i32
    %add3A_2 = arith.addi %add3A_1, %arg1 : i32
    %lt3A = arith.constant 125 : i32
    %lt3A_3 = arith.cmpi slt, %add3A_2, %lt3A : i32
    %convert_element_type3A = arith.extui %lt3A_3 : i1 to i32
    %cond3A = arith.constant 0 : i32
    %cond3A_4 = arith.cmpi ne, %convert_element_type3A, %cond3A : i32
    scf.if %cond3A_4 {
      %mul3A_135 = arith.constant 80 : i32
      %mul3A_136 = arith.muli %add3A_2, %mul3A_135 : i32
      "tpu.region"() ({
        %run_scoped3A = tpu.sem_alloc : memref<!tpu.dma_semaphore, #tpu.memory_space<semaphore_mem>>
        %dma_start3A_137 = arith.constant 0 : i32
        %dma_start3A_138 = tpu.memref_slice %arg10[%mul3A_136, %dma_start3A_137] : memref<10008x128xf32, #tpu.memory_space<vmem_shared>> -> memref<80x128xf32, #tpu.memory_space<vmem_shared>>
        tpu.enqueue_dma source(%arg5 : memref<80x128xf32, #tpu.memory_space<hbm>>) target(%dma_start3A_138 : memref<80x128xf32, #tpu.memory_space<vmem_shared>>) target_semaphore(%run_scoped3A : memref<!tpu.dma_semaphore, #tpu.memory_space<semaphore_mem>>)
        %dma_wait3A = arith.constant 0 : i32
        %dma_wait3A_139 = tpu.memref_slice %arg10[%mul3A_136, %dma_wait3A] : memref<10008x128xf32, #tpu.memory_space<vmem_shared>> -> memref<80x128xf32, #tpu.memory_space<vmem_shared>>
        tpu.wait_dma2 semaphore(%run_scoped3A : memref<!tpu.dma_semaphore, #tpu.memory_space<semaphore_mem>>) src(%arg5 : memref<80x128xf32, #tpu.memory_space<hbm>>) dst(%dma_wait3A_139 : memref<80x128xf32, #tpu.memory_space<vmem_shared>>)
        tpu.yield
      }) : () -> ()
    } else {
    }
    %add3A_5 = arith.constant 16 : i32
    %add3A_6 = arith.addi %add3A_5, %arg1 : i32
    %lt3A_7 = arith.constant 125 : i32
    %lt3A_8 = arith.cmpi slt, %add3A_6, %lt3A_7 : i32
    %convert_element_type3A_9 = arith.extui %lt3A_8 : i1 to i32
    %cond3A_10 = arith.constant 0 : i32
    %cond3A_11 = arith.cmpi ne, %convert_element_type3A_9, %cond3A_10 : i32
    scf.if %cond3A_11 {
      %mul3A_135 = arith.constant 80 : i32
      %mul3A_136 = arith.muli %add3A_6, %mul3A_135 : i32
      "tpu.region"() ({
        %run_scoped3A = tpu.sem_alloc : memref<!tpu.dma_semaphore, #tpu.memory_space<semaphore_mem>>
        %dma_start3A_137 = arith.constant 0 : i32
        %dma_start3A_138 = tpu.memref_slice %arg10[%mul3A_136, %dma_start3A_137] : memref<10008x128xf32, #tpu.memory_space<vmem_shared>> -> memref<80x128xf32, #tpu.memory_space<vmem_shared>>
        tpu.enqueue_dma source(%arg5 : memref<80x128xf32, #tpu.memory_space<hbm>>) target(%dma_start3A_138 : memref<80x128xf32, #tpu.memory_space<vmem_shared>>) target_semaphore(%run_scoped3A : memref<!tpu.dma_semaphore, #tpu.memory_space<semaphore_mem>>)
        %dma_wait3A = arith.constant 0 : i32
        %dma_wait3A_139 = tpu.memref_slice %arg10[%mul3A_136, %dma_wait3A] : memref<10008x128xf32, #tpu.memory_space<vmem_shared>> -> memref<80x128xf32, #tpu.memory_space<vmem_shared>>
        tpu.wait_dma2 semaphore(%run_scoped3A : memref<!tpu.dma_semaphore, #tpu.memory_space<semaphore_mem>>) src(%arg5 : memref<80x128xf32, #tpu.memory_space<hbm>>) dst(%dma_wait3A_139 : memref<80x128xf32, #tpu.memory_space<vmem_shared>>)
        tpu.yield
      }) : () -> ()
    } else {
    }
    %add3A_12 = arith.constant 32 : i32
    %add3A_13 = arith.addi %add3A_12, %arg1 : i32
    %lt3A_14 = arith.constant 125 : i32
    %lt3A_15 = arith.cmpi slt, %add3A_13, %lt3A_14 : i32
    %convert_element_type3A_16 = arith.extui %lt3A_15 : i1 to i32
    %cond3A_17 = arith.constant 0 : i32
    %cond3A_18 = arith.cmpi ne, %convert_element_type3A_16, %cond3A_17 : i32
    scf.if %cond3A_18 {
      %mul3A_135 = arith.constant 80 : i32
      %mul3A_136 = arith.muli %add3A_13, %mul3A_135 : i32
      "tpu.region"() ({
        %run_scoped3A = tpu.sem_alloc : memref<!tpu.dma_semaphore, #tpu.memory_space<semaphore_mem>>
        %dma_start3A_137 = arith.constant 0 : i32
        %dma_start3A_138 = tpu.memref_slice %arg10[%mul3A_136, %dma_start3A_137] : memref<10008x128xf32, #tpu.memory_space<vmem_shared>> -> memref<80x128xf32, #tpu.memory_space<vmem_shared>>
        tpu.enqueue_dma source(%arg5 : memref<80x128xf32, #tpu.memory_space<hbm>>) target(%dma_start3A_138 : memref<80x128xf32, #tpu.memory_space<vmem_shared>>) target_semaphore(%run_scoped3A : memref<!tpu.dma_semaphore, #tpu.memory_space<semaphore_mem>>)
        %dma_wait3A = arith.constant 0 : i32
        %dma_wait3A_139 = tpu.memref_slice %arg10[%mul3A_136, %dma_wait3A] : memref<10008x128xf32, #tpu.memory_space<vmem_shared>> -> memref<80x128xf32, #tpu.memory_space<vmem_shared>>
        tpu.wait_dma2 semaphore(%run_scoped3A : memref<!tpu.dma_semaphore, #tpu.memory_space<semaphore_mem>>) src(%arg5 : memref<80x128xf32, #tpu.memory_space<hbm>>) dst(%dma_wait3A_139 : memref<80x128xf32, #tpu.memory_space<vmem_shared>>)
        tpu.yield
      }) : () -> ()
    } else {
    }
    %add3A_19 = arith.constant 48 : i32
    %add3A_20 = arith.addi %add3A_19, %arg1 : i32
    %lt3A_21 = arith.constant 125 : i32
    %lt3A_22 = arith.cmpi slt, %add3A_20, %lt3A_21 : i32
    %convert_element_type3A_23 = arith.extui %lt3A_22 : i1 to i32
    %cond3A_24 = arith.constant 0 : i32
    %cond3A_25 = arith.cmpi ne, %convert_element_type3A_23, %cond3A_24 : i32
    scf.if %cond3A_25 {
      %mul3A_135 = arith.constant 80 : i32
      %mul3A_136 = arith.muli %add3A_20, %mul3A_135 : i32
      "tpu.region"() ({
        %run_scoped3A = tpu.sem_alloc : memref<!tpu.dma_semaphore, #tpu.memory_space<semaphore_mem>>
        %dma_start3A_137 = arith.constant 0 : i32
        %dma_start3A_138 = tpu.memref_slice %arg10[%mul3A_136, %dma_start3A_137] : memref<10008x128xf32, #tpu.memory_space<vmem_shared>> -> memref<80x128xf32, #tpu.memory_space<vmem_shared>>
        tpu.enqueue_dma source(%arg5 : memref<80x128xf32, #tpu.memory_space<hbm>>) target(%dma_start3A_138 : memref<80x128xf32, #tpu.memory_space<vmem_shared>>) target_semaphore(%run_scoped3A : memref<!tpu.dma_semaphore, #tpu.memory_space<semaphore_mem>>)
        %dma_wait3A = arith.constant 0 : i32
        %dma_wait3A_139 = tpu.memref_slice %arg10[%mul3A_136, %dma_wait3A] : memref<10008x128xf32, #tpu.memory_space<vmem_shared>> -> memref<80x128xf32, #tpu.memory_space<vmem_shared>>
        tpu.wait_dma2 semaphore(%run_scoped3A : memref<!tpu.dma_semaphore, #tpu.memory_space<semaphore_mem>>) src(%arg5 : memref<80x128xf32, #tpu.memory_space<hbm>>) dst(%dma_wait3A_139 : memref<80x128xf32, #tpu.memory_space<vmem_shared>>)
        tpu.yield
      }) : () -> ()
    } else {
    }
    %add3A_26 = arith.constant 64 : i32
    %add3A_27 = arith.addi %add3A_26, %arg1 : i32
    %lt3A_28 = arith.constant 125 : i32
    %lt3A_29 = arith.cmpi slt, %add3A_27, %lt3A_28 : i32
    %convert_element_type3A_30 = arith.extui %lt3A_29 : i1 to i32
    %cond3A_31 = arith.constant 0 : i32
    %cond3A_32 = arith.cmpi ne, %convert_element_type3A_30, %cond3A_31 : i32
    scf.if %cond3A_32 {
      %mul3A_135 = arith.constant 80 : i32
      %mul3A_136 = arith.muli %add3A_27, %mul3A_135 : i32
      "tpu.region"() ({
        %run_scoped3A = tpu.sem_alloc : memref<!tpu.dma_semaphore, #tpu.memory_space<semaphore_mem>>
        %dma_start3A_137 = arith.constant 0 : i32
        %dma_start3A_138 = tpu.memref_slice %arg10[%mul3A_136, %dma_start3A_137] : memref<10008x128xf32, #tpu.memory_space<vmem_shared>> -> memref<80x128xf32, #tpu.memory_space<vmem_shared>>
        tpu.enqueue_dma source(%arg5 : memref<80x128xf32, #tpu.memory_space<hbm>>) target(%dma_start3A_138 : memref<80x128xf32, #tpu.memory_space<vmem_shared>>) target_semaphore(%run_scoped3A : memref<!tpu.dma_semaphore, #tpu.memory_space<semaphore_mem>>)
        %dma_wait3A = arith.constant 0 : i32
        %dma_wait3A_139 = tpu.memref_slice %arg10[%mul3A_136, %dma_wait3A] : memref<10008x128xf32, #tpu.memory_space<vmem_shared>> -> memref<80x128xf32, #tpu.memory_space<vmem_shared>>
        tpu.wait_dma2 semaphore(%run_scoped3A : memref<!tpu.dma_semaphore, #tpu.memory_space<semaphore_mem>>) src(%arg5 : memref<80x128xf32, #tpu.memory_space<hbm>>) dst(%dma_wait3A_139 : memref<80x128xf32, #tpu.memory_space<vmem_shared>>)
        tpu.yield
      }) : () -> ()
    } else {
    }
    %add3A_33 = arith.constant 80 : i32
    %add3A_34 = arith.addi %add3A_33, %arg1 : i32
    %lt3A_35 = arith.constant 125 : i32
    %lt3A_36 = arith.cmpi slt, %add3A_34, %lt3A_35 : i32
    %convert_element_type3A_37 = arith.extui %lt3A_36 : i1 to i32
    %cond3A_38 = arith.constant 0 : i32
    %cond3A_39 = arith.cmpi ne, %convert_element_type3A_37, %cond3A_38 : i32
    scf.if %cond3A_39 {
      %mul3A_135 = arith.constant 80 : i32
      %mul3A_136 = arith.muli %add3A_34, %mul3A_135 : i32
      "tpu.region"() ({
        %run_scoped3A = tpu.sem_alloc : memref<!tpu.dma_semaphore, #tpu.memory_space<semaphore_mem>>
        %dma_start3A_137 = arith.constant 0 : i32
        %dma_start3A_138 = tpu.memref_slice %arg10[%mul3A_136, %dma_start3A_137] : memref<10008x128xf32, #tpu.memory_space<vmem_shared>> -> memref<80x128xf32, #tpu.memory_space<vmem_shared>>
        tpu.enqueue_dma source(%arg5 : memref<80x128xf32, #tpu.memory_space<hbm>>) target(%dma_start3A_138 : memref<80x128xf32, #tpu.memory_space<vmem_shared>>) target_semaphore(%run_scoped3A : memref<!tpu.dma_semaphore, #tpu.memory_space<semaphore_mem>>)
        %dma_wait3A = arith.constant 0 : i32
        %dma_wait3A_139 = tpu.memref_slice %arg10[%mul3A_136, %dma_wait3A] : memref<10008x128xf32, #tpu.memory_space<vmem_shared>> -> memref<80x128xf32, #tpu.memory_space<vmem_shared>>
        tpu.wait_dma2 semaphore(%run_scoped3A : memref<!tpu.dma_semaphore, #tpu.memory_space<semaphore_mem>>) src(%arg5 : memref<80x128xf32, #tpu.memory_space<hbm>>) dst(%dma_wait3A_139 : memref<80x128xf32, #tpu.memory_space<vmem_shared>>)
        tpu.yield
      }) : () -> ()
    } else {
    }
    %add3A_40 = arith.constant 96 : i32
    %add3A_41 = arith.addi %add3A_40, %arg1 : i32
    %lt3A_42 = arith.constant 125 : i32
    %lt3A_43 = arith.cmpi slt, %add3A_41, %lt3A_42 : i32
    %convert_element_type3A_44 = arith.extui %lt3A_43 : i1 to i32
    %cond3A_45 = arith.constant 0 : i32
    %cond3A_46 = arith.cmpi ne, %convert_element_type3A_44, %cond3A_45 : i32
    scf.if %cond3A_46 {
      %mul3A_135 = arith.constant 80 : i32
      %mul3A_136 = arith.muli %add3A_41, %mul3A_135 : i32
      "tpu.region"() ({
        %run_scoped3A = tpu.sem_alloc : memref<!tpu.dma_semaphore, #tpu.memory_space<semaphore_mem>>
        %dma_start3A_137 = arith.constant 0 : i32
        %dma_start3A_138 = tpu.memref_slice %arg10[%mul3A_136, %dma_start3A_137] : memref<10008x128xf32, #tpu.memory_space<vmem_shared>> -> memref<80x128xf32, #tpu.memory_space<vmem_shared>>
        tpu.enqueue_dma source(%arg5 : memref<80x128xf32, #tpu.memory_space<hbm>>) target(%dma_start3A_138 : memref<80x128xf32, #tpu.memory_space<vmem_shared>>) target_semaphore(%run_scoped3A : memref<!tpu.dma_semaphore, #tpu.memory_space<semaphore_mem>>)
        %dma_wait3A = arith.constant 0 : i32
        %dma_wait3A_139 = tpu.memref_slice %arg10[%mul3A_136, %dma_wait3A] : memref<10008x128xf32, #tpu.memory_space<vmem_shared>> -> memref<80x128xf32, #tpu.memory_space<vmem_shared>>
        tpu.wait_dma2 semaphore(%run_scoped3A : memref<!tpu.dma_semaphore, #tpu.memory_space<semaphore_mem>>) src(%arg5 : memref<80x128xf32, #tpu.memory_space<hbm>>) dst(%dma_wait3A_139 : memref<80x128xf32, #tpu.memory_space<vmem_shared>>)
        tpu.yield
      }) : () -> ()
    } else {
    }
    %add3A_47 = arith.constant 112 : i32
    %add3A_48 = arith.addi %add3A_47, %arg1 : i32
    %lt3A_49 = arith.constant 125 : i32
    %lt3A_50 = arith.cmpi slt, %add3A_48, %lt3A_49 : i32
    %convert_element_type3A_51 = arith.extui %lt3A_50 : i1 to i32
    %cond3A_52 = arith.constant 0 : i32
    %cond3A_53 = arith.cmpi ne, %convert_element_type3A_51, %cond3A_52 : i32
    scf.if %cond3A_53 {
      %mul3A_135 = arith.constant 80 : i32
      %mul3A_136 = arith.muli %add3A_48, %mul3A_135 : i32
      "tpu.region"() ({
        %run_scoped3A = tpu.sem_alloc : memref<!tpu.dma_semaphore, #tpu.memory_space<semaphore_mem>>
        %dma_start3A_137 = arith.constant 0 : i32
        %dma_start3A_138 = tpu.memref_slice %arg10[%mul3A_136, %dma_start3A_137] : memref<10008x128xf32, #tpu.memory_space<vmem_shared>> -> memref<80x128xf32, #tpu.memory_space<vmem_shared>>
        tpu.enqueue_dma source(%arg5 : memref<80x128xf32, #tpu.memory_space<hbm>>) target(%dma_start3A_138 : memref<80x128xf32, #tpu.memory_space<vmem_shared>>) target_semaphore(%run_scoped3A : memref<!tpu.dma_semaphore, #tpu.memory_space<semaphore_mem>>)
        %dma_wait3A = arith.constant 0 : i32
        %dma_wait3A_139 = tpu.memref_slice %arg10[%mul3A_136, %dma_wait3A] : memref<10008x128xf32, #tpu.memory_space<vmem_shared>> -> memref<80x128xf32, #tpu.memory_space<vmem_shared>>
        tpu.wait_dma2 semaphore(%run_scoped3A : memref<!tpu.dma_semaphore, #tpu.memory_space<semaphore_mem>>) src(%arg5 : memref<80x128xf32, #tpu.memory_space<hbm>>) dst(%dma_wait3A_139 : memref<80x128xf32, #tpu.memory_space<vmem_shared>>)
        tpu.yield
      }) : () -> ()
    } else {
    }
    "tpu.region"() ({
      %run_scoped3A = tpu.sem_alloc : memref<!tpu.dma_semaphore, #tpu.memory_space<semaphore_mem>>
      %dma_start3A_135 = arith.constant 0 : i32
      %dma_start3A_136 = tpu.memref_slice %arg3[%add3A, %dma_start3A_135] : memref<32x10176xi32, #tpu.memory_space<hbm>> -> memref<1x10176xi32, #tpu.memory_space<hbm>>
      %dma_start3A_137 = tpu.memref_squeeze %dma_start3A_136 : memref<1x10176xi32, #tpu.memory_space<hbm>> -> memref<10176xi32, #tpu.memory_space<hbm>>
      %dma_start3A_138 = arith.constant 0 : i32
      %dma_start3A_139 = tpu.memref_slice %arg3[%add3A, %dma_start3A_138] : memref<32x10176xi32, #tpu.memory_space<hbm>> -> memref<1x10176xi32, #tpu.memory_space<hbm>>
      %dma_start3A_140 = tpu.memref_squeeze %dma_start3A_139 : memref<1x10176xi32, #tpu.memory_space<hbm>> -> memref<10176xi32, #tpu.memory_space<hbm>>
      tpu.enqueue_dma source(%dma_start3A_140 : memref<10176xi32, #tpu.memory_space<hbm>>) target(%arg7 : memref<10176xi32, #tpu.memory_space<vmem>>) target_semaphore(%run_scoped3A : memref<!tpu.dma_semaphore, #tpu.memory_space<semaphore_mem>>)
      %dma_wait3A = arith.constant 0 : i32
      %dma_wait3A_141 = tpu.memref_slice %arg3[%add3A, %dma_wait3A] : memref<32x10176xi32, #tpu.memory_space<hbm>> -> memref<1x10176xi32, #tpu.memory_space<hbm>>
      %dma_wait3A_142 = tpu.memref_squeeze %dma_wait3A_141 : memref<1x10176xi32, #tpu.memory_space<hbm>> -> memref<10176xi32, #tpu.memory_space<hbm>>
      %dma_wait3A_143 = arith.constant 0 : i32
      %dma_wait3A_144 = tpu.memref_slice %arg3[%add3A, %dma_wait3A_143] : memref<32x10176xi32, #tpu.memory_space<hbm>> -> memref<1x10176xi32, #tpu.memory_space<hbm>>
      %dma_wait3A_145 = tpu.memref_squeeze %dma_wait3A_144 : memref<1x10176xi32, #tpu.memory_space<hbm>> -> memref<10176xi32, #tpu.memory_space<hbm>>
      tpu.wait_dma2 semaphore(%run_scoped3A : memref<!tpu.dma_semaphore, #tpu.memory_space<semaphore_mem>>) src(%dma_wait3A_145 : memref<10176xi32, #tpu.memory_space<hbm>>) dst(%arg7 : memref<10176xi32, #tpu.memory_space<vmem>>)
      tpu.yield
    }) : () -> ()
    "tpu.region"() ({
      %run_scoped3A = tpu.sem_alloc : memref<!tpu.dma_semaphore, #tpu.memory_space<semaphore_mem>>
      %dma_start3A_135 = arith.constant 0 : i32
      %dma_start3A_136 = arith.constant 0 : i32
      %dma_start3A_137 = tpu.memref_slice %arg4[%add3A, %dma_start3A_135, %dma_start3A_136] : memref<32x106x96xi32, #tpu.memory_space<hbm>> -> memref<1x106x96xi32, #tpu.memory_space<hbm>>
      %dma_start3A_138 = tpu.memref_squeeze %dma_start3A_137 : memref<1x106x96xi32, #tpu.memory_space<hbm>> -> memref<106x96xi32, #tpu.memory_space<hbm>>
      %dma_start3A_139 = arith.constant 0 : i32
      %dma_start3A_140 = arith.constant 0 : i32
      %dma_start3A_141 = tpu.memref_slice %arg4[%add3A, %dma_start3A_139, %dma_start3A_140] : memref<32x106x96xi32, #tpu.memory_space<hbm>> -> memref<1x106x96xi32, #tpu.memory_space<hbm>>
      %dma_start3A_142 = tpu.memref_squeeze %dma_start3A_141 : memref<1x106x96xi32, #tpu.memory_space<hbm>> -> memref<106x96xi32, #tpu.memory_space<hbm>>
      tpu.enqueue_dma source(%dma_start3A_142 : memref<106x96xi32, #tpu.memory_space<hbm>>) target(%arg8 : memref<106x96xi32, #tpu.memory_space<vmem>>) target_semaphore(%run_scoped3A : memref<!tpu.dma_semaphore, #tpu.memory_space<semaphore_mem>>)
      %dma_wait3A = arith.constant 0 : i32
      %dma_wait3A_143 = arith.constant 0 : i32
      %dma_wait3A_144 = tpu.memref_slice %arg4[%add3A, %dma_wait3A, %dma_wait3A_143] : memref<32x106x96xi32, #tpu.memory_space<hbm>> -> memref<1x106x96xi32, #tpu.memory_space<hbm>>
      %dma_wait3A_145 = tpu.memref_squeeze %dma_wait3A_144 : memref<1x106x96xi32, #tpu.memory_space<hbm>> -> memref<106x96xi32, #tpu.memory_space<hbm>>
      %dma_wait3A_146 = arith.constant 0 : i32
      %dma_wait3A_147 = arith.constant 0 : i32
      %dma_wait3A_148 = tpu.memref_slice %arg4[%add3A, %dma_wait3A_146, %dma_wait3A_147] : memref<32x106x96xi32, #tpu.memory_space<hbm>> -> memref<1x106x96xi32, #tpu.memory_space<hbm>>
      %dma_wait3A_149 = tpu.memref_squeeze %dma_wait3A_148 : memref<1x106x96xi32, #tpu.memory_space<hbm>> -> memref<106x96xi32, #tpu.memory_space<hbm>>
      tpu.wait_dma2 semaphore(%run_scoped3A : memref<!tpu.dma_semaphore, #tpu.memory_space<semaphore_mem>>) src(%dma_wait3A_149 : memref<106x96xi32, #tpu.memory_space<hbm>>) dst(%arg8 : memref<106x96xi32, #tpu.memory_space<vmem>>)
      tpu.yield
    }) : () -> ()
    %barrier3A = arith.constant 0 : index
    tpu.barrier barrier_id(%barrier3A)
    %dma_start3A = arith.constant 0 : i32
    %dma_start3A_54 = arith.constant 0 : i32
    %dma_start3A_55 = arith.constant 0 : i32
    %dma_start3A_56 = tpu.memref_slice %arg9[%dma_start3A, %dma_start3A_54, %dma_start3A_55] : memref<2x96x128xf32, #tpu.memory_space<vmem>> -> memref<1x96x128xf32, #tpu.memory_space<vmem>>
    %dma_start3A_57 = tpu.memref_squeeze %dma_start3A_56 : memref<1x96x128xf32, #tpu.memory_space<vmem>> -> memref<96x128xf32, #tpu.memory_space<vmem>>
    %dma_start3A_58 = arith.constant 0 : i32
    %dma_start3A_59 = tpu.memref_slice %arg7[%dma_start3A_58] : memref<10176xi32, #tpu.memory_space<vmem>> -> memref<96xi32, #tpu.memory_space<vmem>>
    %dma_start3A_60 = arith.constant 0 : i32
    %dma_start3A_61 = arith.constant 0 : i32
    %dma_start3A_62 = tpu.memref_slice %arg2[%dma_start3A_60, %dma_start3A_61] : memref<10000x128xf32, #tpu.memory_space<hbm>> -> memref<10000x128xf32, #tpu.memory_space<hbm>>
    tpu.enqueue_indirect_dma source(%dma_start3A_62 : memref<10000x128xf32, #tpu.memory_space<hbm>>) target(%dma_start3A_57 : memref<96x128xf32, #tpu.memory_space<vmem>>) offsets(%dma_start3A_59 : memref<96xi32, #tpu.memory_space<vmem>>) semaphore(%arg11 : memref<!tpu.dma_semaphore, #tpu.memory_space<semaphore_mem>>)
    %dma_start3A_63 = arith.constant 1 : i32
    %dma_start3A_64 = arith.constant 0 : i32
    %dma_start3A_65 = arith.constant 0 : i32
    %dma_start3A_66 = tpu.memref_slice %arg9[%dma_start3A_63, %dma_start3A_64, %dma_start3A_65] : memref<2x96x128xf32, #tpu.memory_space<vmem>> -> memref<1x96x128xf32, #tpu.memory_space<vmem>>
    %dma_start3A_67 = tpu.memref_squeeze %dma_start3A_66 : memref<1x96x128xf32, #tpu.memory_space<vmem>> -> memref<96x128xf32, #tpu.memory_space<vmem>>
    %dma_start3A_68 = arith.constant 96 : i32
    %dma_start3A_69 = tpu.memref_slice %arg7[%dma_start3A_68] : memref<10176xi32, #tpu.memory_space<vmem>> -> memref<96xi32, #tpu.memory_space<vmem>>
    %dma_start3A_70 = arith.constant 0 : i32
    %dma_start3A_71 = arith.constant 0 : i32
    %dma_start3A_72 = tpu.memref_slice %arg2[%dma_start3A_70, %dma_start3A_71] : memref<10000x128xf32, #tpu.memory_space<hbm>> -> memref<10000x128xf32, #tpu.memory_space<hbm>>
    tpu.enqueue_indirect_dma source(%dma_start3A_72 : memref<10000x128xf32, #tpu.memory_space<hbm>>) target(%dma_start3A_67 : memref<96x128xf32, #tpu.memory_space<vmem>>) offsets(%dma_start3A_69 : memref<96xi32, #tpu.memory_space<vmem>>) semaphore(%arg12 : memref<!tpu.dma_semaphore, #tpu.memory_space<semaphore_mem>>)
    %scan3A = arith.constant 0 : i32
    %scan3A_73 = arith.constant 0 : i32
    %scan3A_74 = arith.constant 53 : i32
    %scan3A_75 = arith.addi %scan3A_73, %scan3A_74 : i32
    %scan3A_76 = arith.constant 1 : i32
    scf.for %scan3A_135 = %scan3A_73 to %scan3A_75 step %scan3A_76  : i32 {
      %mul3A_136 = arith.constant 2 : i32
      %mul3A_137 = arith.muli %scan3A_135, %mul3A_136 : i32
      %add3A_138 = arith.constant 0 : i32
      %add3A_139 = arith.addi %mul3A_137, %add3A_138 : i32
      %mul3A_140 = arith.constant 96 : i32
      %mul3A_141 = arith.muli %add3A_139, %mul3A_140 : i32
      %dma_wait3A = arith.constant 0 : i32
      %dma_wait3A_142 = arith.constant 0 : i32
      %dma_wait3A_143 = arith.constant 0 : i32
      %dma_wait3A_144 = tpu.memref_slice %arg9[%dma_wait3A, %dma_wait3A_142, %dma_wait3A_143] : memref<2x96x128xf32, #tpu.memory_space<vmem>> -> memref<1x96x128xf32, #tpu.memory_space<vmem>>
      %dma_wait3A_145 = tpu.memref_squeeze %dma_wait3A_144 : memref<1x96x128xf32, #tpu.memory_space<vmem>> -> memref<96x128xf32, #tpu.memory_space<vmem>>
      %dma_wait3A_146 = tpu.memref_slice %arg7[%mul3A_141] : memref<10176xi32, #tpu.memory_space<vmem>> -> memref<96xi32, #tpu.memory_space<vmem>>
      %dma_wait3A_147 = arith.constant 0 : i32
      %dma_wait3A_148 = arith.constant 0 : i32
      %dma_wait3A_149 = tpu.memref_slice %arg2[%dma_wait3A_147, %dma_wait3A_148] : memref<10000x128xf32, #tpu.memory_space<hbm>> -> memref<10000x128xf32, #tpu.memory_space<hbm>>
      tpu.wait_indirect_dma semaphore(%arg11 : memref<!tpu.dma_semaphore, #tpu.memory_space<semaphore_mem>>) src(%dma_wait3A_149 : memref<10000x128xf32, #tpu.memory_space<hbm>>) dst(%dma_wait3A_145 : memref<96x128xf32, #tpu.memory_space<vmem>>)
      %run_scoped3A = arith.constant 0 : i32
      "tpu.region"() ({
        %run_scoped3A_178 = tpu.sem_alloc : memref<!tpu.dma_semaphore, #tpu.memory_space<semaphore_mem>>
        %dma_start3A_179 = arith.constant 0 : i32
        %dma_start3A_180 = arith.constant 0 : i32
        %dma_start3A_181 = tpu.memref_slice %arg9[%run_scoped3A, %dma_start3A_179, %dma_start3A_180] : memref<2x96x128xf32, #tpu.memory_space<vmem>> -> memref<1x96x128xf32, #tpu.memory_space<vmem>>
        %dma_start3A_182 = tpu.memref_squeeze %dma_start3A_181 : memref<1x96x128xf32, #tpu.memory_space<vmem>> -> memref<96x128xf32, #tpu.memory_space<vmem>>
        %dma_start3A_183 = arith.constant 0 : i32
        %dma_start3A_184 = tpu.memref_slice %arg8[%add3A_139, %dma_start3A_183] : memref<106x96xi32, #tpu.memory_space<vmem>> -> memref<1x96xi32, #tpu.memory_space<vmem>>
        %dma_start3A_185 = tpu.memref_squeeze %dma_start3A_184 : memref<1x96xi32, #tpu.memory_space<vmem>> -> memref<96xi32, #tpu.memory_space<vmem>>
        %dma_start3A_186 = arith.constant 0 : i32
        %dma_start3A_187 = arith.constant 0 : i32
        %dma_start3A_188 = tpu.memref_slice %arg10[%dma_start3A_186, %dma_start3A_187] : memref<10008x128xf32, #tpu.memory_space<vmem_shared>> -> memref<10008x128xf32, #tpu.memory_space<vmem_shared>>
        tpu.enqueue_indirect_dma source(%dma_start3A_182 : memref<96x128xf32, #tpu.memory_space<vmem>>) target(%dma_start3A_188 : memref<10008x128xf32, #tpu.memory_space<vmem_shared>>) offsets(%dma_start3A_185 : memref<96xi32, #tpu.memory_space<vmem>>) semaphore(%run_scoped3A_178 : memref<!tpu.dma_semaphore, #tpu.memory_space<semaphore_mem>>) {add = true}
        %dma_wait3A_189 = arith.constant 0 : i32
        %dma_wait3A_190 = arith.constant 0 : i32
        %dma_wait3A_191 = tpu.memref_slice %arg9[%run_scoped3A, %dma_wait3A_189, %dma_wait3A_190] : memref<2x96x128xf32, #tpu.memory_space<vmem>> -> memref<1x96x128xf32, #tpu.memory_space<vmem>>
        %dma_wait3A_192 = tpu.memref_squeeze %dma_wait3A_191 : memref<1x96x128xf32, #tpu.memory_space<vmem>> -> memref<96x128xf32, #tpu.memory_space<vmem>>
        %dma_wait3A_193 = arith.constant 0 : i32
        %dma_wait3A_194 = tpu.memref_slice %arg8[%add3A_139, %dma_wait3A_193] : memref<106x96xi32, #tpu.memory_space<vmem>> -> memref<1x96xi32, #tpu.memory_space<vmem>>
        %dma_wait3A_195 = tpu.memref_squeeze %dma_wait3A_194 : memref<1x96xi32, #tpu.memory_space<vmem>> -> memref<96xi32, #tpu.memory_space<vmem>>
        %dma_wait3A_196 = arith.constant 0 : i32
        %dma_wait3A_197 = arith.constant 0 : i32
        %dma_wait3A_198 = tpu.memref_slice %arg10[%dma_wait3A_196, %dma_wait3A_197] : memref<10008x128xf32, #tpu.memory_space<vmem_shared>> -> memref<10008x128xf32, #tpu.memory_space<vmem_shared>>
        tpu.wait_indirect_dma semaphore(%run_scoped3A_178 : memref<!tpu.dma_semaphore, #tpu.memory_space<semaphore_mem>>) src(%dma_wait3A_192 : memref<96x128xf32, #tpu.memory_space<vmem>>) dst(%dma_wait3A_198 : memref<10008x128xf32, #tpu.memory_space<vmem_shared>>)
        tpu.yield
      }) : () -> ()
      %add3A_150 = arith.constant 2 : i32
      %add3A_151 = arith.addi %add3A_139, %add3A_150 : i32
      %lt3A_152 = arith.constant 106 : i32
      %lt3A_153 = arith.cmpi slt, %add3A_151, %lt3A_152 : i32
      %convert_element_type3A_154 = arith.extui %lt3A_153 : i1 to i32
      %cond3A_155 = arith.constant 0 : i32
      %cond3A_156 = arith.cmpi ne, %convert_element_type3A_154, %cond3A_155 : i32
      scf.if %cond3A_156 {
        %add3A_178 = arith.constant 2 : i32
        %add3A_179 = arith.addi %add3A_139, %add3A_178 : i32
        %mul3A_180 = arith.constant 96 : i32
        %mul3A_181 = arith.muli %add3A_179, %mul3A_180 : i32
        %dma_start3A_182 = arith.constant 0 : i32
        %dma_start3A_183 = arith.constant 0 : i32
        %dma_start3A_184 = arith.constant 0 : i32
        %dma_start3A_185 = tpu.memref_slice %arg9[%dma_start3A_182, %dma_start3A_183, %dma_start3A_184] : memref<2x96x128xf32, #tpu.memory_space<vmem>> -> memref<1x96x128xf32, #tpu.memory_space<vmem>>
        %dma_start3A_186 = tpu.memref_squeeze %dma_start3A_185 : memref<1x96x128xf32, #tpu.memory_space<vmem>> -> memref<96x128xf32, #tpu.memory_space<vmem>>
        %dma_start3A_187 = tpu.memref_slice %arg7[%mul3A_181] : memref<10176xi32, #tpu.memory_space<vmem>> -> memref<96xi32, #tpu.memory_space<vmem>>
        %dma_start3A_188 = arith.constant 0 : i32
        %dma_start3A_189 = arith.constant 0 : i32
        %dma_start3A_190 = tpu.memref_slice %arg2[%dma_start3A_188, %dma_start3A_189] : memref<10000x128xf32, #tpu.memory_space<hbm>> -> memref<10000x128xf32, #tpu.memory_space<hbm>>
        tpu.enqueue_indirect_dma source(%dma_start3A_190 : memref<10000x128xf32, #tpu.memory_space<hbm>>) target(%dma_start3A_186 : memref<96x128xf32, #tpu.memory_space<vmem>>) offsets(%dma_start3A_187 : memref<96xi32, #tpu.memory_space<vmem>>) semaphore(%arg11 : memref<!tpu.dma_semaphore, #tpu.memory_space<semaphore_mem>>)
      } else {
      }
      %add3A_157 = arith.constant 1 : i32
      %add3A_158 = arith.addi %mul3A_137, %add3A_157 : i32
      %mul3A_159 = arith.constant 96 : i32
      %mul3A_160 = arith.muli %add3A_158, %mul3A_159 : i32
      %dma_wait3A_161 = arith.constant 1 : i32
      %dma_wait3A_162 = arith.constant 0 : i32
      %dma_wait3A_163 = arith.constant 0 : i32
      %dma_wait3A_164 = tpu.memref_slice %arg9[%dma_wait3A_161, %dma_wait3A_162, %dma_wait3A_163] : memref<2x96x128xf32, #tpu.memory_space<vmem>> -> memref<1x96x128xf32, #tpu.memory_space<vmem>>
      %dma_wait3A_165 = tpu.memref_squeeze %dma_wait3A_164 : memref<1x96x128xf32, #tpu.memory_space<vmem>> -> memref<96x128xf32, #tpu.memory_space<vmem>>
      %dma_wait3A_166 = tpu.memref_slice %arg7[%mul3A_160] : memref<10176xi32, #tpu.memory_space<vmem>> -> memref<96xi32, #tpu.memory_space<vmem>>
      %dma_wait3A_167 = arith.constant 0 : i32
      %dma_wait3A_168 = arith.constant 0 : i32
      %dma_wait3A_169 = tpu.memref_slice %arg2[%dma_wait3A_167, %dma_wait3A_168] : memref<10000x128xf32, #tpu.memory_space<hbm>> -> memref<10000x128xf32, #tpu.memory_space<hbm>>
      tpu.wait_indirect_dma semaphore(%arg12 : memref<!tpu.dma_semaphore, #tpu.memory_space<semaphore_mem>>) src(%dma_wait3A_169 : memref<10000x128xf32, #tpu.memory_space<hbm>>) dst(%dma_wait3A_165 : memref<96x128xf32, #tpu.memory_space<vmem>>)
      %run_scoped3A_170 = arith.constant 1 : i32
      "tpu.region"() ({
        %run_scoped3A_178 = tpu.sem_alloc : memref<!tpu.dma_semaphore, #tpu.memory_space<semaphore_mem>>
        %dma_start3A_179 = arith.constant 0 : i32
        %dma_start3A_180 = arith.constant 0 : i32
        %dma_start3A_181 = tpu.memref_slice %arg9[%run_scoped3A_170, %dma_start3A_179, %dma_start3A_180] : memref<2x96x128xf32, #tpu.memory_space<vmem>> -> memref<1x96x128xf32, #tpu.memory_space<vmem>>
        %dma_start3A_182 = tpu.memref_squeeze %dma_start3A_181 : memref<1x96x128xf32, #tpu.memory_space<vmem>> -> memref<96x128xf32, #tpu.memory_space<vmem>>
        %dma_start3A_183 = arith.constant 0 : i32
        %dma_start3A_184 = tpu.memref_slice %arg8[%add3A_158, %dma_start3A_183] : memref<106x96xi32, #tpu.memory_space<vmem>> -> memref<1x96xi32, #tpu.memory_space<vmem>>
        %dma_start3A_185 = tpu.memref_squeeze %dma_start3A_184 : memref<1x96xi32, #tpu.memory_space<vmem>> -> memref<96xi32, #tpu.memory_space<vmem>>
        %dma_start3A_186 = arith.constant 0 : i32
        %dma_start3A_187 = arith.constant 0 : i32
        %dma_start3A_188 = tpu.memref_slice %arg10[%dma_start3A_186, %dma_start3A_187] : memref<10008x128xf32, #tpu.memory_space<vmem_shared>> -> memref<10008x128xf32, #tpu.memory_space<vmem_shared>>
        tpu.enqueue_indirect_dma source(%dma_start3A_182 : memref<96x128xf32, #tpu.memory_space<vmem>>) target(%dma_start3A_188 : memref<10008x128xf32, #tpu.memory_space<vmem_shared>>) offsets(%dma_start3A_185 : memref<96xi32, #tpu.memory_space<vmem>>) semaphore(%run_scoped3A_178 : memref<!tpu.dma_semaphore, #tpu.memory_space<semaphore_mem>>) {add = true}
        %dma_wait3A_189 = arith.constant 0 : i32
        %dma_wait3A_190 = arith.constant 0 : i32
        %dma_wait3A_191 = tpu.memref_slice %arg9[%run_scoped3A_170, %dma_wait3A_189, %dma_wait3A_190] : memref<2x96x128xf32, #tpu.memory_space<vmem>> -> memref<1x96x128xf32, #tpu.memory_space<vmem>>
        %dma_wait3A_192 = tpu.memref_squeeze %dma_wait3A_191 : memref<1x96x128xf32, #tpu.memory_space<vmem>> -> memref<96x128xf32, #tpu.memory_space<vmem>>
        %dma_wait3A_193 = arith.constant 0 : i32
        %dma_wait3A_194 = tpu.memref_slice %arg8[%add3A_158, %dma_wait3A_193] : memref<106x96xi32, #tpu.memory_space<vmem>> -> memref<1x96xi32, #tpu.memory_space<vmem>>
        %dma_wait3A_195 = tpu.memref_squeeze %dma_wait3A_194 : memref<1x96xi32, #tpu.memory_space<vmem>> -> memref<96xi32, #tpu.memory_space<vmem>>
        %dma_wait3A_196 = arith.constant 0 : i32
        %dma_wait3A_197 = arith.constant 0 : i32
        %dma_wait3A_198 = tpu.memref_slice %arg10[%dma_wait3A_196, %dma_wait3A_197] : memref<10008x128xf32, #tpu.memory_space<vmem_shared>> -> memref<10008x128xf32, #tpu.memory_space<vmem_shared>>
        tpu.wait_indirect_dma semaphore(%run_scoped3A_178 : memref<!tpu.dma_semaphore, #tpu.memory_space<semaphore_mem>>) src(%dma_wait3A_192 : memref<96x128xf32, #tpu.memory_space<vmem>>) dst(%dma_wait3A_198 : memref<10008x128xf32, #tpu.memory_space<vmem_shared>>)
        tpu.yield
      }) : () -> ()
      %add3A_171 = arith.constant 2 : i32
      %add3A_172 = arith.addi %add3A_158, %add3A_171 : i32
      %lt3A_173 = arith.constant 106 : i32
      %lt3A_174 = arith.cmpi slt, %add3A_172, %lt3A_173 : i32
      %convert_element_type3A_175 = arith.extui %lt3A_174 : i1 to i32
      %cond3A_176 = arith.constant 0 : i32
      %cond3A_177 = arith.cmpi ne, %convert_element_type3A_175, %cond3A_176 : i32
      scf.if %cond3A_177 {
        %add3A_178 = arith.constant 2 : i32
        %add3A_179 = arith.addi %add3A_158, %add3A_178 : i32
        %mul3A_180 = arith.constant 96 : i32
        %mul3A_181 = arith.muli %add3A_179, %mul3A_180 : i32
        %dma_start3A_182 = arith.constant 1 : i32
        %dma_start3A_183 = arith.constant 0 : i32
        %dma_start3A_184 = arith.constant 0 : i32
        %dma_start3A_185 = tpu.memref_slice %arg9[%dma_start3A_182, %dma_start3A_183, %dma_start3A_184] : memref<2x96x128xf32, #tpu.memory_space<vmem>> -> memref<1x96x128xf32, #tpu.memory_space<vmem>>
        %dma_start3A_186 = tpu.memref_squeeze %dma_start3A_185 : memref<1x96x128xf32, #tpu.memory_space<vmem>> -> memref<96x128xf32, #tpu.memory_space<vmem>>
        %dma_start3A_187 = tpu.memref_slice %arg7[%mul3A_181] : memref<10176xi32, #tpu.memory_space<vmem>> -> memref<96xi32, #tpu.memory_space<vmem>>
        %dma_start3A_188 = arith.constant 0 : i32
        %dma_start3A_189 = arith.constant 0 : i32
        %dma_start3A_190 = tpu.memref_slice %arg2[%dma_start3A_188, %dma_start3A_189] : memref<10000x128xf32, #tpu.memory_space<hbm>> -> memref<10000x128xf32, #tpu.memory_space<hbm>>
        tpu.enqueue_indirect_dma source(%dma_start3A_190 : memref<10000x128xf32, #tpu.memory_space<hbm>>) target(%dma_start3A_186 : memref<96x128xf32, #tpu.memory_space<vmem>>) offsets(%dma_start3A_187 : memref<96xi32, #tpu.memory_space<vmem>>) semaphore(%arg12 : memref<!tpu.dma_semaphore, #tpu.memory_space<semaphore_mem>>)
      } else {
      }
    }
    %scan3A_77 = arith.constant 53 : i32
    %barrier3A_78 = arith.constant 0 : index
    tpu.barrier barrier_id(%barrier3A_78)
    %add3A_79 = arith.constant 0 : i32
    %add3A_80 = arith.addi %add3A_79, %arg1 : i32
    %lt3A_81 = arith.constant 125 : i32
    %lt3A_82 = arith.cmpi slt, %add3A_80, %lt3A_81 : i32
    %convert_element_type3A_83 = arith.extui %lt3A_82 : i1 to i32
    %cond3A_84 = arith.constant 0 : i32
    %cond3A_85 = arith.cmpi ne, %convert_element_type3A_83, %cond3A_84 : i32
    scf.if %cond3A_85 {
      %mul3A_135 = arith.constant 80 : i32
      %mul3A_136 = arith.muli %add3A_80, %mul3A_135 : i32
      %mul3A_137 = arith.constant 80 : i32
      %mul3A_138 = arith.muli %add3A_80, %mul3A_137 : i32
      "tpu.region"() ({
        %run_scoped3A = tpu.sem_alloc : memref<!tpu.dma_semaphore, #tpu.memory_space<semaphore_mem>>
        %dma_start3A_139 = arith.constant 0 : i32
        %dma_start3A_140 = tpu.memref_slice %arg6[%arg0, %mul3A_138, %dma_start3A_139] : memref<2x10000x128xf32, #tpu.memory_space<hbm>> -> memref<1x80x128xf32, #tpu.memory_space<hbm>>
        %dma_start3A_141 = tpu.memref_squeeze %dma_start3A_140 : memref<1x80x128xf32, #tpu.memory_space<hbm>> -> memref<80x128xf32, #tpu.memory_space<hbm>>
        %dma_start3A_142 = arith.constant 0 : i32
        %dma_start3A_143 = tpu.memref_slice %arg10[%mul3A_136, %dma_start3A_142] : memref<10008x128xf32, #tpu.memory_space<vmem_shared>> -> memref<80x128xf32, #tpu.memory_space<vmem_shared>>
        tpu.enqueue_dma source(%dma_start3A_143 : memref<80x128xf32, #tpu.memory_space<vmem_shared>>) target(%dma_start3A_141 : memref<80x128xf32, #tpu.memory_space<hbm>>) target_semaphore(%run_scoped3A : memref<!tpu.dma_semaphore, #tpu.memory_space<semaphore_mem>>)
        %dma_wait3A = arith.constant 0 : i32
        %dma_wait3A_144 = tpu.memref_slice %arg6[%arg0, %mul3A_138, %dma_wait3A] : memref<2x10000x128xf32, #tpu.memory_space<hbm>> -> memref<1x80x128xf32, #tpu.memory_space<hbm>>
        %dma_wait3A_145 = tpu.memref_squeeze %dma_wait3A_144 : memref<1x80x128xf32, #tpu.memory_space<hbm>> -> memref<80x128xf32, #tpu.memory_space<hbm>>
        %dma_wait3A_146 = arith.constant 0 : i32
        %dma_wait3A_147 = tpu.memref_slice %arg10[%mul3A_136, %dma_wait3A_146] : memref<10008x128xf32, #tpu.memory_space<vmem_shared>> -> memref<80x128xf32, #tpu.memory_space<vmem_shared>>
        tpu.wait_dma2 semaphore(%run_scoped3A : memref<!tpu.dma_semaphore, #tpu.memory_space<semaphore_mem>>) src(%dma_wait3A_147 : memref<80x128xf32, #tpu.memory_space<vmem_shared>>) dst(%dma_wait3A_145 : memref<80x128xf32, #tpu.memory_space<hbm>>)
        tpu.yield
      }) : () -> ()
    } else {
    }
    %add3A_86 = arith.constant 16 : i32
    %add3A_87 = arith.addi %add3A_86, %arg1 : i32
    %lt3A_88 = arith.constant 125 : i32
    %lt3A_89 = arith.cmpi slt, %add3A_87, %lt3A_88 : i32
    %convert_element_type3A_90 = arith.extui %lt3A_89 : i1 to i32
    %cond3A_91 = arith.constant 0 : i32
    %cond3A_92 = arith.cmpi ne, %convert_element_type3A_90, %cond3A_91 : i32
    scf.if %cond3A_92 {
      %mul3A_135 = arith.constant 80 : i32
      %mul3A_136 = arith.muli %add3A_87, %mul3A_135 : i32
      %mul3A_137 = arith.constant 80 : i32
      %mul3A_138 = arith.muli %add3A_87, %mul3A_137 : i32
      "tpu.region"() ({
        %run_scoped3A = tpu.sem_alloc : memref<!tpu.dma_semaphore, #tpu.memory_space<semaphore_mem>>
        %dma_start3A_139 = arith.constant 0 : i32
        %dma_start3A_140 = tpu.memref_slice %arg6[%arg0, %mul3A_138, %dma_start3A_139] : memref<2x10000x128xf32, #tpu.memory_space<hbm>> -> memref<1x80x128xf32, #tpu.memory_space<hbm>>
        %dma_start3A_141 = tpu.memref_squeeze %dma_start3A_140 : memref<1x80x128xf32, #tpu.memory_space<hbm>> -> memref<80x128xf32, #tpu.memory_space<hbm>>
        %dma_start3A_142 = arith.constant 0 : i32
        %dma_start3A_143 = tpu.memref_slice %arg10[%mul3A_136, %dma_start3A_142] : memref<10008x128xf32, #tpu.memory_space<vmem_shared>> -> memref<80x128xf32, #tpu.memory_space<vmem_shared>>
        tpu.enqueue_dma source(%dma_start3A_143 : memref<80x128xf32, #tpu.memory_space<vmem_shared>>) target(%dma_start3A_141 : memref<80x128xf32, #tpu.memory_space<hbm>>) target_semaphore(%run_scoped3A : memref<!tpu.dma_semaphore, #tpu.memory_space<semaphore_mem>>)
        %dma_wait3A = arith.constant 0 : i32
        %dma_wait3A_144 = tpu.memref_slice %arg6[%arg0, %mul3A_138, %dma_wait3A] : memref<2x10000x128xf32, #tpu.memory_space<hbm>> -> memref<1x80x128xf32, #tpu.memory_space<hbm>>
        %dma_wait3A_145 = tpu.memref_squeeze %dma_wait3A_144 : memref<1x80x128xf32, #tpu.memory_space<hbm>> -> memref<80x128xf32, #tpu.memory_space<hbm>>
        %dma_wait3A_146 = arith.constant 0 : i32
        %dma_wait3A_147 = tpu.memref_slice %arg10[%mul3A_136, %dma_wait3A_146] : memref<10008x128xf32, #tpu.memory_space<vmem_shared>> -> memref<80x128xf32, #tpu.memory_space<vmem_shared>>
        tpu.wait_dma2 semaphore(%run_scoped3A : memref<!tpu.dma_semaphore, #tpu.memory_space<semaphore_mem>>) src(%dma_wait3A_147 : memref<80x128xf32, #tpu.memory_space<vmem_shared>>) dst(%dma_wait3A_145 : memref<80x128xf32, #tpu.memory_space<hbm>>)
        tpu.yield
      }) : () -> ()
    } else {
    }
    %add3A_93 = arith.constant 32 : i32
    %add3A_94 = arith.addi %add3A_93, %arg1 : i32
    %lt3A_95 = arith.constant 125 : i32
    %lt3A_96 = arith.cmpi slt, %add3A_94, %lt3A_95 : i32
    %convert_element_type3A_97 = arith.extui %lt3A_96 : i1 to i32
    %cond3A_98 = arith.constant 0 : i32
    %cond3A_99 = arith.cmpi ne, %convert_element_type3A_97, %cond3A_98 : i32
    scf.if %cond3A_99 {
      %mul3A_135 = arith.constant 80 : i32
      %mul3A_136 = arith.muli %add3A_94, %mul3A_135 : i32
      %mul3A_137 = arith.constant 80 : i32
      %mul3A_138 = arith.muli %add3A_94, %mul3A_137 : i32
      "tpu.region"() ({
        %run_scoped3A = tpu.sem_alloc : memref<!tpu.dma_semaphore, #tpu.memory_space<semaphore_mem>>
        %dma_start3A_139 = arith.constant 0 : i32
        %dma_start3A_140 = tpu.memref_slice %arg6[%arg0, %mul3A_138, %dma_start3A_139] : memref<2x10000x128xf32, #tpu.memory_space<hbm>> -> memref<1x80x128xf32, #tpu.memory_space<hbm>>
        %dma_start3A_141 = tpu.memref_squeeze %dma_start3A_140 : memref<1x80x128xf32, #tpu.memory_space<hbm>> -> memref<80x128xf32, #tpu.memory_space<hbm>>
        %dma_start3A_142 = arith.constant 0 : i32
        %dma_start3A_143 = tpu.memref_slice %arg10[%mul3A_136, %dma_start3A_142] : memref<10008x128xf32, #tpu.memory_space<vmem_shared>> -> memref<80x128xf32, #tpu.memory_space<vmem_shared>>
        tpu.enqueue_dma source(%dma_start3A_143 : memref<80x128xf32, #tpu.memory_space<vmem_shared>>) target(%dma_start3A_141 : memref<80x128xf32, #tpu.memory_space<hbm>>) target_semaphore(%run_scoped3A : memref<!tpu.dma_semaphore, #tpu.memory_space<semaphore_mem>>)
        %dma_wait3A = arith.constant 0 : i32
        %dma_wait3A_144 = tpu.memref_slice %arg6[%arg0, %mul3A_138, %dma_wait3A] : memref<2x10000x128xf32, #tpu.memory_space<hbm>> -> memref<1x80x128xf32, #tpu.memory_space<hbm>>
        %dma_wait3A_145 = tpu.memref_squeeze %dma_wait3A_144 : memref<1x80x128xf32, #tpu.memory_space<hbm>> -> memref<80x128xf32, #tpu.memory_space<hbm>>
        %dma_wait3A_146 = arith.constant 0 : i32
        %dma_wait3A_147 = tpu.memref_slice %arg10[%mul3A_136, %dma_wait3A_146] : memref<10008x128xf32, #tpu.memory_space<vmem_shared>> -> memref<80x128xf32, #tpu.memory_space<vmem_shared>>
        tpu.wait_dma2 semaphore(%run_scoped3A : memref<!tpu.dma_semaphore, #tpu.memory_space<semaphore_mem>>) src(%dma_wait3A_147 : memref<80x128xf32, #tpu.memory_space<vmem_shared>>) dst(%dma_wait3A_145 : memref<80x128xf32, #tpu.memory_space<hbm>>)
        tpu.yield
      }) : () -> ()
    } else {
    }
    %add3A_100 = arith.constant 48 : i32
    %add3A_101 = arith.addi %add3A_100, %arg1 : i32
    %lt3A_102 = arith.constant 125 : i32
    %lt3A_103 = arith.cmpi slt, %add3A_101, %lt3A_102 : i32
    %convert_element_type3A_104 = arith.extui %lt3A_103 : i1 to i32
    %cond3A_105 = arith.constant 0 : i32
    %cond3A_106 = arith.cmpi ne, %convert_element_type3A_104, %cond3A_105 : i32
    scf.if %cond3A_106 {
      %mul3A_135 = arith.constant 80 : i32
      %mul3A_136 = arith.muli %add3A_101, %mul3A_135 : i32
      %mul3A_137 = arith.constant 80 : i32
      %mul3A_138 = arith.muli %add3A_101, %mul3A_137 : i32
      "tpu.region"() ({
        %run_scoped3A = tpu.sem_alloc : memref<!tpu.dma_semaphore, #tpu.memory_space<semaphore_mem>>
        %dma_start3A_139 = arith.constant 0 : i32
        %dma_start3A_140 = tpu.memref_slice %arg6[%arg0, %mul3A_138, %dma_start3A_139] : memref<2x10000x128xf32, #tpu.memory_space<hbm>> -> memref<1x80x128xf32, #tpu.memory_space<hbm>>
        %dma_start3A_141 = tpu.memref_squeeze %dma_start3A_140 : memref<1x80x128xf32, #tpu.memory_space<hbm>> -> memref<80x128xf32, #tpu.memory_space<hbm>>
        %dma_start3A_142 = arith.constant 0 : i32
        %dma_start3A_143 = tpu.memref_slice %arg10[%mul3A_136, %dma_start3A_142] : memref<10008x128xf32, #tpu.memory_space<vmem_shared>> -> memref<80x128xf32, #tpu.memory_space<vmem_shared>>
        tpu.enqueue_dma source(%dma_start3A_143 : memref<80x128xf32, #tpu.memory_space<vmem_shared>>) target(%dma_start3A_141 : memref<80x128xf32, #tpu.memory_space<hbm>>) target_semaphore(%run_scoped3A : memref<!tpu.dma_semaphore, #tpu.memory_space<semaphore_mem>>)
        %dma_wait3A = arith.constant 0 : i32
        %dma_wait3A_144 = tpu.memref_slice %arg6[%arg0, %mul3A_138, %dma_wait3A] : memref<2x10000x128xf32, #tpu.memory_space<hbm>> -> memref<1x80x128xf32, #tpu.memory_space<hbm>>
        %dma_wait3A_145 = tpu.memref_squeeze %dma_wait3A_144 : memref<1x80x128xf32, #tpu.memory_space<hbm>> -> memref<80x128xf32, #tpu.memory_space<hbm>>
        %dma_wait3A_146 = arith.constant 0 : i32
        %dma_wait3A_147 = tpu.memref_slice %arg10[%mul3A_136, %dma_wait3A_146] : memref<10008x128xf32, #tpu.memory_space<vmem_shared>> -> memref<80x128xf32, #tpu.memory_space<vmem_shared>>
        tpu.wait_dma2 semaphore(%run_scoped3A : memref<!tpu.dma_semaphore, #tpu.memory_space<semaphore_mem>>) src(%dma_wait3A_147 : memref<80x128xf32, #tpu.memory_space<vmem_shared>>) dst(%dma_wait3A_145 : memref<80x128xf32, #tpu.memory_space<hbm>>)
        tpu.yield
      }) : () -> ()
    } else {
    }
    %add3A_107 = arith.constant 64 : i32
    %add3A_108 = arith.addi %add3A_107, %arg1 : i32
    %lt3A_109 = arith.constant 125 : i32
    %lt3A_110 = arith.cmpi slt, %add3A_108, %lt3A_109 : i32
    %convert_element_type3A_111 = arith.extui %lt3A_110 : i1 to i32
    %cond3A_112 = arith.constant 0 : i32
    %cond3A_113 = arith.cmpi ne, %convert_element_type3A_111, %cond3A_112 : i32
    scf.if %cond3A_113 {
      %mul3A_135 = arith.constant 80 : i32
      %mul3A_136 = arith.muli %add3A_108, %mul3A_135 : i32
      %mul3A_137 = arith.constant 80 : i32
      %mul3A_138 = arith.muli %add3A_108, %mul3A_137 : i32
      "tpu.region"() ({
        %run_scoped3A = tpu.sem_alloc : memref<!tpu.dma_semaphore, #tpu.memory_space<semaphore_mem>>
        %dma_start3A_139 = arith.constant 0 : i32
        %dma_start3A_140 = tpu.memref_slice %arg6[%arg0, %mul3A_138, %dma_start3A_139] : memref<2x10000x128xf32, #tpu.memory_space<hbm>> -> memref<1x80x128xf32, #tpu.memory_space<hbm>>
        %dma_start3A_141 = tpu.memref_squeeze %dma_start3A_140 : memref<1x80x128xf32, #tpu.memory_space<hbm>> -> memref<80x128xf32, #tpu.memory_space<hbm>>
        %dma_start3A_142 = arith.constant 0 : i32
        %dma_start3A_143 = tpu.memref_slice %arg10[%mul3A_136, %dma_start3A_142] : memref<10008x128xf32, #tpu.memory_space<vmem_shared>> -> memref<80x128xf32, #tpu.memory_space<vmem_shared>>
        tpu.enqueue_dma source(%dma_start3A_143 : memref<80x128xf32, #tpu.memory_space<vmem_shared>>) target(%dma_start3A_141 : memref<80x128xf32, #tpu.memory_space<hbm>>) target_semaphore(%run_scoped3A : memref<!tpu.dma_semaphore, #tpu.memory_space<semaphore_mem>>)
        %dma_wait3A = arith.constant 0 : i32
        %dma_wait3A_144 = tpu.memref_slice %arg6[%arg0, %mul3A_138, %dma_wait3A] : memref<2x10000x128xf32, #tpu.memory_space<hbm>> -> memref<1x80x128xf32, #tpu.memory_space<hbm>>
        %dma_wait3A_145 = tpu.memref_squeeze %dma_wait3A_144 : memref<1x80x128xf32, #tpu.memory_space<hbm>> -> memref<80x128xf32, #tpu.memory_space<hbm>>
        %dma_wait3A_146 = arith.constant 0 : i32
        %dma_wait3A_147 = tpu.memref_slice %arg10[%mul3A_136, %dma_wait3A_146] : memref<10008x128xf32, #tpu.memory_space<vmem_shared>> -> memref<80x128xf32, #tpu.memory_space<vmem_shared>>
        tpu.wait_dma2 semaphore(%run_scoped3A : memref<!tpu.dma_semaphore, #tpu.memory_space<semaphore_mem>>) src(%dma_wait3A_147 : memref<80x128xf32, #tpu.memory_space<vmem_shared>>) dst(%dma_wait3A_145 : memref<80x128xf32, #tpu.memory_space<hbm>>)
        tpu.yield
      }) : () -> ()
    } else {
    }
    %add3A_114 = arith.constant 80 : i32
    %add3A_115 = arith.addi %add3A_114, %arg1 : i32
    %lt3A_116 = arith.constant 125 : i32
    %lt3A_117 = arith.cmpi slt, %add3A_115, %lt3A_116 : i32
    %convert_element_type3A_118 = arith.extui %lt3A_117 : i1 to i32
    %cond3A_119 = arith.constant 0 : i32
    %cond3A_120 = arith.cmpi ne, %convert_element_type3A_118, %cond3A_119 : i32
    scf.if %cond3A_120 {
      %mul3A_135 = arith.constant 80 : i32
      %mul3A_136 = arith.muli %add3A_115, %mul3A_135 : i32
      %mul3A_137 = arith.constant 80 : i32
      %mul3A_138 = arith.muli %add3A_115, %mul3A_137 : i32
      "tpu.region"() ({
        %run_scoped3A = tpu.sem_alloc : memref<!tpu.dma_semaphore, #tpu.memory_space<semaphore_mem>>
        %dma_start3A_139 = arith.constant 0 : i32
        %dma_start3A_140 = tpu.memref_slice %arg6[%arg0, %mul3A_138, %dma_start3A_139] : memref<2x10000x128xf32, #tpu.memory_space<hbm>> -> memref<1x80x128xf32, #tpu.memory_space<hbm>>
        %dma_start3A_141 = tpu.memref_squeeze %dma_start3A_140 : memref<1x80x128xf32, #tpu.memory_space<hbm>> -> memref<80x128xf32, #tpu.memory_space<hbm>>
        %dma_start3A_142 = arith.constant 0 : i32
        %dma_start3A_143 = tpu.memref_slice %arg10[%mul3A_136, %dma_start3A_142] : memref<10008x128xf32, #tpu.memory_space<vmem_shared>> -> memref<80x128xf32, #tpu.memory_space<vmem_shared>>
        tpu.enqueue_dma source(%dma_start3A_143 : memref<80x128xf32, #tpu.memory_space<vmem_shared>>) target(%dma_start3A_141 : memref<80x128xf32, #tpu.memory_space<hbm>>) target_semaphore(%run_scoped3A : memref<!tpu.dma_semaphore, #tpu.memory_space<semaphore_mem>>)
        %dma_wait3A = arith.constant 0 : i32
        %dma_wait3A_144 = tpu.memref_slice %arg6[%arg0, %mul3A_138, %dma_wait3A] : memref<2x10000x128xf32, #tpu.memory_space<hbm>> -> memref<1x80x128xf32, #tpu.memory_space<hbm>>
        %dma_wait3A_145 = tpu.memref_squeeze %dma_wait3A_144 : memref<1x80x128xf32, #tpu.memory_space<hbm>> -> memref<80x128xf32, #tpu.memory_space<hbm>>
        %dma_wait3A_146 = arith.constant 0 : i32
        %dma_wait3A_147 = tpu.memref_slice %arg10[%mul3A_136, %dma_wait3A_146] : memref<10008x128xf32, #tpu.memory_space<vmem_shared>> -> memref<80x128xf32, #tpu.memory_space<vmem_shared>>
        tpu.wait_dma2 semaphore(%run_scoped3A : memref<!tpu.dma_semaphore, #tpu.memory_space<semaphore_mem>>) src(%dma_wait3A_147 : memref<80x128xf32, #tpu.memory_space<vmem_shared>>) dst(%dma_wait3A_145 : memref<80x128xf32, #tpu.memory_space<hbm>>)
        tpu.yield
      }) : () -> ()
    } else {
    }
    %add3A_121 = arith.constant 96 : i32
    %add3A_122 = arith.addi %add3A_121, %arg1 : i32
    %lt3A_123 = arith.constant 125 : i32
    %lt3A_124 = arith.cmpi slt, %add3A_122, %lt3A_123 : i32
    %convert_element_type3A_125 = arith.extui %lt3A_124 : i1 to i32
    %cond3A_126 = arith.constant 0 : i32
    %cond3A_127 = arith.cmpi ne, %convert_element_type3A_125, %cond3A_126 : i32
    scf.if %cond3A_127 {
      %mul3A_135 = arith.constant 80 : i32
      %mul3A_136 = arith.muli %add3A_122, %mul3A_135 : i32
      %mul3A_137 = arith.constant 80 : i32
      %mul3A_138 = arith.muli %add3A_122, %mul3A_137 : i32
      "tpu.region"() ({
        %run_scoped3A = tpu.sem_alloc : memref<!tpu.dma_semaphore, #tpu.memory_space<semaphore_mem>>
        %dma_start3A_139 = arith.constant 0 : i32
        %dma_start3A_140 = tpu.memref_slice %arg6[%arg0, %mul3A_138, %dma_start3A_139] : memref<2x10000x128xf32, #tpu.memory_space<hbm>> -> memref<1x80x128xf32, #tpu.memory_space<hbm>>
        %dma_start3A_141 = tpu.memref_squeeze %dma_start3A_140 : memref<1x80x128xf32, #tpu.memory_space<hbm>> -> memref<80x128xf32, #tpu.memory_space<hbm>>
        %dma_start3A_142 = arith.constant 0 : i32
        %dma_start3A_143 = tpu.memref_slice %arg10[%mul3A_136, %dma_start3A_142] : memref<10008x128xf32, #tpu.memory_space<vmem_shared>> -> memref<80x128xf32, #tpu.memory_space<vmem_shared>>
        tpu.enqueue_dma source(%dma_start3A_143 : memref<80x128xf32, #tpu.memory_space<vmem_shared>>) target(%dma_start3A_141 : memref<80x128xf32, #tpu.memory_space<hbm>>) target_semaphore(%run_scoped3A : memref<!tpu.dma_semaphore, #tpu.memory_space<semaphore_mem>>)
        %dma_wait3A = arith.constant 0 : i32
        %dma_wait3A_144 = tpu.memref_slice %arg6[%arg0, %mul3A_138, %dma_wait3A] : memref<2x10000x128xf32, #tpu.memory_space<hbm>> -> memref<1x80x128xf32, #tpu.memory_space<hbm>>
        %dma_wait3A_145 = tpu.memref_squeeze %dma_wait3A_144 : memref<1x80x128xf32, #tpu.memory_space<hbm>> -> memref<80x128xf32, #tpu.memory_space<hbm>>
        %dma_wait3A_146 = arith.constant 0 : i32
        %dma_wait3A_147 = tpu.memref_slice %arg10[%mul3A_136, %dma_wait3A_146] : memref<10008x128xf32, #tpu.memory_space<vmem_shared>> -> memref<80x128xf32, #tpu.memory_space<vmem_shared>>
        tpu.wait_dma2 semaphore(%run_scoped3A : memref<!tpu.dma_semaphore, #tpu.memory_space<semaphore_mem>>) src(%dma_wait3A_147 : memref<80x128xf32, #tpu.memory_space<vmem_shared>>) dst(%dma_wait3A_145 : memref<80x128xf32, #tpu.memory_space<hbm>>)
        tpu.yield
      }) : () -> ()
    } else {
    }
    %add3A_128 = arith.constant 112 : i32
    %add3A_129 = arith.addi %add3A_128, %arg1 : i32
    %lt3A_130 = arith.constant 125 : i32
    %lt3A_131 = arith.cmpi slt, %add3A_129, %lt3A_130 : i32
    %convert_element_type3A_132 = arith.extui %lt3A_131 : i1 to i32
    %cond3A_133 = arith.constant 0 : i32
    %cond3A_134 = arith.cmpi ne, %convert_element_type3A_132, %cond3A_133 : i32
    scf.if %cond3A_134 {
      %mul3A_135 = arith.constant 80 : i32
      %mul3A_136 = arith.muli %add3A_129, %mul3A_135 : i32
      %mul3A_137 = arith.constant 80 : i32
      %mul3A_138 = arith.muli %add3A_129, %mul3A_137 : i32
      "tpu.region"() ({
        %run_scoped3A = tpu.sem_alloc : memref<!tpu.dma_semaphore, #tpu.memory_space<semaphore_mem>>
        %dma_start3A_139 = arith.constant 0 : i32
        %dma_start3A_140 = tpu.memref_slice %arg6[%arg0, %mul3A_138, %dma_start3A_139] : memref<2x10000x128xf32, #tpu.memory_space<hbm>> -> memref<1x80x128xf32, #tpu.memory_space<hbm>>
        %dma_start3A_141 = tpu.memref_squeeze %dma_start3A_140 : memref<1x80x128xf32, #tpu.memory_space<hbm>> -> memref<80x128xf32, #tpu.memory_space<hbm>>
        %dma_start3A_142 = arith.constant 0 : i32
        %dma_start3A_143 = tpu.memref_slice %arg10[%mul3A_136, %dma_start3A_142] : memref<10008x128xf32, #tpu.memory_space<vmem_shared>> -> memref<80x128xf32, #tpu.memory_space<vmem_shared>>
        tpu.enqueue_dma source(%dma_start3A_143 : memref<80x128xf32, #tpu.memory_space<vmem_shared>>) target(%dma_start3A_141 : memref<80x128xf32, #tpu.memory_space<hbm>>) target_semaphore(%run_scoped3A : memref<!tpu.dma_semaphore, #tpu.memory_space<semaphore_mem>>)
        %dma_wait3A = arith.constant 0 : i32
        %dma_wait3A_144 = tpu.memref_slice %arg6[%arg0, %mul3A_138, %dma_wait3A] : memref<2x10000x128xf32, #tpu.memory_space<hbm>> -> memref<1x80x128xf32, #tpu.memory_space<hbm>>
        %dma_wait3A_145 = tpu.memref_squeeze %dma_wait3A_144 : memref<1x80x128xf32, #tpu.memory_space<hbm>> -> memref<80x128xf32, #tpu.memory_space<hbm>>
        %dma_wait3A_146 = arith.constant 0 : i32
        %dma_wait3A_147 = tpu.memref_slice %arg10[%mul3A_136, %dma_wait3A_146] : memref<10008x128xf32, #tpu.memory_space<vmem_shared>> -> memref<80x128xf32, #tpu.memory_space<vmem_shared>>
        tpu.wait_dma2 semaphore(%run_scoped3A : memref<!tpu.dma_semaphore, #tpu.memory_space<semaphore_mem>>) src(%dma_wait3A_147 : memref<80x128xf32, #tpu.memory_space<vmem_shared>>) dst(%dma_wait3A_145 : memref<80x128xf32, #tpu.memory_space<hbm>>)
        tpu.yield
      }) : () -> ()
    } else {
    }
    return
  }
}

#map = affine_map<(d0, d1) -> (0, 0)>
#map1 = affine_map<(d0, d1) -> (0, 0, 0)>
module attributes {stable_mosaic.version = 14 : i64} {
  func.func @_sc_body(%arg0: i32, %arg1: i32, %arg2: memref<10000x128xf32, #tpu.memory_space<hbm>>, %arg3: memref<32x10176xi32, #tpu.memory_space<hbm>>, %arg4: memref<32x106x96xi32, #tpu.memory_space<hbm>>, %arg5: memref<80x128xf32, #tpu.memory_space<hbm>>, %arg6: memref<2x10000x128xf32, #tpu.memory_space<hbm>>, %arg7: memref<10176xi32, #tpu.memory_space<vmem>>, %arg8: memref<106x96xi32, #tpu.memory_space<vmem>>, %arg9: memref<2x96x128xf32, #tpu.memory_space<vmem>>, %arg10: memref<10008x128xf32, #tpu.memory_space<vmem_shared>>, %arg11: memref<!tpu.dma_semaphore, #tpu.memory_space<semaphore_mem>>, %arg12: memref<!tpu.dma_semaphore, #tpu.memory_space<semaphore_mem>>) attributes {dimension_semantics = [#tpu.dimension_semantics<core_parallel>, #tpu.dimension_semantics<subcore_parallel>], iteration_bounds = array<i64: 2, 16>, scalar_prefetch = 0 : i64, scratch_operands = 6 : i64, tpu.core_type = #tpu.core_type<sc_vector_subcore>, window_params = [{transform_indices = #map}, {transform_indices = #map}, {transform_indices = #map1}, {transform_indices = #map}, {transform_indices = #map1}]} {
    %mul3A = arith.constant 2 : i32
    %mul3A_0 = arith.muli %arg1, %mul3A : i32
    %add3A = arith.addi %mul3A_0, %arg0 : i32
    %add3A_1 = arith.constant 0 : i32
    %add3A_2 = arith.addi %add3A_1, %arg1 : i32
    %lt3A = arith.constant 125 : i32
    %lt3A_3 = arith.cmpi slt, %add3A_2, %lt3A : i32
    %convert_element_type3A = arith.extui %lt3A_3 : i1 to i32
    %cond3A = arith.constant 0 : i32
    %cond3A_4 = arith.cmpi ne, %convert_element_type3A, %cond3A : i32
    scf.if %cond3A_4 {
      %mul3A_135 = arith.constant 80 : i32
      %mul3A_136 = arith.muli %add3A_2, %mul3A_135 : i32
      "tpu.region"() ({
        %run_scoped3A = tpu.sem_alloc : memref<!tpu.dma_semaphore, #tpu.memory_space<semaphore_mem>>
        %dma_start3A_137 = arith.constant 0 : i32
        %dma_start3A_138 = tpu.memref_slice %arg10[%mul3A_136, %dma_start3A_137] : memref<10008x128xf32, #tpu.memory_space<vmem_shared>> -> memref<80x128xf32, #tpu.memory_space<vmem_shared>>
        tpu.enqueue_dma source(%arg5 : memref<80x128xf32, #tpu.memory_space<hbm>>) target(%dma_start3A_138 : memref<80x128xf32, #tpu.memory_space<vmem_shared>>) target_semaphore(%run_scoped3A : memref<!tpu.dma_semaphore, #tpu.memory_space<semaphore_mem>>)
        %dma_wait3A = arith.constant 0 : i32
        %dma_wait3A_139 = tpu.memref_slice %arg10[%mul3A_136, %dma_wait3A] : memref<10008x128xf32, #tpu.memory_space<vmem_shared>> -> memref<80x128xf32, #tpu.memory_space<vmem_shared>>
        tpu.wait_dma2 semaphore(%run_scoped3A : memref<!tpu.dma_semaphore, #tpu.memory_space<semaphore_mem>>) src(%arg5 : memref<80x128xf32, #tpu.memory_space<hbm>>) dst(%dma_wait3A_139 : memref<80x128xf32, #tpu.memory_space<vmem_shared>>)
        tpu.yield
      }) : () -> ()
    } else {
    }
    %add3A_5 = arith.constant 16 : i32
    %add3A_6 = arith.addi %add3A_5, %arg1 : i32
    %lt3A_7 = arith.constant 125 : i32
    %lt3A_8 = arith.cmpi slt, %add3A_6, %lt3A_7 : i32
    %convert_element_type3A_9 = arith.extui %lt3A_8 : i1 to i32
    %cond3A_10 = arith.constant 0 : i32
    %cond3A_11 = arith.cmpi ne, %convert_element_type3A_9, %cond3A_10 : i32
    scf.if %cond3A_11 {
      %mul3A_135 = arith.constant 80 : i32
      %mul3A_136 = arith.muli %add3A_6, %mul3A_135 : i32
      "tpu.region"() ({
        %run_scoped3A = tpu.sem_alloc : memref<!tpu.dma_semaphore, #tpu.memory_space<semaphore_mem>>
        %dma_start3A_137 = arith.constant 0 : i32
        %dma_start3A_138 = tpu.memref_slice %arg10[%mul3A_136, %dma_start3A_137] : memref<10008x128xf32, #tpu.memory_space<vmem_shared>> -> memref<80x128xf32, #tpu.memory_space<vmem_shared>>
        tpu.enqueue_dma source(%arg5 : memref<80x128xf32, #tpu.memory_space<hbm>>) target(%dma_start3A_138 : memref<80x128xf32, #tpu.memory_space<vmem_shared>>) target_semaphore(%run_scoped3A : memref<!tpu.dma_semaphore, #tpu.memory_space<semaphore_mem>>)
        %dma_wait3A = arith.constant 0 : i32
        %dma_wait3A_139 = tpu.memref_slice %arg10[%mul3A_136, %dma_wait3A] : memref<10008x128xf32, #tpu.memory_space<vmem_shared>> -> memref<80x128xf32, #tpu.memory_space<vmem_shared>>
        tpu.wait_dma2 semaphore(%run_scoped3A : memref<!tpu.dma_semaphore, #tpu.memory_space<semaphore_mem>>) src(%arg5 : memref<80x128xf32, #tpu.memory_space<hbm>>) dst(%dma_wait3A_139 : memref<80x128xf32, #tpu.memory_space<vmem_shared>>)
        tpu.yield
      }) : () -> ()
    } else {
    }
    %add3A_12 = arith.constant 32 : i32
    %add3A_13 = arith.addi %add3A_12, %arg1 : i32
    %lt3A_14 = arith.constant 125 : i32
    %lt3A_15 = arith.cmpi slt, %add3A_13, %lt3A_14 : i32
    %convert_element_type3A_16 = arith.extui %lt3A_15 : i1 to i32
    %cond3A_17 = arith.constant 0 : i32
    %cond3A_18 = arith.cmpi ne, %convert_element_type3A_16, %cond3A_17 : i32
    scf.if %cond3A_18 {
      %mul3A_135 = arith.constant 80 : i32
      %mul3A_136 = arith.muli %add3A_13, %mul3A_135 : i32
      "tpu.region"() ({
        %run_scoped3A = tpu.sem_alloc : memref<!tpu.dma_semaphore, #tpu.memory_space<semaphore_mem>>
        %dma_start3A_137 = arith.constant 0 : i32
        %dma_start3A_138 = tpu.memref_slice %arg10[%mul3A_136, %dma_start3A_137] : memref<10008x128xf32, #tpu.memory_space<vmem_shared>> -> memref<80x128xf32, #tpu.memory_space<vmem_shared>>
        tpu.enqueue_dma source(%arg5 : memref<80x128xf32, #tpu.memory_space<hbm>>) target(%dma_start3A_138 : memref<80x128xf32, #tpu.memory_space<vmem_shared>>) target_semaphore(%run_scoped3A : memref<!tpu.dma_semaphore, #tpu.memory_space<semaphore_mem>>)
        %dma_wait3A = arith.constant 0 : i32
        %dma_wait3A_139 = tpu.memref_slice %arg10[%mul3A_136, %dma_wait3A] : memref<10008x128xf32, #tpu.memory_space<vmem_shared>> -> memref<80x128xf32, #tpu.memory_space<vmem_shared>>
        tpu.wait_dma2 semaphore(%run_scoped3A : memref<!tpu.dma_semaphore, #tpu.memory_space<semaphore_mem>>) src(%arg5 : memref<80x128xf32, #tpu.memory_space<hbm>>) dst(%dma_wait3A_139 : memref<80x128xf32, #tpu.memory_space<vmem_shared>>)
        tpu.yield
      }) : () -> ()
    } else {
    }
    %add3A_19 = arith.constant 48 : i32
    %add3A_20 = arith.addi %add3A_19, %arg1 : i32
    %lt3A_21 = arith.constant 125 : i32
    %lt3A_22 = arith.cmpi slt, %add3A_20, %lt3A_21 : i32
    %convert_element_type3A_23 = arith.extui %lt3A_22 : i1 to i32
    %cond3A_24 = arith.constant 0 : i32
    %cond3A_25 = arith.cmpi ne, %convert_element_type3A_23, %cond3A_24 : i32
    scf.if %cond3A_25 {
      %mul3A_135 = arith.constant 80 : i32
      %mul3A_136 = arith.muli %add3A_20, %mul3A_135 : i32
      "tpu.region"() ({
        %run_scoped3A = tpu.sem_alloc : memref<!tpu.dma_semaphore, #tpu.memory_space<semaphore_mem>>
        %dma_start3A_137 = arith.constant 0 : i32
        %dma_start3A_138 = tpu.memref_slice %arg10[%mul3A_136, %dma_start3A_137] : memref<10008x128xf32, #tpu.memory_space<vmem_shared>> -> memref<80x128xf32, #tpu.memory_space<vmem_shared>>
        tpu.enqueue_dma source(%arg5 : memref<80x128xf32, #tpu.memory_space<hbm>>) target(%dma_start3A_138 : memref<80x128xf32, #tpu.memory_space<vmem_shared>>) target_semaphore(%run_scoped3A : memref<!tpu.dma_semaphore, #tpu.memory_space<semaphore_mem>>)
        %dma_wait3A = arith.constant 0 : i32
        %dma_wait3A_139 = tpu.memref_slice %arg10[%mul3A_136, %dma_wait3A] : memref<10008x128xf32, #tpu.memory_space<vmem_shared>> -> memref<80x128xf32, #tpu.memory_space<vmem_shared>>
        tpu.wait_dma2 semaphore(%run_scoped3A : memref<!tpu.dma_semaphore, #tpu.memory_space<semaphore_mem>>) src(%arg5 : memref<80x128xf32, #tpu.memory_space<hbm>>) dst(%dma_wait3A_139 : memref<80x128xf32, #tpu.memory_space<vmem_shared>>)
        tpu.yield
      }) : () -> ()
    } else {
    }
    %add3A_26 = arith.constant 64 : i32
    %add3A_27 = arith.addi %add3A_26, %arg1 : i32
    %lt3A_28 = arith.constant 125 : i32
    %lt3A_29 = arith.cmpi slt, %add3A_27, %lt3A_28 : i32
    %convert_element_type3A_30 = arith.extui %lt3A_29 : i1 to i32
    %cond3A_31 = arith.constant 0 : i32
    %cond3A_32 = arith.cmpi ne, %convert_element_type3A_30, %cond3A_31 : i32
    scf.if %cond3A_32 {
      %mul3A_135 = arith.constant 80 : i32
      %mul3A_136 = arith.muli %add3A_27, %mul3A_135 : i32
      "tpu.region"() ({
        %run_scoped3A = tpu.sem_alloc : memref<!tpu.dma_semaphore, #tpu.memory_space<semaphore_mem>>
        %dma_start3A_137 = arith.constant 0 : i32
        %dma_start3A_138 = tpu.memref_slice %arg10[%mul3A_136, %dma_start3A_137] : memref<10008x128xf32, #tpu.memory_space<vmem_shared>> -> memref<80x128xf32, #tpu.memory_space<vmem_shared>>
        tpu.enqueue_dma source(%arg5 : memref<80x128xf32, #tpu.memory_space<hbm>>) target(%dma_start3A_138 : memref<80x128xf32, #tpu.memory_space<vmem_shared>>) target_semaphore(%run_scoped3A : memref<!tpu.dma_semaphore, #tpu.memory_space<semaphore_mem>>)
        %dma_wait3A = arith.constant 0 : i32
        %dma_wait3A_139 = tpu.memref_slice %arg10[%mul3A_136, %dma_wait3A] : memref<10008x128xf32, #tpu.memory_space<vmem_shared>> -> memref<80x128xf32, #tpu.memory_space<vmem_shared>>
        tpu.wait_dma2 semaphore(%run_scoped3A : memref<!tpu.dma_semaphore, #tpu.memory_space<semaphore_mem>>) src(%arg5 : memref<80x128xf32, #tpu.memory_space<hbm>>) dst(%dma_wait3A_139 : memref<80x128xf32, #tpu.memory_space<vmem_shared>>)
        tpu.yield
      }) : () -> ()
    } else {
    }
    %add3A_33 = arith.constant 80 : i32
    %add3A_34 = arith.addi %add3A_33, %arg1 : i32
    %lt3A_35 = arith.constant 125 : i32
    %lt3A_36 = arith.cmpi slt, %add3A_34, %lt3A_35 : i32
    %convert_element_type3A_37 = arith.extui %lt3A_36 : i1 to i32
    %cond3A_38 = arith.constant 0 : i32
    %cond3A_39 = arith.cmpi ne, %convert_element_type3A_37, %cond3A_38 : i32
    scf.if %cond3A_39 {
      %mul3A_135 = arith.constant 80 : i32
      %mul3A_136 = arith.muli %add3A_34, %mul3A_135 : i32
      "tpu.region"() ({
        %run_scoped3A = tpu.sem_alloc : memref<!tpu.dma_semaphore, #tpu.memory_space<semaphore_mem>>
        %dma_start3A_137 = arith.constant 0 : i32
        %dma_start3A_138 = tpu.memref_slice %arg10[%mul3A_136, %dma_start3A_137] : memref<10008x128xf32, #tpu.memory_space<vmem_shared>> -> memref<80x128xf32, #tpu.memory_space<vmem_shared>>
        tpu.enqueue_dma source(%arg5 : memref<80x128xf32, #tpu.memory_space<hbm>>) target(%dma_start3A_138 : memref<80x128xf32, #tpu.memory_space<vmem_shared>>) target_semaphore(%run_scoped3A : memref<!tpu.dma_semaphore, #tpu.memory_space<semaphore_mem>>)
        %dma_wait3A = arith.constant 0 : i32
        %dma_wait3A_139 = tpu.memref_slice %arg10[%mul3A_136, %dma_wait3A] : memref<10008x128xf32, #tpu.memory_space<vmem_shared>> -> memref<80x128xf32, #tpu.memory_space<vmem_shared>>
        tpu.wait_dma2 semaphore(%run_scoped3A : memref<!tpu.dma_semaphore, #tpu.memory_space<semaphore_mem>>) src(%arg5 : memref<80x128xf32, #tpu.memory_space<hbm>>) dst(%dma_wait3A_139 : memref<80x128xf32, #tpu.memory_space<vmem_shared>>)
        tpu.yield
      }) : () -> ()
    } else {
    }
    %add3A_40 = arith.constant 96 : i32
    %add3A_41 = arith.addi %add3A_40, %arg1 : i32
    %lt3A_42 = arith.constant 125 : i32
    %lt3A_43 = arith.cmpi slt, %add3A_41, %lt3A_42 : i32
    %convert_element_type3A_44 = arith.extui %lt3A_43 : i1 to i32
    %cond3A_45 = arith.constant 0 : i32
    %cond3A_46 = arith.cmpi ne, %convert_element_type3A_44, %cond3A_45 : i32
    scf.if %cond3A_46 {
      %mul3A_135 = arith.constant 80 : i32
      %mul3A_136 = arith.muli %add3A_41, %mul3A_135 : i32
      "tpu.region"() ({
        %run_scoped3A = tpu.sem_alloc : memref<!tpu.dma_semaphore, #tpu.memory_space<semaphore_mem>>
        %dma_start3A_137 = arith.constant 0 : i32
        %dma_start3A_138 = tpu.memref_slice %arg10[%mul3A_136, %dma_start3A_137] : memref<10008x128xf32, #tpu.memory_space<vmem_shared>> -> memref<80x128xf32, #tpu.memory_space<vmem_shared>>
        tpu.enqueue_dma source(%arg5 : memref<80x128xf32, #tpu.memory_space<hbm>>) target(%dma_start3A_138 : memref<80x128xf32, #tpu.memory_space<vmem_shared>>) target_semaphore(%run_scoped3A : memref<!tpu.dma_semaphore, #tpu.memory_space<semaphore_mem>>)
        %dma_wait3A = arith.constant 0 : i32
        %dma_wait3A_139 = tpu.memref_slice %arg10[%mul3A_136, %dma_wait3A] : memref<10008x128xf32, #tpu.memory_space<vmem_shared>> -> memref<80x128xf32, #tpu.memory_space<vmem_shared>>
        tpu.wait_dma2 semaphore(%run_scoped3A : memref<!tpu.dma_semaphore, #tpu.memory_space<semaphore_mem>>) src(%arg5 : memref<80x128xf32, #tpu.memory_space<hbm>>) dst(%dma_wait3A_139 : memref<80x128xf32, #tpu.memory_space<vmem_shared>>)
        tpu.yield
      }) : () -> ()
    } else {
    }
    %add3A_47 = arith.constant 112 : i32
    %add3A_48 = arith.addi %add3A_47, %arg1 : i32
    %lt3A_49 = arith.constant 125 : i32
    %lt3A_50 = arith.cmpi slt, %add3A_48, %lt3A_49 : i32
    %convert_element_type3A_51 = arith.extui %lt3A_50 : i1 to i32
    %cond3A_52 = arith.constant 0 : i32
    %cond3A_53 = arith.cmpi ne, %convert_element_type3A_51, %cond3A_52 : i32
    scf.if %cond3A_53 {
      %mul3A_135 = arith.constant 80 : i32
      %mul3A_136 = arith.muli %add3A_48, %mul3A_135 : i32
      "tpu.region"() ({
        %run_scoped3A = tpu.sem_alloc : memref<!tpu.dma_semaphore, #tpu.memory_space<semaphore_mem>>
        %dma_start3A_137 = arith.constant 0 : i32
        %dma_start3A_138 = tpu.memref_slice %arg10[%mul3A_136, %dma_start3A_137] : memref<10008x128xf32, #tpu.memory_space<vmem_shared>> -> memref<80x128xf32, #tpu.memory_space<vmem_shared>>
        tpu.enqueue_dma source(%arg5 : memref<80x128xf32, #tpu.memory_space<hbm>>) target(%dma_start3A_138 : memref<80x128xf32, #tpu.memory_space<vmem_shared>>) target_semaphore(%run_scoped3A : memref<!tpu.dma_semaphore, #tpu.memory_space<semaphore_mem>>)
        %dma_wait3A = arith.constant 0 : i32
        %dma_wait3A_139 = tpu.memref_slice %arg10[%mul3A_136, %dma_wait3A] : memref<10008x128xf32, #tpu.memory_space<vmem_shared>> -> memref<80x128xf32, #tpu.memory_space<vmem_shared>>
        tpu.wait_dma2 semaphore(%run_scoped3A : memref<!tpu.dma_semaphore, #tpu.memory_space<semaphore_mem>>) src(%arg5 : memref<80x128xf32, #tpu.memory_space<hbm>>) dst(%dma_wait3A_139 : memref<80x128xf32, #tpu.memory_space<vmem_shared>>)
        tpu.yield
      }) : () -> ()
    } else {
    }
    "tpu.region"() ({
      %run_scoped3A = tpu.sem_alloc : memref<!tpu.dma_semaphore, #tpu.memory_space<semaphore_mem>>
      %dma_start3A_135 = arith.constant 0 : i32
      %dma_start3A_136 = tpu.memref_slice %arg3[%add3A, %dma_start3A_135] : memref<32x10176xi32, #tpu.memory_space<hbm>> -> memref<1x10176xi32, #tpu.memory_space<hbm>>
      %dma_start3A_137 = tpu.memref_squeeze %dma_start3A_136 : memref<1x10176xi32, #tpu.memory_space<hbm>> -> memref<10176xi32, #tpu.memory_space<hbm>>
      %dma_start3A_138 = arith.constant 0 : i32
      %dma_start3A_139 = tpu.memref_slice %arg3[%add3A, %dma_start3A_138] : memref<32x10176xi32, #tpu.memory_space<hbm>> -> memref<1x10176xi32, #tpu.memory_space<hbm>>
      %dma_start3A_140 = tpu.memref_squeeze %dma_start3A_139 : memref<1x10176xi32, #tpu.memory_space<hbm>> -> memref<10176xi32, #tpu.memory_space<hbm>>
      tpu.enqueue_dma source(%dma_start3A_140 : memref<10176xi32, #tpu.memory_space<hbm>>) target(%arg7 : memref<10176xi32, #tpu.memory_space<vmem>>) target_semaphore(%run_scoped3A : memref<!tpu.dma_semaphore, #tpu.memory_space<semaphore_mem>>)
      %dma_wait3A = arith.constant 0 : i32
      %dma_wait3A_141 = tpu.memref_slice %arg3[%add3A, %dma_wait3A] : memref<32x10176xi32, #tpu.memory_space<hbm>> -> memref<1x10176xi32, #tpu.memory_space<hbm>>
      %dma_wait3A_142 = tpu.memref_squeeze %dma_wait3A_141 : memref<1x10176xi32, #tpu.memory_space<hbm>> -> memref<10176xi32, #tpu.memory_space<hbm>>
      %dma_wait3A_143 = arith.constant 0 : i32
      %dma_wait3A_144 = tpu.memref_slice %arg3[%add3A, %dma_wait3A_143] : memref<32x10176xi32, #tpu.memory_space<hbm>> -> memref<1x10176xi32, #tpu.memory_space<hbm>>
      %dma_wait3A_145 = tpu.memref_squeeze %dma_wait3A_144 : memref<1x10176xi32, #tpu.memory_space<hbm>> -> memref<10176xi32, #tpu.memory_space<hbm>>
      tpu.wait_dma2 semaphore(%run_scoped3A : memref<!tpu.dma_semaphore, #tpu.memory_space<semaphore_mem>>) src(%dma_wait3A_145 : memref<10176xi32, #tpu.memory_space<hbm>>) dst(%arg7 : memref<10176xi32, #tpu.memory_space<vmem>>)
      tpu.yield
    }) : () -> ()
    "tpu.region"() ({
      %run_scoped3A = tpu.sem_alloc : memref<!tpu.dma_semaphore, #tpu.memory_space<semaphore_mem>>
      %dma_start3A_135 = arith.constant 0 : i32
      %dma_start3A_136 = arith.constant 0 : i32
      %dma_start3A_137 = tpu.memref_slice %arg4[%add3A, %dma_start3A_135, %dma_start3A_136] : memref<32x106x96xi32, #tpu.memory_space<hbm>> -> memref<1x106x96xi32, #tpu.memory_space<hbm>>
      %dma_start3A_138 = tpu.memref_squeeze %dma_start3A_137 : memref<1x106x96xi32, #tpu.memory_space<hbm>> -> memref<106x96xi32, #tpu.memory_space<hbm>>
      %dma_start3A_139 = arith.constant 0 : i32
      %dma_start3A_140 = arith.constant 0 : i32
      %dma_start3A_141 = tpu.memref_slice %arg4[%add3A, %dma_start3A_139, %dma_start3A_140] : memref<32x106x96xi32, #tpu.memory_space<hbm>> -> memref<1x106x96xi32, #tpu.memory_space<hbm>>
      %dma_start3A_142 = tpu.memref_squeeze %dma_start3A_141 : memref<1x106x96xi32, #tpu.memory_space<hbm>> -> memref<106x96xi32, #tpu.memory_space<hbm>>
      tpu.enqueue_dma source(%dma_start3A_142 : memref<106x96xi32, #tpu.memory_space<hbm>>) target(%arg8 : memref<106x96xi32, #tpu.memory_space<vmem>>) target_semaphore(%run_scoped3A : memref<!tpu.dma_semaphore, #tpu.memory_space<semaphore_mem>>)
      %dma_wait3A = arith.constant 0 : i32
      %dma_wait3A_143 = arith.constant 0 : i32
      %dma_wait3A_144 = tpu.memref_slice %arg4[%add3A, %dma_wait3A, %dma_wait3A_143] : memref<32x106x96xi32, #tpu.memory_space<hbm>> -> memref<1x106x96xi32, #tpu.memory_space<hbm>>
      %dma_wait3A_145 = tpu.memref_squeeze %dma_wait3A_144 : memref<1x106x96xi32, #tpu.memory_space<hbm>> -> memref<106x96xi32, #tpu.memory_space<hbm>>
      %dma_wait3A_146 = arith.constant 0 : i32
      %dma_wait3A_147 = arith.constant 0 : i32
      %dma_wait3A_148 = tpu.memref_slice %arg4[%add3A, %dma_wait3A_146, %dma_wait3A_147] : memref<32x106x96xi32, #tpu.memory_space<hbm>> -> memref<1x106x96xi32, #tpu.memory_space<hbm>>
      %dma_wait3A_149 = tpu.memref_squeeze %dma_wait3A_148 : memref<1x106x96xi32, #tpu.memory_space<hbm>> -> memref<106x96xi32, #tpu.memory_space<hbm>>
      tpu.wait_dma2 semaphore(%run_scoped3A : memref<!tpu.dma_semaphore, #tpu.memory_space<semaphore_mem>>) src(%dma_wait3A_149 : memref<106x96xi32, #tpu.memory_space<hbm>>) dst(%arg8 : memref<106x96xi32, #tpu.memory_space<vmem>>)
      tpu.yield
    }) : () -> ()
    %barrier3A = arith.constant 0 : index
    tpu.barrier barrier_id(%barrier3A)
    %dma_start3A = arith.constant 0 : i32
    %dma_start3A_54 = arith.constant 0 : i32
    %dma_start3A_55 = arith.constant 0 : i32
    %dma_start3A_56 = tpu.memref_slice %arg9[%dma_start3A, %dma_start3A_54, %dma_start3A_55] : memref<2x96x128xf32, #tpu.memory_space<vmem>> -> memref<1x96x128xf32, #tpu.memory_space<vmem>>
    %dma_start3A_57 = tpu.memref_squeeze %dma_start3A_56 : memref<1x96x128xf32, #tpu.memory_space<vmem>> -> memref<96x128xf32, #tpu.memory_space<vmem>>
    %dma_start3A_58 = arith.constant 0 : i32
    %dma_start3A_59 = tpu.memref_slice %arg7[%dma_start3A_58] : memref<10176xi32, #tpu.memory_space<vmem>> -> memref<96xi32, #tpu.memory_space<vmem>>
    %dma_start3A_60 = arith.constant 0 : i32
    %dma_start3A_61 = arith.constant 0 : i32
    %dma_start3A_62 = tpu.memref_slice %arg2[%dma_start3A_60, %dma_start3A_61] : memref<10000x128xf32, #tpu.memory_space<hbm>> -> memref<10000x128xf32, #tpu.memory_space<hbm>>
    tpu.enqueue_indirect_dma source(%dma_start3A_62 : memref<10000x128xf32, #tpu.memory_space<hbm>>) target(%dma_start3A_57 : memref<96x128xf32, #tpu.memory_space<vmem>>) offsets(%dma_start3A_59 : memref<96xi32, #tpu.memory_space<vmem>>) semaphore(%arg11 : memref<!tpu.dma_semaphore, #tpu.memory_space<semaphore_mem>>)
    %dma_start3A_63 = arith.constant 1 : i32
    %dma_start3A_64 = arith.constant 0 : i32
    %dma_start3A_65 = arith.constant 0 : i32
    %dma_start3A_66 = tpu.memref_slice %arg9[%dma_start3A_63, %dma_start3A_64, %dma_start3A_65] : memref<2x96x128xf32, #tpu.memory_space<vmem>> -> memref<1x96x128xf32, #tpu.memory_space<vmem>>
    %dma_start3A_67 = tpu.memref_squeeze %dma_start3A_66 : memref<1x96x128xf32, #tpu.memory_space<vmem>> -> memref<96x128xf32, #tpu.memory_space<vmem>>
    %dma_start3A_68 = arith.constant 96 : i32
    %dma_start3A_69 = tpu.memref_slice %arg7[%dma_start3A_68] : memref<10176xi32, #tpu.memory_space<vmem>> -> memref<96xi32, #tpu.memory_space<vmem>>
    %dma_start3A_70 = arith.constant 0 : i32
    %dma_start3A_71 = arith.constant 0 : i32
    %dma_start3A_72 = tpu.memref_slice %arg2[%dma_start3A_70, %dma_start3A_71] : memref<10000x128xf32, #tpu.memory_space<hbm>> -> memref<10000x128xf32, #tpu.memory_space<hbm>>
    tpu.enqueue_indirect_dma source(%dma_start3A_72 : memref<10000x128xf32, #tpu.memory_space<hbm>>) target(%dma_start3A_67 : memref<96x128xf32, #tpu.memory_space<vmem>>) offsets(%dma_start3A_69 : memref<96xi32, #tpu.memory_space<vmem>>) semaphore(%arg12 : memref<!tpu.dma_semaphore, #tpu.memory_space<semaphore_mem>>)
    %scan3A = arith.constant 0 : i32
    %scan3A_73 = arith.constant 0 : i32
    %scan3A_74 = arith.constant 53 : i32
    %scan3A_75 = arith.addi %scan3A_73, %scan3A_74 : i32
    %scan3A_76 = arith.constant 1 : i32
    scf.for %scan3A_135 = %scan3A_73 to %scan3A_75 step %scan3A_76  : i32 {
      %mul3A_136 = arith.constant 2 : i32
      %mul3A_137 = arith.muli %scan3A_135, %mul3A_136 : i32
      %add3A_138 = arith.constant 0 : i32
      %add3A_139 = arith.addi %mul3A_137, %add3A_138 : i32
      %mul3A_140 = arith.constant 96 : i32
      %mul3A_141 = arith.muli %add3A_139, %mul3A_140 : i32
      %dma_wait3A = arith.constant 0 : i32
      %dma_wait3A_142 = arith.constant 0 : i32
      %dma_wait3A_143 = arith.constant 0 : i32
      %dma_wait3A_144 = tpu.memref_slice %arg9[%dma_wait3A, %dma_wait3A_142, %dma_wait3A_143] : memref<2x96x128xf32, #tpu.memory_space<vmem>> -> memref<1x96x128xf32, #tpu.memory_space<vmem>>
      %dma_wait3A_145 = tpu.memref_squeeze %dma_wait3A_144 : memref<1x96x128xf32, #tpu.memory_space<vmem>> -> memref<96x128xf32, #tpu.memory_space<vmem>>
      %dma_wait3A_146 = tpu.memref_slice %arg7[%mul3A_141] : memref<10176xi32, #tpu.memory_space<vmem>> -> memref<96xi32, #tpu.memory_space<vmem>>
      %dma_wait3A_147 = arith.constant 0 : i32
      %dma_wait3A_148 = arith.constant 0 : i32
      %dma_wait3A_149 = tpu.memref_slice %arg2[%dma_wait3A_147, %dma_wait3A_148] : memref<10000x128xf32, #tpu.memory_space<hbm>> -> memref<10000x128xf32, #tpu.memory_space<hbm>>
      tpu.wait_indirect_dma semaphore(%arg11 : memref<!tpu.dma_semaphore, #tpu.memory_space<semaphore_mem>>) src(%dma_wait3A_149 : memref<10000x128xf32, #tpu.memory_space<hbm>>) dst(%dma_wait3A_145 : memref<96x128xf32, #tpu.memory_space<vmem>>)
      %run_scoped3A = arith.constant 0 : i32
      "tpu.region"() ({
        %run_scoped3A_178 = tpu.sem_alloc : memref<!tpu.dma_semaphore, #tpu.memory_space<semaphore_mem>>
        %dma_start3A_179 = arith.constant 0 : i32
        %dma_start3A_180 = arith.constant 0 : i32
        %dma_start3A_181 = tpu.memref_slice %arg9[%run_scoped3A, %dma_start3A_179, %dma_start3A_180] : memref<2x96x128xf32, #tpu.memory_space<vmem>> -> memref<1x96x128xf32, #tpu.memory_space<vmem>>
        %dma_start3A_182 = tpu.memref_squeeze %dma_start3A_181 : memref<1x96x128xf32, #tpu.memory_space<vmem>> -> memref<96x128xf32, #tpu.memory_space<vmem>>
        %dma_start3A_183 = arith.constant 0 : i32
        %dma_start3A_184 = tpu.memref_slice %arg8[%add3A_139, %dma_start3A_183] : memref<106x96xi32, #tpu.memory_space<vmem>> -> memref<1x96xi32, #tpu.memory_space<vmem>>
        %dma_start3A_185 = tpu.memref_squeeze %dma_start3A_184 : memref<1x96xi32, #tpu.memory_space<vmem>> -> memref<96xi32, #tpu.memory_space<vmem>>
        %dma_start3A_186 = arith.constant 0 : i32
        %dma_start3A_187 = arith.constant 0 : i32
        %dma_start3A_188 = tpu.memref_slice %arg10[%dma_start3A_186, %dma_start3A_187] : memref<10008x128xf32, #tpu.memory_space<vmem_shared>> -> memref<10008x128xf32, #tpu.memory_space<vmem_shared>>
        tpu.enqueue_indirect_dma source(%dma_start3A_182 : memref<96x128xf32, #tpu.memory_space<vmem>>) target(%dma_start3A_188 : memref<10008x128xf32, #tpu.memory_space<vmem_shared>>) offsets(%dma_start3A_185 : memref<96xi32, #tpu.memory_space<vmem>>) semaphore(%run_scoped3A_178 : memref<!tpu.dma_semaphore, #tpu.memory_space<semaphore_mem>>) {add = true}
        %dma_wait3A_189 = arith.constant 0 : i32
        %dma_wait3A_190 = arith.constant 0 : i32
        %dma_wait3A_191 = tpu.memref_slice %arg9[%run_scoped3A, %dma_wait3A_189, %dma_wait3A_190] : memref<2x96x128xf32, #tpu.memory_space<vmem>> -> memref<1x96x128xf32, #tpu.memory_space<vmem>>
        %dma_wait3A_192 = tpu.memref_squeeze %dma_wait3A_191 : memref<1x96x128xf32, #tpu.memory_space<vmem>> -> memref<96x128xf32, #tpu.memory_space<vmem>>
        %dma_wait3A_193 = arith.constant 0 : i32
        %dma_wait3A_194 = tpu.memref_slice %arg8[%add3A_139, %dma_wait3A_193] : memref<106x96xi32, #tpu.memory_space<vmem>> -> memref<1x96xi32, #tpu.memory_space<vmem>>
        %dma_wait3A_195 = tpu.memref_squeeze %dma_wait3A_194 : memref<1x96xi32, #tpu.memory_space<vmem>> -> memref<96xi32, #tpu.memory_space<vmem>>
        %dma_wait3A_196 = arith.constant 0 : i32
        %dma_wait3A_197 = arith.constant 0 : i32
        %dma_wait3A_198 = tpu.memref_slice %arg10[%dma_wait3A_196, %dma_wait3A_197] : memref<10008x128xf32, #tpu.memory_space<vmem_shared>> -> memref<10008x128xf32, #tpu.memory_space<vmem_shared>>
        tpu.wait_indirect_dma semaphore(%run_scoped3A_178 : memref<!tpu.dma_semaphore, #tpu.memory_space<semaphore_mem>>) src(%dma_wait3A_192 : memref<96x128xf32, #tpu.memory_space<vmem>>) dst(%dma_wait3A_198 : memref<10008x128xf32, #tpu.memory_space<vmem_shared>>)
        tpu.yield
      }) : () -> ()
      %add3A_150 = arith.constant 2 : i32
      %add3A_151 = arith.addi %add3A_139, %add3A_150 : i32
      %lt3A_152 = arith.constant 106 : i32
      %lt3A_153 = arith.cmpi slt, %add3A_151, %lt3A_152 : i32
      %convert_element_type3A_154 = arith.extui %lt3A_153 : i1 to i32
      %cond3A_155 = arith.constant 0 : i32
      %cond3A_156 = arith.cmpi ne, %convert_element_type3A_154, %cond3A_155 : i32
      scf.if %cond3A_156 {
        %add3A_178 = arith.constant 2 : i32
        %add3A_179 = arith.addi %add3A_139, %add3A_178 : i32
        %mul3A_180 = arith.constant 96 : i32
        %mul3A_181 = arith.muli %add3A_179, %mul3A_180 : i32
        %dma_start3A_182 = arith.constant 0 : i32
        %dma_start3A_183 = arith.constant 0 : i32
        %dma_start3A_184 = arith.constant 0 : i32
        %dma_start3A_185 = tpu.memref_slice %arg9[%dma_start3A_182, %dma_start3A_183, %dma_start3A_184] : memref<2x96x128xf32, #tpu.memory_space<vmem>> -> memref<1x96x128xf32, #tpu.memory_space<vmem>>
        %dma_start3A_186 = tpu.memref_squeeze %dma_start3A_185 : memref<1x96x128xf32, #tpu.memory_space<vmem>> -> memref<96x128xf32, #tpu.memory_space<vmem>>
        %dma_start3A_187 = tpu.memref_slice %arg7[%mul3A_181] : memref<10176xi32, #tpu.memory_space<vmem>> -> memref<96xi32, #tpu.memory_space<vmem>>
        %dma_start3A_188 = arith.constant 0 : i32
        %dma_start3A_189 = arith.constant 0 : i32
        %dma_start3A_190 = tpu.memref_slice %arg2[%dma_start3A_188, %dma_start3A_189] : memref<10000x128xf32, #tpu.memory_space<hbm>> -> memref<10000x128xf32, #tpu.memory_space<hbm>>
        tpu.enqueue_indirect_dma source(%dma_start3A_190 : memref<10000x128xf32, #tpu.memory_space<hbm>>) target(%dma_start3A_186 : memref<96x128xf32, #tpu.memory_space<vmem>>) offsets(%dma_start3A_187 : memref<96xi32, #tpu.memory_space<vmem>>) semaphore(%arg11 : memref<!tpu.dma_semaphore, #tpu.memory_space<semaphore_mem>>)
      } else {
      }
      %add3A_157 = arith.constant 1 : i32
      %add3A_158 = arith.addi %mul3A_137, %add3A_157 : i32
      %mul3A_159 = arith.constant 96 : i32
      %mul3A_160 = arith.muli %add3A_158, %mul3A_159 : i32
      %dma_wait3A_161 = arith.constant 1 : i32
      %dma_wait3A_162 = arith.constant 0 : i32
      %dma_wait3A_163 = arith.constant 0 : i32
      %dma_wait3A_164 = tpu.memref_slice %arg9[%dma_wait3A_161, %dma_wait3A_162, %dma_wait3A_163] : memref<2x96x128xf32, #tpu.memory_space<vmem>> -> memref<1x96x128xf32, #tpu.memory_space<vmem>>
      %dma_wait3A_165 = tpu.memref_squeeze %dma_wait3A_164 : memref<1x96x128xf32, #tpu.memory_space<vmem>> -> memref<96x128xf32, #tpu.memory_space<vmem>>
      %dma_wait3A_166 = tpu.memref_slice %arg7[%mul3A_160] : memref<10176xi32, #tpu.memory_space<vmem>> -> memref<96xi32, #tpu.memory_space<vmem>>
      %dma_wait3A_167 = arith.constant 0 : i32
      %dma_wait3A_168 = arith.constant 0 : i32
      %dma_wait3A_169 = tpu.memref_slice %arg2[%dma_wait3A_167, %dma_wait3A_168] : memref<10000x128xf32, #tpu.memory_space<hbm>> -> memref<10000x128xf32, #tpu.memory_space<hbm>>
      tpu.wait_indirect_dma semaphore(%arg12 : memref<!tpu.dma_semaphore, #tpu.memory_space<semaphore_mem>>) src(%dma_wait3A_169 : memref<10000x128xf32, #tpu.memory_space<hbm>>) dst(%dma_wait3A_165 : memref<96x128xf32, #tpu.memory_space<vmem>>)
      %run_scoped3A_170 = arith.constant 1 : i32
      "tpu.region"() ({
        %run_scoped3A_178 = tpu.sem_alloc : memref<!tpu.dma_semaphore, #tpu.memory_space<semaphore_mem>>
        %dma_start3A_179 = arith.constant 0 : i32
        %dma_start3A_180 = arith.constant 0 : i32
        %dma_start3A_181 = tpu.memref_slice %arg9[%run_scoped3A_170, %dma_start3A_179, %dma_start3A_180] : memref<2x96x128xf32, #tpu.memory_space<vmem>> -> memref<1x96x128xf32, #tpu.memory_space<vmem>>
        %dma_start3A_182 = tpu.memref_squeeze %dma_start3A_181 : memref<1x96x128xf32, #tpu.memory_space<vmem>> -> memref<96x128xf32, #tpu.memory_space<vmem>>
        %dma_start3A_183 = arith.constant 0 : i32
        %dma_start3A_184 = tpu.memref_slice %arg8[%add3A_158, %dma_start3A_183] : memref<106x96xi32, #tpu.memory_space<vmem>> -> memref<1x96xi32, #tpu.memory_space<vmem>>
        %dma_start3A_185 = tpu.memref_squeeze %dma_start3A_184 : memref<1x96xi32, #tpu.memory_space<vmem>> -> memref<96xi32, #tpu.memory_space<vmem>>
        %dma_start3A_186 = arith.constant 0 : i32
        %dma_start3A_187 = arith.constant 0 : i32
        %dma_start3A_188 = tpu.memref_slice %arg10[%dma_start3A_186, %dma_start3A_187] : memref<10008x128xf32, #tpu.memory_space<vmem_shared>> -> memref<10008x128xf32, #tpu.memory_space<vmem_shared>>
        tpu.enqueue_indirect_dma source(%dma_start3A_182 : memref<96x128xf32, #tpu.memory_space<vmem>>) target(%dma_start3A_188 : memref<10008x128xf32, #tpu.memory_space<vmem_shared>>) offsets(%dma_start3A_185 : memref<96xi32, #tpu.memory_space<vmem>>) semaphore(%run_scoped3A_178 : memref<!tpu.dma_semaphore, #tpu.memory_space<semaphore_mem>>) {add = true}
        %dma_wait3A_189 = arith.constant 0 : i32
        %dma_wait3A_190 = arith.constant 0 : i32
        %dma_wait3A_191 = tpu.memref_slice %arg9[%run_scoped3A_170, %dma_wait3A_189, %dma_wait3A_190] : memref<2x96x128xf32, #tpu.memory_space<vmem>> -> memref<1x96x128xf32, #tpu.memory_space<vmem>>
        %dma_wait3A_192 = tpu.memref_squeeze %dma_wait3A_191 : memref<1x96x128xf32, #tpu.memory_space<vmem>> -> memref<96x128xf32, #tpu.memory_space<vmem>>
        %dma_wait3A_193 = arith.constant 0 : i32
        %dma_wait3A_194 = tpu.memref_slice %arg8[%add3A_158, %dma_wait3A_193] : memref<106x96xi32, #tpu.memory_space<vmem>> -> memref<1x96xi32, #tpu.memory_space<vmem>>
        %dma_wait3A_195 = tpu.memref_squeeze %dma_wait3A_194 : memref<1x96xi32, #tpu.memory_space<vmem>> -> memref<96xi32, #tpu.memory_space<vmem>>
        %dma_wait3A_196 = arith.constant 0 : i32
        %dma_wait3A_197 = arith.constant 0 : i32
        %dma_wait3A_198 = tpu.memref_slice %arg10[%dma_wait3A_196, %dma_wait3A_197] : memref<10008x128xf32, #tpu.memory_space<vmem_shared>> -> memref<10008x128xf32, #tpu.memory_space<vmem_shared>>
        tpu.wait_indirect_dma semaphore(%run_scoped3A_178 : memref<!tpu.dma_semaphore, #tpu.memory_space<semaphore_mem>>) src(%dma_wait3A_192 : memref<96x128xf32, #tpu.memory_space<vmem>>) dst(%dma_wait3A_198 : memref<10008x128xf32, #tpu.memory_space<vmem_shared>>)
        tpu.yield
      }) : () -> ()
      %add3A_171 = arith.constant 2 : i32
      %add3A_172 = arith.addi %add3A_158, %add3A_171 : i32
      %lt3A_173 = arith.constant 106 : i32
      %lt3A_174 = arith.cmpi slt, %add3A_172, %lt3A_173 : i32
      %convert_element_type3A_175 = arith.extui %lt3A_174 : i1 to i32
      %cond3A_176 = arith.constant 0 : i32
      %cond3A_177 = arith.cmpi ne, %convert_element_type3A_175, %cond3A_176 : i32
      scf.if %cond3A_177 {
        %add3A_178 = arith.constant 2 : i32
        %add3A_179 = arith.addi %add3A_158, %add3A_178 : i32
        %mul3A_180 = arith.constant 96 : i32
        %mul3A_181 = arith.muli %add3A_179, %mul3A_180 : i32
        %dma_start3A_182 = arith.constant 1 : i32
        %dma_start3A_183 = arith.constant 0 : i32
        %dma_start3A_184 = arith.constant 0 : i32
        %dma_start3A_185 = tpu.memref_slice %arg9[%dma_start3A_182, %dma_start3A_183, %dma_start3A_184] : memref<2x96x128xf32, #tpu.memory_space<vmem>> -> memref<1x96x128xf32, #tpu.memory_space<vmem>>
        %dma_start3A_186 = tpu.memref_squeeze %dma_start3A_185 : memref<1x96x128xf32, #tpu.memory_space<vmem>> -> memref<96x128xf32, #tpu.memory_space<vmem>>
        %dma_start3A_187 = tpu.memref_slice %arg7[%mul3A_181] : memref<10176xi32, #tpu.memory_space<vmem>> -> memref<96xi32, #tpu.memory_space<vmem>>
        %dma_start3A_188 = arith.constant 0 : i32
        %dma_start3A_189 = arith.constant 0 : i32
        %dma_start3A_190 = tpu.memref_slice %arg2[%dma_start3A_188, %dma_start3A_189] : memref<10000x128xf32, #tpu.memory_space<hbm>> -> memref<10000x128xf32, #tpu.memory_space<hbm>>
        tpu.enqueue_indirect_dma source(%dma_start3A_190 : memref<10000x128xf32, #tpu.memory_space<hbm>>) target(%dma_start3A_186 : memref<96x128xf32, #tpu.memory_space<vmem>>) offsets(%dma_start3A_187 : memref<96xi32, #tpu.memory_space<vmem>>) semaphore(%arg12 : memref<!tpu.dma_semaphore, #tpu.memory_space<semaphore_mem>>)
      } else {
      }
    }
    %scan3A_77 = arith.constant 53 : i32
    %barrier3A_78 = arith.constant 0 : index
    tpu.barrier barrier_id(%barrier3A_78)
    %add3A_79 = arith.constant 0 : i32
    %add3A_80 = arith.addi %add3A_79, %arg1 : i32
    %lt3A_81 = arith.constant 125 : i32
    %lt3A_82 = arith.cmpi slt, %add3A_80, %lt3A_81 : i32
    %convert_element_type3A_83 = arith.extui %lt3A_82 : i1 to i32
    %cond3A_84 = arith.constant 0 : i32
    %cond3A_85 = arith.cmpi ne, %convert_element_type3A_83, %cond3A_84 : i32
    scf.if %cond3A_85 {
      %mul3A_135 = arith.constant 80 : i32
      %mul3A_136 = arith.muli %add3A_80, %mul3A_135 : i32
      %mul3A_137 = arith.constant 80 : i32
      %mul3A_138 = arith.muli %add3A_80, %mul3A_137 : i32
      "tpu.region"() ({
        %run_scoped3A = tpu.sem_alloc : memref<!tpu.dma_semaphore, #tpu.memory_space<semaphore_mem>>
        %dma_start3A_139 = arith.constant 0 : i32
        %dma_start3A_140 = tpu.memref_slice %arg6[%arg0, %mul3A_138, %dma_start3A_139] : memref<2x10000x128xf32, #tpu.memory_space<hbm>> -> memref<1x80x128xf32, #tpu.memory_space<hbm>>
        %dma_start3A_141 = tpu.memref_squeeze %dma_start3A_140 : memref<1x80x128xf32, #tpu.memory_space<hbm>> -> memref<80x128xf32, #tpu.memory_space<hbm>>
        %dma_start3A_142 = arith.constant 0 : i32
        %dma_start3A_143 = tpu.memref_slice %arg10[%mul3A_136, %dma_start3A_142] : memref<10008x128xf32, #tpu.memory_space<vmem_shared>> -> memref<80x128xf32, #tpu.memory_space<vmem_shared>>
        tpu.enqueue_dma source(%dma_start3A_143 : memref<80x128xf32, #tpu.memory_space<vmem_shared>>) target(%dma_start3A_141 : memref<80x128xf32, #tpu.memory_space<hbm>>) target_semaphore(%run_scoped3A : memref<!tpu.dma_semaphore, #tpu.memory_space<semaphore_mem>>)
        %dma_wait3A = arith.constant 0 : i32
        %dma_wait3A_144 = tpu.memref_slice %arg6[%arg0, %mul3A_138, %dma_wait3A] : memref<2x10000x128xf32, #tpu.memory_space<hbm>> -> memref<1x80x128xf32, #tpu.memory_space<hbm>>
        %dma_wait3A_145 = tpu.memref_squeeze %dma_wait3A_144 : memref<1x80x128xf32, #tpu.memory_space<hbm>> -> memref<80x128xf32, #tpu.memory_space<hbm>>
        %dma_wait3A_146 = arith.constant 0 : i32
        %dma_wait3A_147 = tpu.memref_slice %arg10[%mul3A_136, %dma_wait3A_146] : memref<10008x128xf32, #tpu.memory_space<vmem_shared>> -> memref<80x128xf32, #tpu.memory_space<vmem_shared>>
        tpu.wait_dma2 semaphore(%run_scoped3A : memref<!tpu.dma_semaphore, #tpu.memory_space<semaphore_mem>>) src(%dma_wait3A_147 : memref<80x128xf32, #tpu.memory_space<vmem_shared>>) dst(%dma_wait3A_145 : memref<80x128xf32, #tpu.memory_space<hbm>>)
        tpu.yield
      }) : () -> ()
    } else {
    }
    %add3A_86 = arith.constant 16 : i32
    %add3A_87 = arith.addi %add3A_86, %arg1 : i32
    %lt3A_88 = arith.constant 125 : i32
    %lt3A_89 = arith.cmpi slt, %add3A_87, %lt3A_88 : i32
    %convert_element_type3A_90 = arith.extui %lt3A_89 : i1 to i32
    %cond3A_91 = arith.constant 0 : i32
    %cond3A_92 = arith.cmpi ne, %convert_element_type3A_90, %cond3A_91 : i32
    scf.if %cond3A_92 {
      %mul3A_135 = arith.constant 80 : i32
      %mul3A_136 = arith.muli %add3A_87, %mul3A_135 : i32
      %mul3A_137 = arith.constant 80 : i32
      %mul3A_138 = arith.muli %add3A_87, %mul3A_137 : i32
      "tpu.region"() ({
        %run_scoped3A = tpu.sem_alloc : memref<!tpu.dma_semaphore, #tpu.memory_space<semaphore_mem>>
        %dma_start3A_139 = arith.constant 0 : i32
        %dma_start3A_140 = tpu.memref_slice %arg6[%arg0, %mul3A_138, %dma_start3A_139] : memref<2x10000x128xf32, #tpu.memory_space<hbm>> -> memref<1x80x128xf32, #tpu.memory_space<hbm>>
        %dma_start3A_141 = tpu.memref_squeeze %dma_start3A_140 : memref<1x80x128xf32, #tpu.memory_space<hbm>> -> memref<80x128xf32, #tpu.memory_space<hbm>>
        %dma_start3A_142 = arith.constant 0 : i32
        %dma_start3A_143 = tpu.memref_slice %arg10[%mul3A_136, %dma_start3A_142] : memref<10008x128xf32, #tpu.memory_space<vmem_shared>> -> memref<80x128xf32, #tpu.memory_space<vmem_shared>>
        tpu.enqueue_dma source(%dma_start3A_143 : memref<80x128xf32, #tpu.memory_space<vmem_shared>>) target(%dma_start3A_141 : memref<80x128xf32, #tpu.memory_space<hbm>>) target_semaphore(%run_scoped3A : memref<!tpu.dma_semaphore, #tpu.memory_space<semaphore_mem>>)
        %dma_wait3A = arith.constant 0 : i32
        %dma_wait3A_144 = tpu.memref_slice %arg6[%arg0, %mul3A_138, %dma_wait3A] : memref<2x10000x128xf32, #tpu.memory_space<hbm>> -> memref<1x80x128xf32, #tpu.memory_space<hbm>>
        %dma_wait3A_145 = tpu.memref_squeeze %dma_wait3A_144 : memref<1x80x128xf32, #tpu.memory_space<hbm>> -> memref<80x128xf32, #tpu.memory_space<hbm>>
        %dma_wait3A_146 = arith.constant 0 : i32
        %dma_wait3A_147 = tpu.memref_slice %arg10[%mul3A_136, %dma_wait3A_146] : memref<10008x128xf32, #tpu.memory_space<vmem_shared>> -> memref<80x128xf32, #tpu.memory_space<vmem_shared>>
        tpu.wait_dma2 semaphore(%run_scoped3A : memref<!tpu.dma_semaphore, #tpu.memory_space<semaphore_mem>>) src(%dma_wait3A_147 : memref<80x128xf32, #tpu.memory_space<vmem_shared>>) dst(%dma_wait3A_145 : memref<80x128xf32, #tpu.memory_space<hbm>>)
        tpu.yield
      }) : () -> ()
    } else {
    }
    %add3A_93 = arith.constant 32 : i32
    %add3A_94 = arith.addi %add3A_93, %arg1 : i32
    %lt3A_95 = arith.constant 125 : i32
    %lt3A_96 = arith.cmpi slt, %add3A_94, %lt3A_95 : i32
    %convert_element_type3A_97 = arith.extui %lt3A_96 : i1 to i32
    %cond3A_98 = arith.constant 0 : i32
    %cond3A_99 = arith.cmpi ne, %convert_element_type3A_97, %cond3A_98 : i32
    scf.if %cond3A_99 {
      %mul3A_135 = arith.constant 80 : i32
      %mul3A_136 = arith.muli %add3A_94, %mul3A_135 : i32
      %mul3A_137 = arith.constant 80 : i32
      %mul3A_138 = arith.muli %add3A_94, %mul3A_137 : i32
      "tpu.region"() ({
        %run_scoped3A = tpu.sem_alloc : memref<!tpu.dma_semaphore, #tpu.memory_space<semaphore_mem>>
        %dma_start3A_139 = arith.constant 0 : i32
        %dma_start3A_140 = tpu.memref_slice %arg6[%arg0, %mul3A_138, %dma_start3A_139] : memref<2x10000x128xf32, #tpu.memory_space<hbm>> -> memref<1x80x128xf32, #tpu.memory_space<hbm>>
        %dma_start3A_141 = tpu.memref_squeeze %dma_start3A_140 : memref<1x80x128xf32, #tpu.memory_space<hbm>> -> memref<80x128xf32, #tpu.memory_space<hbm>>
        %dma_start3A_142 = arith.constant 0 : i32
        %dma_start3A_143 = tpu.memref_slice %arg10[%mul3A_136, %dma_start3A_142] : memref<10008x128xf32, #tpu.memory_space<vmem_shared>> -> memref<80x128xf32, #tpu.memory_space<vmem_shared>>
        tpu.enqueue_dma source(%dma_start3A_143 : memref<80x128xf32, #tpu.memory_space<vmem_shared>>) target(%dma_start3A_141 : memref<80x128xf32, #tpu.memory_space<hbm>>) target_semaphore(%run_scoped3A : memref<!tpu.dma_semaphore, #tpu.memory_space<semaphore_mem>>)
        %dma_wait3A = arith.constant 0 : i32
        %dma_wait3A_144 = tpu.memref_slice %arg6[%arg0, %mul3A_138, %dma_wait3A] : memref<2x10000x128xf32, #tpu.memory_space<hbm>> -> memref<1x80x128xf32, #tpu.memory_space<hbm>>
        %dma_wait3A_145 = tpu.memref_squeeze %dma_wait3A_144 : memref<1x80x128xf32, #tpu.memory_space<hbm>> -> memref<80x128xf32, #tpu.memory_space<hbm>>
        %dma_wait3A_146 = arith.constant 0 : i32
        %dma_wait3A_147 = tpu.memref_slice %arg10[%mul3A_136, %dma_wait3A_146] : memref<10008x128xf32, #tpu.memory_space<vmem_shared>> -> memref<80x128xf32, #tpu.memory_space<vmem_shared>>
        tpu.wait_dma2 semaphore(%run_scoped3A : memref<!tpu.dma_semaphore, #tpu.memory_space<semaphore_mem>>) src(%dma_wait3A_147 : memref<80x128xf32, #tpu.memory_space<vmem_shared>>) dst(%dma_wait3A_145 : memref<80x128xf32, #tpu.memory_space<hbm>>)
        tpu.yield
      }) : () -> ()
    } else {
    }
    %add3A_100 = arith.constant 48 : i32
    %add3A_101 = arith.addi %add3A_100, %arg1 : i32
    %lt3A_102 = arith.constant 125 : i32
    %lt3A_103 = arith.cmpi slt, %add3A_101, %lt3A_102 : i32
    %convert_element_type3A_104 = arith.extui %lt3A_103 : i1 to i32
    %cond3A_105 = arith.constant 0 : i32
    %cond3A_106 = arith.cmpi ne, %convert_element_type3A_104, %cond3A_105 : i32
    scf.if %cond3A_106 {
      %mul3A_135 = arith.constant 80 : i32
      %mul3A_136 = arith.muli %add3A_101, %mul3A_135 : i32
      %mul3A_137 = arith.constant 80 : i32
      %mul3A_138 = arith.muli %add3A_101, %mul3A_137 : i32
      "tpu.region"() ({
        %run_scoped3A = tpu.sem_alloc : memref<!tpu.dma_semaphore, #tpu.memory_space<semaphore_mem>>
        %dma_start3A_139 = arith.constant 0 : i32
        %dma_start3A_140 = tpu.memref_slice %arg6[%arg0, %mul3A_138, %dma_start3A_139] : memref<2x10000x128xf32, #tpu.memory_space<hbm>> -> memref<1x80x128xf32, #tpu.memory_space<hbm>>
        %dma_start3A_141 = tpu.memref_squeeze %dma_start3A_140 : memref<1x80x128xf32, #tpu.memory_space<hbm>> -> memref<80x128xf32, #tpu.memory_space<hbm>>
        %dma_start3A_142 = arith.constant 0 : i32
        %dma_start3A_143 = tpu.memref_slice %arg10[%mul3A_136, %dma_start3A_142] : memref<10008x128xf32, #tpu.memory_space<vmem_shared>> -> memref<80x128xf32, #tpu.memory_space<vmem_shared>>
        tpu.enqueue_dma source(%dma_start3A_143 : memref<80x128xf32, #tpu.memory_space<vmem_shared>>) target(%dma_start3A_141 : memref<80x128xf32, #tpu.memory_space<hbm>>) target_semaphore(%run_scoped3A : memref<!tpu.dma_semaphore, #tpu.memory_space<semaphore_mem>>)
        %dma_wait3A = arith.constant 0 : i32
        %dma_wait3A_144 = tpu.memref_slice %arg6[%arg0, %mul3A_138, %dma_wait3A] : memref<2x10000x128xf32, #tpu.memory_space<hbm>> -> memref<1x80x128xf32, #tpu.memory_space<hbm>>
        %dma_wait3A_145 = tpu.memref_squeeze %dma_wait3A_144 : memref<1x80x128xf32, #tpu.memory_space<hbm>> -> memref<80x128xf32, #tpu.memory_space<hbm>>
        %dma_wait3A_146 = arith.constant 0 : i32
        %dma_wait3A_147 = tpu.memref_slice %arg10[%mul3A_136, %dma_wait3A_146] : memref<10008x128xf32, #tpu.memory_space<vmem_shared>> -> memref<80x128xf32, #tpu.memory_space<vmem_shared>>
        tpu.wait_dma2 semaphore(%run_scoped3A : memref<!tpu.dma_semaphore, #tpu.memory_space<semaphore_mem>>) src(%dma_wait3A_147 : memref<80x128xf32, #tpu.memory_space<vmem_shared>>) dst(%dma_wait3A_145 : memref<80x128xf32, #tpu.memory_space<hbm>>)
        tpu.yield
      }) : () -> ()
    } else {
    }
    %add3A_107 = arith.constant 64 : i32
    %add3A_108 = arith.addi %add3A_107, %arg1 : i32
    %lt3A_109 = arith.constant 125 : i32
    %lt3A_110 = arith.cmpi slt, %add3A_108, %lt3A_109 : i32
    %convert_element_type3A_111 = arith.extui %lt3A_110 : i1 to i32
    %cond3A_112 = arith.constant 0 : i32
    %cond3A_113 = arith.cmpi ne, %convert_element_type3A_111, %cond3A_112 : i32
    scf.if %cond3A_113 {
      %mul3A_135 = arith.constant 80 : i32
      %mul3A_136 = arith.muli %add3A_108, %mul3A_135 : i32
      %mul3A_137 = arith.constant 80 : i32
      %mul3A_138 = arith.muli %add3A_108, %mul3A_137 : i32
      "tpu.region"() ({
        %run_scoped3A = tpu.sem_alloc : memref<!tpu.dma_semaphore, #tpu.memory_space<semaphore_mem>>
        %dma_start3A_139 = arith.constant 0 : i32
        %dma_start3A_140 = tpu.memref_slice %arg6[%arg0, %mul3A_138, %dma_start3A_139] : memref<2x10000x128xf32, #tpu.memory_space<hbm>> -> memref<1x80x128xf32, #tpu.memory_space<hbm>>
        %dma_start3A_141 = tpu.memref_squeeze %dma_start3A_140 : memref<1x80x128xf32, #tpu.memory_space<hbm>> -> memref<80x128xf32, #tpu.memory_space<hbm>>
        %dma_start3A_142 = arith.constant 0 : i32
        %dma_start3A_143 = tpu.memref_slice %arg10[%mul3A_136, %dma_start3A_142] : memref<10008x128xf32, #tpu.memory_space<vmem_shared>> -> memref<80x128xf32, #tpu.memory_space<vmem_shared>>
        tpu.enqueue_dma source(%dma_start3A_143 : memref<80x128xf32, #tpu.memory_space<vmem_shared>>) target(%dma_start3A_141 : memref<80x128xf32, #tpu.memory_space<hbm>>) target_semaphore(%run_scoped3A : memref<!tpu.dma_semaphore, #tpu.memory_space<semaphore_mem>>)
        %dma_wait3A = arith.constant 0 : i32
        %dma_wait3A_144 = tpu.memref_slice %arg6[%arg0, %mul3A_138, %dma_wait3A] : memref<2x10000x128xf32, #tpu.memory_space<hbm>> -> memref<1x80x128xf32, #tpu.memory_space<hbm>>
        %dma_wait3A_145 = tpu.memref_squeeze %dma_wait3A_144 : memref<1x80x128xf32, #tpu.memory_space<hbm>> -> memref<80x128xf32, #tpu.memory_space<hbm>>
        %dma_wait3A_146 = arith.constant 0 : i32
        %dma_wait3A_147 = tpu.memref_slice %arg10[%mul3A_136, %dma_wait3A_146] : memref<10008x128xf32, #tpu.memory_space<vmem_shared>> -> memref<80x128xf32, #tpu.memory_space<vmem_shared>>
        tpu.wait_dma2 semaphore(%run_scoped3A : memref<!tpu.dma_semaphore, #tpu.memory_space<semaphore_mem>>) src(%dma_wait3A_147 : memref<80x128xf32, #tpu.memory_space<vmem_shared>>) dst(%dma_wait3A_145 : memref<80x128xf32, #tpu.memory_space<hbm>>)
        tpu.yield
      }) : () -> ()
    } else {
    }
    %add3A_114 = arith.constant 80 : i32
    %add3A_115 = arith.addi %add3A_114, %arg1 : i32
    %lt3A_116 = arith.constant 125 : i32
    %lt3A_117 = arith.cmpi slt, %add3A_115, %lt3A_116 : i32
    %convert_element_type3A_118 = arith.extui %lt3A_117 : i1 to i32
    %cond3A_119 = arith.constant 0 : i32
    %cond3A_120 = arith.cmpi ne, %convert_element_type3A_118, %cond3A_119 : i32
    scf.if %cond3A_120 {
      %mul3A_135 = arith.constant 80 : i32
      %mul3A_136 = arith.muli %add3A_115, %mul3A_135 : i32
      %mul3A_137 = arith.constant 80 : i32
      %mul3A_138 = arith.muli %add3A_115, %mul3A_137 : i32
      "tpu.region"() ({
        %run_scoped3A = tpu.sem_alloc : memref<!tpu.dma_semaphore, #tpu.memory_space<semaphore_mem>>
        %dma_start3A_139 = arith.constant 0 : i32
        %dma_start3A_140 = tpu.memref_slice %arg6[%arg0, %mul3A_138, %dma_start3A_139] : memref<2x10000x128xf32, #tpu.memory_space<hbm>> -> memref<1x80x128xf32, #tpu.memory_space<hbm>>
        %dma_start3A_141 = tpu.memref_squeeze %dma_start3A_140 : memref<1x80x128xf32, #tpu.memory_space<hbm>> -> memref<80x128xf32, #tpu.memory_space<hbm>>
        %dma_start3A_142 = arith.constant 0 : i32
        %dma_start3A_143 = tpu.memref_slice %arg10[%mul3A_136, %dma_start3A_142] : memref<10008x128xf32, #tpu.memory_space<vmem_shared>> -> memref<80x128xf32, #tpu.memory_space<vmem_shared>>
        tpu.enqueue_dma source(%dma_start3A_143 : memref<80x128xf32, #tpu.memory_space<vmem_shared>>) target(%dma_start3A_141 : memref<80x128xf32, #tpu.memory_space<hbm>>) target_semaphore(%run_scoped3A : memref<!tpu.dma_semaphore, #tpu.memory_space<semaphore_mem>>)
        %dma_wait3A = arith.constant 0 : i32
        %dma_wait3A_144 = tpu.memref_slice %arg6[%arg0, %mul3A_138, %dma_wait3A] : memref<2x10000x128xf32, #tpu.memory_space<hbm>> -> memref<1x80x128xf32, #tpu.memory_space<hbm>>
        %dma_wait3A_145 = tpu.memref_squeeze %dma_wait3A_144 : memref<1x80x128xf32, #tpu.memory_space<hbm>> -> memref<80x128xf32, #tpu.memory_space<hbm>>
        %dma_wait3A_146 = arith.constant 0 : i32
        %dma_wait3A_147 = tpu.memref_slice %arg10[%mul3A_136, %dma_wait3A_146] : memref<10008x128xf32, #tpu.memory_space<vmem_shared>> -> memref<80x128xf32, #tpu.memory_space<vmem_shared>>
        tpu.wait_dma2 semaphore(%run_scoped3A : memref<!tpu.dma_semaphore, #tpu.memory_space<semaphore_mem>>) src(%dma_wait3A_147 : memref<80x128xf32, #tpu.memory_space<vmem_shared>>) dst(%dma_wait3A_145 : memref<80x128xf32, #tpu.memory_space<hbm>>)
        tpu.yield
      }) : () -> ()
    } else {
    }
    %add3A_121 = arith.constant 96 : i32
    %add3A_122 = arith.addi %add3A_121, %arg1 : i32
    %lt3A_123 = arith.constant 125 : i32
    %lt3A_124 = arith.cmpi slt, %add3A_122, %lt3A_123 : i32
    %convert_element_type3A_125 = arith.extui %lt3A_124 : i1 to i32
    %cond3A_126 = arith.constant 0 : i32
    %cond3A_127 = arith.cmpi ne, %convert_element_type3A_125, %cond3A_126 : i32
    scf.if %cond3A_127 {
      %mul3A_135 = arith.constant 80 : i32
      %mul3A_136 = arith.muli %add3A_122, %mul3A_135 : i32
      %mul3A_137 = arith.constant 80 : i32
      %mul3A_138 = arith.muli %add3A_122, %mul3A_137 : i32
      "tpu.region"() ({
        %run_scoped3A = tpu.sem_alloc : memref<!tpu.dma_semaphore, #tpu.memory_space<semaphore_mem>>
        %dma_start3A_139 = arith.constant 0 : i32
        %dma_start3A_140 = tpu.memref_slice %arg6[%arg0, %mul3A_138, %dma_start3A_139] : memref<2x10000x128xf32, #tpu.memory_space<hbm>> -> memref<1x80x128xf32, #tpu.memory_space<hbm>>
        %dma_start3A_141 = tpu.memref_squeeze %dma_start3A_140 : memref<1x80x128xf32, #tpu.memory_space<hbm>> -> memref<80x128xf32, #tpu.memory_space<hbm>>
        %dma_start3A_142 = arith.constant 0 : i32
        %dma_start3A_143 = tpu.memref_slice %arg10[%mul3A_136, %dma_start3A_142] : memref<10008x128xf32, #tpu.memory_space<vmem_shared>> -> memref<80x128xf32, #tpu.memory_space<vmem_shared>>
        tpu.enqueue_dma source(%dma_start3A_143 : memref<80x128xf32, #tpu.memory_space<vmem_shared>>) target(%dma_start3A_141 : memref<80x128xf32, #tpu.memory_space<hbm>>) target_semaphore(%run_scoped3A : memref<!tpu.dma_semaphore, #tpu.memory_space<semaphore_mem>>)
        %dma_wait3A = arith.constant 0 : i32
        %dma_wait3A_144 = tpu.memref_slice %arg6[%arg0, %mul3A_138, %dma_wait3A] : memref<2x10000x128xf32, #tpu.memory_space<hbm>> -> memref<1x80x128xf32, #tpu.memory_space<hbm>>
        %dma_wait3A_145 = tpu.memref_squeeze %dma_wait3A_144 : memref<1x80x128xf32, #tpu.memory_space<hbm>> -> memref<80x128xf32, #tpu.memory_space<hbm>>
        %dma_wait3A_146 = arith.constant 0 : i32
        %dma_wait3A_147 = tpu.memref_slice %arg10[%mul3A_136, %dma_wait3A_146] : memref<10008x128xf32, #tpu.memory_space<vmem_shared>> -> memref<80x128xf32, #tpu.memory_space<vmem_shared>>
        tpu.wait_dma2 semaphore(%run_scoped3A : memref<!tpu.dma_semaphore, #tpu.memory_space<semaphore_mem>>) src(%dma_wait3A_147 : memref<80x128xf32, #tpu.memory_space<vmem_shared>>) dst(%dma_wait3A_145 : memref<80x128xf32, #tpu.memory_space<hbm>>)
        tpu.yield
      }) : () -> ()
    } else {
    }
    %add3A_128 = arith.constant 112 : i32
    %add3A_129 = arith.addi %add3A_128, %arg1 : i32
    %lt3A_130 = arith.constant 125 : i32
    %lt3A_131 = arith.cmpi slt, %add3A_129, %lt3A_130 : i32
    %convert_element_type3A_132 = arith.extui %lt3A_131 : i1 to i32
    %cond3A_133 = arith.constant 0 : i32
    %cond3A_134 = arith.cmpi ne, %convert_element_type3A_132, %cond3A_133 : i32
    scf.if %cond3A_134 {
      %mul3A_135 = arith.constant 80 : i32
      %mul3A_136 = arith.muli %add3A_129, %mul3A_135 : i32
      %mul3A_137 = arith.constant 80 : i32
      %mul3A_138 = arith.muli %add3A_129, %mul3A_137 : i32
      "tpu.region"() ({
        %run_scoped3A = tpu.sem_alloc : memref<!tpu.dma_semaphore, #tpu.memory_space<semaphore_mem>>
        %dma_start3A_139 = arith.constant 0 : i32
        %dma_start3A_140 = tpu.memref_slice %arg6[%arg0, %mul3A_138, %dma_start3A_139] : memref<2x10000x128xf32, #tpu.memory_space<hbm>> -> memref<1x80x128xf32, #tpu.memory_space<hbm>>
        %dma_start3A_141 = tpu.memref_squeeze %dma_start3A_140 : memref<1x80x128xf32, #tpu.memory_space<hbm>> -> memref<80x128xf32, #tpu.memory_space<hbm>>
        %dma_start3A_142 = arith.constant 0 : i32
        %dma_start3A_143 = tpu.memref_slice %arg10[%mul3A_136, %dma_start3A_142] : memref<10008x128xf32, #tpu.memory_space<vmem_shared>> -> memref<80x128xf32, #tpu.memory_space<vmem_shared>>
        tpu.enqueue_dma source(%dma_start3A_143 : memref<80x128xf32, #tpu.memory_space<vmem_shared>>) target(%dma_start3A_141 : memref<80x128xf32, #tpu.memory_space<hbm>>) target_semaphore(%run_scoped3A : memref<!tpu.dma_semaphore, #tpu.memory_space<semaphore_mem>>)
        %dma_wait3A = arith.constant 0 : i32
        %dma_wait3A_144 = tpu.memref_slice %arg6[%arg0, %mul3A_138, %dma_wait3A] : memref<2x10000x128xf32, #tpu.memory_space<hbm>> -> memref<1x80x128xf32, #tpu.memory_space<hbm>>
        %dma_wait3A_145 = tpu.memref_squeeze %dma_wait3A_144 : memref<1x80x128xf32, #tpu.memory_space<hbm>> -> memref<80x128xf32, #tpu.memory_space<hbm>>
        %dma_wait3A_146 = arith.constant 0 : i32
        %dma_wait3A_147 = tpu.memref_slice %arg10[%mul3A_136, %dma_wait3A_146] : memref<10008x128xf32, #tpu.memory_space<vmem_shared>> -> memref<80x128xf32, #tpu.memory_space<vmem_shared>>
        tpu.wait_dma2 semaphore(%run_scoped3A : memref<!tpu.dma_semaphore, #tpu.memory_space<semaphore_mem>>) src(%dma_wait3A_147 : memref<80x128xf32, #tpu.memory_space<vmem_shared>>) dst(%dma_wait3A_145 : memref<80x128xf32, #tpu.memory_space<hbm>>)
        tpu.yield
      }) : () -> ()
    } else {
    }
    return
  }
}

module attributes {stable_mosaic.version = 14 : i64} {
  func.func @_tc_layer_body(%arg0: i32, %arg1: i32, %arg2: memref<1000x128xf32, #tpu.memory_space<vmem>>, %arg3: memref<1000x128xf32, #tpu.memory_space<vmem>>, %arg4: memref<1000x128xf32, #tpu.memory_space<vmem>>, %arg5: memref<128x128xf32, #tpu.memory_space<vmem>>, %arg6: memref<1x128xf32, #tpu.memory_space<vmem>>, %arg7: memref<1x128xf32, #tpu.memory_space<vmem>>, %arg8: memref<1x128xf32, #tpu.memory_space<vmem>>, %arg9: memref<128x128xf32, #tpu.memory_space<vmem>>, %arg10: memref<1x128xf32, #tpu.memory_space<vmem>>, %arg11: memref<1x1x1000xi32, #tpu.memory_space<vmem>>, %arg12: memref<1000x128xf32, #tpu.memory_space<vmem>>, %arg13: memref<64x128xf32, #tpu.memory_space<vmem>>, %arg14: memref<10x1000x128xf32, #tpu.memory_space<vmem>>, %arg15: memref<2x128xf32, #tpu.memory_space<vmem>>, %arg16: memref<2x128xf32, #tpu.memory_space<vmem>>) attributes {dimension_semantics = [#tpu.dimension_semantics<arbitrary>, #tpu.dimension_semantics<arbitrary>], iteration_bounds = array<i64: 2, 10>, scalar_prefetch = 0 : i64, scratch_operands = 3 : i64, tpu.core_type = #tpu.core_type<tc>, window_params = [{transform_indices = @transform_0, window_bounds = array<i64: 1000, 128>}, {transform_indices = @transform_1, window_bounds = array<i64: 1000, 128>}, {transform_indices = @transform_2, window_bounds = array<i64: 1000, 128>}, {pipeline_mode = #tpu.pipeline_mode<synchronous>, transform_indices = @transform_3, window_bounds = array<i64: 128, 128>}, {pipeline_mode = #tpu.pipeline_mode<synchronous>, transform_indices = @transform_4, window_bounds = array<i64: 1, 128>}, {pipeline_mode = #tpu.pipeline_mode<synchronous>, transform_indices = @transform_5, window_bounds = array<i64: 1, 128>}, {pipeline_mode = #tpu.pipeline_mode<synchronous>, transform_indices = @transform_6, window_bounds = array<i64: 1, 128>}, {pipeline_mode = #tpu.pipeline_mode<synchronous>, transform_indices = @transform_7, window_bounds = array<i64: 128, 128>}, {pipeline_mode = #tpu.pipeline_mode<synchronous>, transform_indices = @transform_8, window_bounds = array<i64: 1, 128>}, {transform_indices = @transform_9, window_bounds = array<i64: 1, 1, 1000>}, {transform_indices = @transform_10, window_bounds = array<i64: 1000, 128>}, {pipeline_mode = #tpu.pipeline_mode<synchronous>, transform_indices = @transform_11, window_bounds = array<i64: 64, 128>}]} {
    %eq3A = arith.constant 0 : i32
    %eq3A_0 = arith.cmpi eq, %arg0, %eq3A : i32
    %convert_element_type3A = arith.extui %eq3A_0 : i1 to i32
    %cond3A = arith.constant 0 : i32
    %cond3A_1 = arith.cmpi ne, %convert_element_type3A, %cond3A : i32
    scf.if %cond3A_1 {
      %get3A = arith.constant 0 : index
      %get3A_7 = arith.constant 0 : index
      %get3A_8 = vector.load %arg2[%get3A, %get3A_7] : memref<1000x128xf32, #tpu.memory_space<vmem>>, vector<1000x128xf32>
      %get3A_9 = arith.constant 0 : index
      %get3A_10 = arith.constant 0 : index
      %get3A_11 = vector.load %arg3[%get3A_9, %get3A_10] : memref<1000x128xf32, #tpu.memory_space<vmem>>, vector<1000x128xf32>
      %add3A = arith.addf %get3A_8, %get3A_11 : vector<1000x128xf32>
      %get3A_12 = arith.constant 0 : index
      %get3A_13 = arith.constant 0 : index
      %get3A_14 = vector.load %arg4[%get3A_12, %get3A_13] : memref<1000x128xf32, #tpu.memory_space<vmem>>, vector<1000x128xf32>
      %add3A_15 = arith.addf %add3A, %get3A_14 : vector<1000x128xf32>
      %convert_element_type3A_16 = arith.truncf %add3A_15 : vector<1000x128xf32> to vector<1000x128xbf16>
      %get3A_17 = arith.constant 0 : index
      %get3A_18 = arith.constant 0 : index
      %get3A_19 = vector.load %arg5[%get3A_17, %get3A_18] : memref<128x128xf32, #tpu.memory_space<vmem>>, vector<128x128xf32>
      %convert_element_type3A_20 = arith.truncf %get3A_19 : vector<128x128xf32> to vector<128x128xbf16>
      %dot_general3A = arith.constant dense<0.000000e+00> : vector<1000x128xf32>
      %dot_general3A_21 = tpu.matmul %convert_element_type3A_16, %convert_element_type3A_20, %dot_general3A {dimension_numbers = #tpu.dot_dimension_numbers<[1], [0], [0], [1], [0, 0, 1, 1], [], []>, transpose_lhs_hint = false} : vector<1000x128xbf16>, vector<128x128xbf16>, vector<1000x128xf32> -> vector<1000x128xf32>
      %get3A_22 = arith.constant 0 : index
      %get3A_23 = arith.constant 0 : index
      %get3A_24 = vector.load %arg6[%get3A_22, %get3A_23] : memref<1x128xf32, #tpu.memory_space<vmem>>, vector<1x128xf32>
      %add3A_25 = vector.broadcast %get3A_24 : vector<1x128xf32> to vector<1000x128xf32>
      %add3A_26 = arith.addf %dot_general3A_21, %add3A_25 : vector<1000x128xf32>
      %swap3A = arith.index_cast %arg1 : i32 to index
      %swap3A_27 = arith.constant 0 : index
      %swap3A_28 = arith.constant 0 : index
      %swap3A_29 = vector.load %arg14[%swap3A, %swap3A_27, %swap3A_28] : memref<10x1000x128xf32, #tpu.memory_space<vmem>>, vector<1x1000x128xf32>
      %swap3A_30 = vector.shape_cast %swap3A_29 : vector<1x1000x128xf32> to vector<1000x128xf32>
      %swap3A_31 = vector.shape_cast %add3A_26 : vector<1000x128xf32> to vector<1x1000x128xf32>
      tpu.vector_store %arg14[%swap3A, %swap3A_27, %swap3A_28], %swap3A_31 {strides = array<i32>} : memref<10x1000x128xf32, #tpu.memory_space<vmem>>, vector<1x1000x128xf32>,
      %reduce_sum3A = arith.constant dense<0.000000e+00> : vector<128xf32>
      %reduce_sum3A_32 = vector.multi_reduction <add>, %add3A_26, %reduce_sum3A [0] : vector<1000x128xf32> to vector<128xf32>
      %broadcast_in_dim3A = vector.shape_cast %reduce_sum3A_32 : vector<128xf32> to vector<1x128xf32>
      %mul3A = arith.mulf %add3A_26, %add3A_26 : vector<1000x128xf32>
      %reduce_sum3A_33 = arith.constant dense<0.000000e+00> : vector<128xf32>
      %reduce_sum3A_34 = vector.multi_reduction <add>, %mul3A, %reduce_sum3A_33 [0] : vector<1000x128xf32> to vector<128xf32>
      %broadcast_in_dim3A_35 = vector.shape_cast %reduce_sum3A_34 : vector<128xf32> to vector<1x128xf32>
      %concatenate3A = tpu.concatenate %broadcast_in_dim3A, %broadcast_in_dim3A_35 in 0 : vector<1x128xf32>, vector<1x128xf32> -> vector<2x128xf32>
      %eq3A_36 = arith.constant 0 : i32
      %eq3A_37 = arith.cmpi eq, %arg1, %eq3A_36 : i32
      %convert_element_type3A_38 = arith.extui %eq3A_37 : i1 to i32
      %cond3A_39 = arith.constant 0 : i32
      %cond3A_40 = arith.cmpi ne, %convert_element_type3A_38, %cond3A_39 : i32
      scf.if %cond3A_40 {
        %swap3A_45 = arith.constant 0 : index
        %swap3A_46 = arith.constant 0 : index
        %swap3A_47 = vector.load %arg15[%swap3A_45, %swap3A_46] : memref<2x128xf32, #tpu.memory_space<vmem>>, vector<2x128xf32>
        tpu.vector_store %arg15[%swap3A_45, %swap3A_46], %concatenate3A {strides = array<i32>} : memref<2x128xf32, #tpu.memory_space<vmem>>, vector<2x128xf32>,
      } else {
      }
      %ne3A = arith.constant 0 : i32
      %ne3A_41 = arith.cmpi ne, %arg1, %ne3A : i32
      %convert_element_type3A_42 = arith.extui %ne3A_41 : i1 to i32
      %cond3A_43 = arith.constant 0 : i32
      %cond3A_44 = arith.cmpi ne, %convert_element_type3A_42, %cond3A_43 : i32
      scf.if %cond3A_44 {
        %get3A_45 = arith.constant 0 : index
        %get3A_46 = arith.constant 0 : index
        %get3A_47 = vector.load %arg15[%get3A_45, %get3A_46] : memref<2x128xf32, #tpu.memory_space<vmem>>, vector<2x128xf32>
        %add3A_48 = arith.addf %get3A_47, %concatenate3A : vector<2x128xf32>
        %swap3A_49 = arith.constant 0 : index
        %swap3A_50 = arith.constant 0 : index
        %swap3A_51 = vector.load %arg15[%swap3A_49, %swap3A_50] : memref<2x128xf32, #tpu.memory_space<vmem>>, vector<2x128xf32>
        tpu.vector_store %arg15[%swap3A_49, %swap3A_50], %add3A_48 {strides = array<i32>} : memref<2x128xf32, #tpu.memory_space<vmem>>, vector<2x128xf32>,
      } else {
      }
    } else {
    }
    %eq3A_2 = arith.constant 1 : i32
    %eq3A_3 = arith.cmpi eq, %arg0, %eq3A_2 : i32
    %convert_element_type3A_4 = arith.extui %eq3A_3 : i1 to i32
    %cond3A_5 = arith.constant 0 : i32
    %cond3A_6 = arith.cmpi ne, %convert_element_type3A_4, %cond3A_5 : i32
    scf.if %cond3A_6 {
      %eq3A_7 = arith.constant 0 : i32
      %eq3A_8 = arith.cmpi eq, %arg1, %eq3A_7 : i32
      %convert_element_type3A_9 = arith.extui %eq3A_8 : i1 to i32
      %cond3A_10 = arith.constant 0 : i32
      %cond3A_11 = arith.cmpi ne, %convert_element_type3A_9, %cond3A_10 : i32
      scf.if %cond3A_11 {
        %get3A_62 = arith.constant 0 : index
        %get3A_63 = arith.constant 0 : index
        %get3A_64 = vector.load %arg15[%get3A_62, %get3A_63] : memref<2x128xf32, #tpu.memory_space<vmem>>, vector<1x128xf32>
        %div3A = arith.constant 1.000000e+04 : f32
        %div3A_65 = vector.broadcast %div3A : f32 to vector<1x128xf32>
        %div3A_66 = arith.divf %get3A_64, %div3A_65 : vector<1x128xf32>
        %get3A_67 = arith.constant 1 : index
        %get3A_68 = arith.constant 0 : index
        %get3A_69 = vector.load %arg15[%get3A_67, %get3A_68] : memref<2x128xf32, #tpu.memory_space<vmem>>, vector<1x128xf32>
        %div3A_70 = arith.constant 1.000000e+04 : f32
        %div3A_71 = vector.broadcast %div3A_70 : f32 to vector<1x128xf32>
        %div3A_72 = arith.divf %get3A_69, %div3A_71 : vector<1x128xf32>
        %mul3A_73 = arith.mulf %div3A_66, %div3A_66 : vector<1x128xf32>
        %sub3A = arith.subf %div3A_72, %mul3A_73 : vector<1x128xf32>
        %add3A_74 = arith.constant 9.99999974E-6 : f32
        %add3A_75 = vector.broadcast %add3A_74 : f32 to vector<1x128xf32>
        %add3A_76 = arith.addf %sub3A, %add3A_75 : vector<1x128xf32>
        %rsqrt3A = math.rsqrt %add3A_76 : vector<1x128xf32>
        %get3A_77 = arith.constant 0 : index
        %get3A_78 = arith.constant 0 : index
        %get3A_79 = vector.load %arg7[%get3A_77, %get3A_78] : memref<1x128xf32, #tpu.memory_space<vmem>>, vector<1x128xf32>
        %mul3A_80 = arith.mulf %get3A_79, %rsqrt3A : vector<1x128xf32>
        %get3A_81 = arith.constant 0 : index
        %get3A_82 = arith.constant 0 : index
        %get3A_83 = vector.load %arg8[%get3A_81, %get3A_82] : memref<1x128xf32, #tpu.memory_space<vmem>>, vector<1x128xf32>
        %mul3A_84 = arith.mulf %div3A_66, %mul3A_80 : vector<1x128xf32>
        %sub3A_85 = arith.subf %get3A_83, %mul3A_84 : vector<1x128xf32>
        %concatenate3A = tpu.concatenate %mul3A_80, %sub3A_85 in 0 : vector<1x128xf32>, vector<1x128xf32> -> vector<2x128xf32>
        %swap3A_86 = arith.constant 0 : index
        %swap3A_87 = arith.constant 0 : index
        %swap3A_88 = vector.load %arg16[%swap3A_86, %swap3A_87] : memref<2x128xf32, #tpu.memory_space<vmem>>, vector<2x128xf32>
        tpu.vector_store %arg16[%swap3A_86, %swap3A_87], %concatenate3A {strides = array<i32>} : memref<2x128xf32, #tpu.memory_space<vmem>>, vector<2x128xf32>,
      } else {
      }
      %get3A = arith.index_cast %arg1 : i32 to index
      %get3A_12 = arith.constant 0 : index
      %get3A_13 = arith.constant 0 : index
      %get3A_14 = vector.load %arg14[%get3A, %get3A_12, %get3A_13] : memref<10x1000x128xf32, #tpu.memory_space<vmem>>, vector<1x1000x128xf32>
      %get3A_15 = vector.shape_cast %get3A_14 : vector<1x1000x128xf32> to vector<1000x128xf32>
      %get3A_16 = arith.constant 0 : index
      %get3A_17 = arith.constant 0 : index
      %get3A_18 = vector.load %arg16[%get3A_16, %get3A_17] : memref<2x128xf32, #tpu.memory_space<vmem>>, vector<1x128xf32>
      %mul3A = vector.broadcast %get3A_18 : vector<1x128xf32> to vector<1000x128xf32>
      %mul3A_19 = arith.mulf %get3A_15, %mul3A : vector<1000x128xf32>
      %get3A_20 = arith.constant 1 : index
      %get3A_21 = arith.constant 0 : index
      %get3A_22 = vector.load %arg16[%get3A_20, %get3A_21] : memref<2x128xf32, #tpu.memory_space<vmem>>, vector<1x128xf32>
      %add3A = vector.broadcast %get3A_22 : vector<1x128xf32> to vector<1000x128xf32>
      %add3A_23 = arith.addf %mul3A_19, %add3A : vector<1000x128xf32>
      %max3A = arith.constant 0.000000e+00 : f32
      %max3A_24 = vector.broadcast %max3A : f32 to vector<1000x128xf32>
      %max3A_25 = arith.maximumf %add3A_23, %max3A_24 : vector<1000x128xf32>
      %convert_element_type3A_26 = arith.truncf %max3A_25 : vector<1000x128xf32> to vector<1000x128xbf16>
      %get3A_27 = arith.constant 0 : index
      %get3A_28 = arith.constant 0 : index
      %get3A_29 = vector.load %arg9[%get3A_27, %get3A_28] : memref<128x128xf32, #tpu.memory_space<vmem>>, vector<128x128xf32>
      %convert_element_type3A_30 = arith.truncf %get3A_29 : vector<128x128xf32> to vector<128x128xbf16>
      %dot_general3A = arith.constant dense<0.000000e+00> : vector<1000x128xf32>
      %dot_general3A_31 = tpu.matmul %convert_element_type3A_26, %convert_element_type3A_30, %dot_general3A {dimension_numbers = #tpu.dot_dimension_numbers<[1], [0], [0], [1], [0, 0, 1, 1], [], []>, transpose_lhs_hint = false} : vector<1000x128xbf16>, vector<128x128xbf16>, vector<1000x128xf32> -> vector<1000x128xf32>
      %get3A_32 = arith.constant 0 : index
      %get3A_33 = arith.constant 0 : index
      %get3A_34 = vector.load %arg10[%get3A_32, %get3A_33] : memref<1x128xf32, #tpu.memory_space<vmem>>, vector<1x128xf32>
      %add3A_35 = vector.broadcast %get3A_34 : vector<1x128xf32> to vector<1000x128xf32>
      %add3A_36 = arith.addf %dot_general3A_31, %add3A_35 : vector<1000x128xf32>
      %max3A_37 = arith.constant 0.000000e+00 : f32
      %max3A_38 = vector.broadcast %max3A_37 : f32 to vector<1000x128xf32>
      %max3A_39 = arith.maximumf %add3A_36, %max3A_38 : vector<1000x128xf32>
      %swap3A = arith.constant 0 : index
      %swap3A_40 = arith.constant 0 : index
      %swap3A_41 = vector.load %arg12[%swap3A, %swap3A_40] : memref<1000x128xf32, #tpu.memory_space<vmem>>, vector<1000x128xf32>
      tpu.vector_store %arg12[%swap3A, %swap3A_40], %max3A_39 {strides = array<i32>} : memref<1000x128xf32, #tpu.memory_space<vmem>>, vector<1000x128xf32>,
      %iota3A = tpu.iota {dimensions = array<i32: 0>} : vector<64x1000xi32>
      %get3A_42 = arith.constant 0 : index
      %get3A_43 = arith.constant 0 : index
      %get3A_44 = arith.constant 0 : index
      %get3A_45 = vector.load %arg11[%get3A_42, %get3A_43, %get3A_44] : memref<1x1x1000xi32, #tpu.memory_space<vmem>>, vector<1x1x1000xi32>
      %get3A_46 = vector.shape_cast %get3A_45 : vector<1x1x1000xi32> to vector<1x1000xi32>
      %eq3A_47 = vector.broadcast %get3A_46 : vector<1x1000xi32> to vector<64x1000xi32>
      %eq3A_48 = arith.cmpi eq, %iota3A, %eq3A_47 : vector<64x1000xi32>
      %convert_element_type3A_49 = arith.extui %eq3A_48 : vector<64x1000xi1> to vector<64x1000xi32>
      %convert_element_type3A_50 = arith.sitofp %convert_element_type3A_49 : vector<64x1000xi32> to vector<64x1000xf32>
      %dot_general3A_51 = arith.constant dense<0.000000e+00> : vector<64x128xf32>
      %dot_general3A_52 = tpu.matmul %convert_element_type3A_50, %max3A_39, %dot_general3A_51 {dimension_numbers = #tpu.dot_dimension_numbers<[1], [0], [0], [1], [0, 0, 1, 1], [], []>, precision = #tpu.contract_precision<fp32>, transpose_lhs_hint = false} : vector<64x1000xf32>, vector<1000x128xf32>, vector<64x128xf32> -> vector<64x128xf32>
      %eq3A_53 = arith.constant 0 : i32
      %eq3A_54 = arith.cmpi eq, %arg1, %eq3A_53 : i32
      %convert_element_type3A_55 = arith.extui %eq3A_54 : i1 to i32
      %cond3A_56 = arith.constant 0 : i32
      %cond3A_57 = arith.cmpi ne, %convert_element_type3A_55, %cond3A_56 : i32
      scf.if %cond3A_57 {
        %swap3A_62 = arith.constant 0 : index
        %swap3A_63 = arith.constant 0 : index
        %swap3A_64 = vector.load %arg13[%swap3A_62, %swap3A_63] : memref<64x128xf32, #tpu.memory_space<vmem>>, vector<64x128xf32>
        tpu.vector_store %arg13[%swap3A_62, %swap3A_63], %dot_general3A_52 {strides = array<i32>} : memref<64x128xf32, #tpu.memory_space<vmem>>, vector<64x128xf32>,
      } else {
      }
      %ne3A = arith.constant 0 : i32
      %ne3A_58 = arith.cmpi ne, %arg1, %ne3A : i32
      %convert_element_type3A_59 = arith.extui %ne3A_58 : i1 to i32
      %cond3A_60 = arith.constant 0 : i32
      %cond3A_61 = arith.cmpi ne, %convert_element_type3A_59, %cond3A_60 : i32
      scf.if %cond3A_61 {
        %get3A_62 = arith.constant 0 : index
        %get3A_63 = arith.constant 0 : index
        %get3A_64 = vector.load %arg13[%get3A_62, %get3A_63] : memref<64x128xf32, #tpu.memory_space<vmem>>, vector<64x128xf32>
        %add3A_65 = arith.addf %get3A_64, %dot_general3A_52 : vector<64x128xf32>
        %swap3A_66 = arith.constant 0 : index
        %swap3A_67 = arith.constant 0 : index
        %swap3A_68 = vector.load %arg13[%swap3A_66, %swap3A_67] : memref<64x128xf32, #tpu.memory_space<vmem>>, vector<64x128xf32>
        tpu.vector_store %arg13[%swap3A_66, %swap3A_67], %add3A_65 {strides = array<i32>} : memref<64x128xf32, #tpu.memory_space<vmem>>, vector<64x128xf32>,
      } else {
      }
    } else {
    }
    return
  }
  func.func @transform_0(%arg0: i32, %arg1: i32) -> (i32, i32) {
    %c0_i32 = arith.constant 0 : i32
    %c0_i32_0 = arith.constant 0 : i32
    return %arg1, %c0_i32 : i32, i32
  }
  func.func @transform_1(%arg0: i32, %arg1: i32) -> (i32, i32) {
    %c0_i32 = arith.constant 0 : i32
    %c0_i32_0 = arith.constant 0 : i32
    return %arg1, %c0_i32 : i32, i32
  }
  func.func @transform_2(%arg0: i32, %arg1: i32) -> (i32, i32) {
    %c0_i32 = arith.constant 0 : i32
    %c0_i32_0 = arith.constant 0 : i32
    return %arg1, %c0_i32 : i32, i32
  }
  func.func @transform_3(%arg0: i32, %arg1: i32) -> (i32, i32) {
    %c0_i32 = arith.constant 0 : i32
    %c0_i32_0 = arith.constant 0 : i32
    %c0_i32_1 = arith.constant 0 : i32
    return %c0_i32, %c0_i32_0 : i32, i32
  }
  func.func @transform_4(%arg0: i32, %arg1: i32) -> (i32, i32) {
    %c0_i32 = arith.constant 0 : i32
    %c0_i32_0 = arith.constant 0 : i32
    %c0_i32_1 = arith.constant 0 : i32
    return %c0_i32, %c0_i32_0 : i32, i32
  }
  func.func @transform_5(%arg0: i32, %arg1: i32) -> (i32, i32) {
    %c0_i32 = arith.constant 0 : i32
    %c0_i32_0 = arith.constant 0 : i32
    %c0_i32_1 = arith.constant 0 : i32
    return %c0_i32, %c0_i32_0 : i32, i32
  }
  func.func @transform_6(%arg0: i32, %arg1: i32) -> (i32, i32) {
    %c0_i32 = arith.constant 0 : i32
    %c0_i32_0 = arith.constant 0 : i32
    %c0_i32_1 = arith.constant 0 : i32
    return %c0_i32, %c0_i32_0 : i32, i32
  }
  func.func @transform_7(%arg0: i32, %arg1: i32) -> (i32, i32) {
    %c0_i32 = arith.constant 0 : i32
    %c0_i32_0 = arith.constant 0 : i32
    %c0_i32_1 = arith.constant 0 : i32
    return %c0_i32, %c0_i32_0 : i32, i32
  }
  func.func @transform_8(%arg0: i32, %arg1: i32) -> (i32, i32) {
    %c0_i32 = arith.constant 0 : i32
    %c0_i32_0 = arith.constant 0 : i32
    %c0_i32_1 = arith.constant 0 : i32
    return %c0_i32, %c0_i32_0 : i32, i32
  }
  func.func @transform_9(%arg0: i32, %arg1: i32) -> (i32, i32, i32) {
    %c0_i32 = arith.constant 0 : i32
    %c0_i32_0 = arith.constant 0 : i32
    %c0_i32_1 = arith.constant 0 : i32
    return %arg1, %c0_i32, %c0_i32_0 : i32, i32, i32
  }
  func.func @transform_10(%arg0: i32, %arg1: i32) -> (i32, i32) {
    %mul3A = arith.muli %arg1, %arg0 : i32
    %c0_i32 = arith.constant 0 : i32
    %c0_i32_0 = arith.constant 0 : i32
    return %mul3A, %c0_i32 : i32, i32
  }
  func.func @transform_11(%arg0: i32, %arg1: i32) -> (i32, i32) {
    %c0_i32 = arith.constant 0 : i32
    %c0_i32_0 = arith.constant 0 : i32
    %c0_i32_1 = arith.constant 0 : i32
    return %c0_i32, %c0_i32_0 : i32, i32
  }
}

module attributes {stable_mosaic.version = 14 : i64} {
  func.func @_tc_layer_body(%arg0: i32, %arg1: i32, %arg2: memref<1000x128xf32, #tpu.memory_space<vmem>>, %arg3: memref<1000x128xf32, #tpu.memory_space<vmem>>, %arg4: memref<1000x128xf32, #tpu.memory_space<vmem>>, %arg5: memref<128x128xf32, #tpu.memory_space<vmem>>, %arg6: memref<1x128xf32, #tpu.memory_space<vmem>>, %arg7: memref<1x128xf32, #tpu.memory_space<vmem>>, %arg8: memref<1x128xf32, #tpu.memory_space<vmem>>, %arg9: memref<128x128xf32, #tpu.memory_space<vmem>>, %arg10: memref<1x128xf32, #tpu.memory_space<vmem>>, %arg11: memref<1x1x1000xi32, #tpu.memory_space<vmem>>, %arg12: memref<1000x128xf32, #tpu.memory_space<vmem>>, %arg13: memref<64x128xf32, #tpu.memory_space<vmem>>, %arg14: memref<10x1000x128xf32, #tpu.memory_space<vmem>>, %arg15: memref<2x128xf32, #tpu.memory_space<vmem>>, %arg16: memref<2x128xf32, #tpu.memory_space<vmem>>) attributes {dimension_semantics = [#tpu.dimension_semantics<arbitrary>, #tpu.dimension_semantics<arbitrary>], iteration_bounds = array<i64: 2, 10>, scalar_prefetch = 0 : i64, scratch_operands = 3 : i64, tpu.core_type = #tpu.core_type<tc>, window_params = [{transform_indices = @transform_0, window_bounds = array<i64: 1000, 128>}, {transform_indices = @transform_1, window_bounds = array<i64: 1000, 128>}, {transform_indices = @transform_2, window_bounds = array<i64: 1000, 128>}, {pipeline_mode = #tpu.pipeline_mode<synchronous>, transform_indices = @transform_3, window_bounds = array<i64: 128, 128>}, {pipeline_mode = #tpu.pipeline_mode<synchronous>, transform_indices = @transform_4, window_bounds = array<i64: 1, 128>}, {pipeline_mode = #tpu.pipeline_mode<synchronous>, transform_indices = @transform_5, window_bounds = array<i64: 1, 128>}, {pipeline_mode = #tpu.pipeline_mode<synchronous>, transform_indices = @transform_6, window_bounds = array<i64: 1, 128>}, {pipeline_mode = #tpu.pipeline_mode<synchronous>, transform_indices = @transform_7, window_bounds = array<i64: 128, 128>}, {pipeline_mode = #tpu.pipeline_mode<synchronous>, transform_indices = @transform_8, window_bounds = array<i64: 1, 128>}, {transform_indices = @transform_9, window_bounds = array<i64: 1, 1, 1000>}, {transform_indices = @transform_10, window_bounds = array<i64: 1000, 128>}, {pipeline_mode = #tpu.pipeline_mode<synchronous>, transform_indices = @transform_11, window_bounds = array<i64: 64, 128>}]} {
    %eq3A = arith.constant 0 : i32
    %eq3A_0 = arith.cmpi eq, %arg0, %eq3A : i32
    %convert_element_type3A = arith.extui %eq3A_0 : i1 to i32
    %cond3A = arith.constant 0 : i32
    %cond3A_1 = arith.cmpi ne, %convert_element_type3A, %cond3A : i32
    scf.if %cond3A_1 {
      %get3A = arith.constant 0 : index
      %get3A_7 = arith.constant 0 : index
      %get3A_8 = vector.load %arg2[%get3A, %get3A_7] : memref<1000x128xf32, #tpu.memory_space<vmem>>, vector<1000x128xf32>
      %get3A_9 = arith.constant 0 : index
      %get3A_10 = arith.constant 0 : index
      %get3A_11 = vector.load %arg3[%get3A_9, %get3A_10] : memref<1000x128xf32, #tpu.memory_space<vmem>>, vector<1000x128xf32>
      %add3A = arith.addf %get3A_8, %get3A_11 : vector<1000x128xf32>
      %get3A_12 = arith.constant 0 : index
      %get3A_13 = arith.constant 0 : index
      %get3A_14 = vector.load %arg4[%get3A_12, %get3A_13] : memref<1000x128xf32, #tpu.memory_space<vmem>>, vector<1000x128xf32>
      %add3A_15 = arith.addf %add3A, %get3A_14 : vector<1000x128xf32>
      %convert_element_type3A_16 = arith.truncf %add3A_15 : vector<1000x128xf32> to vector<1000x128xbf16>
      %get3A_17 = arith.constant 0 : index
      %get3A_18 = arith.constant 0 : index
      %get3A_19 = vector.load %arg5[%get3A_17, %get3A_18] : memref<128x128xf32, #tpu.memory_space<vmem>>, vector<128x128xf32>
      %convert_element_type3A_20 = arith.truncf %get3A_19 : vector<128x128xf32> to vector<128x128xbf16>
      %dot_general3A = arith.constant dense<0.000000e+00> : vector<1000x128xf32>
      %dot_general3A_21 = tpu.matmul %convert_element_type3A_16, %convert_element_type3A_20, %dot_general3A {dimension_numbers = #tpu.dot_dimension_numbers<[1], [0], [0], [1], [0, 0, 1, 1], [], []>, transpose_lhs_hint = false} : vector<1000x128xbf16>, vector<128x128xbf16>, vector<1000x128xf32> -> vector<1000x128xf32>
      %get3A_22 = arith.constant 0 : index
      %get3A_23 = arith.constant 0 : index
      %get3A_24 = vector.load %arg6[%get3A_22, %get3A_23] : memref<1x128xf32, #tpu.memory_space<vmem>>, vector<1x128xf32>
      %add3A_25 = vector.broadcast %get3A_24 : vector<1x128xf32> to vector<1000x128xf32>
      %add3A_26 = arith.addf %dot_general3A_21, %add3A_25 : vector<1000x128xf32>
      %swap3A = arith.index_cast %arg1 : i32 to index
      %swap3A_27 = arith.constant 0 : index
      %swap3A_28 = arith.constant 0 : index
      %swap3A_29 = vector.load %arg14[%swap3A, %swap3A_27, %swap3A_28] : memref<10x1000x128xf32, #tpu.memory_space<vmem>>, vector<1x1000x128xf32>
      %swap3A_30 = vector.shape_cast %swap3A_29 : vector<1x1000x128xf32> to vector<1000x128xf32>
      %swap3A_31 = vector.shape_cast %add3A_26 : vector<1000x128xf32> to vector<1x1000x128xf32>
      tpu.vector_store %arg14[%swap3A, %swap3A_27, %swap3A_28], %swap3A_31 {strides = array<i32>} : memref<10x1000x128xf32, #tpu.memory_space<vmem>>, vector<1x1000x128xf32>,
      %reduce_sum3A = arith.constant dense<0.000000e+00> : vector<128xf32>
      %reduce_sum3A_32 = vector.multi_reduction <add>, %add3A_26, %reduce_sum3A [0] : vector<1000x128xf32> to vector<128xf32>
      %broadcast_in_dim3A = vector.shape_cast %reduce_sum3A_32 : vector<128xf32> to vector<1x128xf32>
      %mul3A = arith.mulf %add3A_26, %add3A_26 : vector<1000x128xf32>
      %reduce_sum3A_33 = arith.constant dense<0.000000e+00> : vector<128xf32>
      %reduce_sum3A_34 = vector.multi_reduction <add>, %mul3A, %reduce_sum3A_33 [0] : vector<1000x128xf32> to vector<128xf32>
      %broadcast_in_dim3A_35 = vector.shape_cast %reduce_sum3A_34 : vector<128xf32> to vector<1x128xf32>
      %concatenate3A = tpu.concatenate %broadcast_in_dim3A, %broadcast_in_dim3A_35 in 0 : vector<1x128xf32>, vector<1x128xf32> -> vector<2x128xf32>
      %eq3A_36 = arith.constant 0 : i32
      %eq3A_37 = arith.cmpi eq, %arg1, %eq3A_36 : i32
      %convert_element_type3A_38 = arith.extui %eq3A_37 : i1 to i32
      %cond3A_39 = arith.constant 0 : i32
      %cond3A_40 = arith.cmpi ne, %convert_element_type3A_38, %cond3A_39 : i32
      scf.if %cond3A_40 {
        %swap3A_45 = arith.constant 0 : index
        %swap3A_46 = arith.constant 0 : index
        %swap3A_47 = vector.load %arg15[%swap3A_45, %swap3A_46] : memref<2x128xf32, #tpu.memory_space<vmem>>, vector<2x128xf32>
        tpu.vector_store %arg15[%swap3A_45, %swap3A_46], %concatenate3A {strides = array<i32>} : memref<2x128xf32, #tpu.memory_space<vmem>>, vector<2x128xf32>,
      } else {
      }
      %ne3A = arith.constant 0 : i32
      %ne3A_41 = arith.cmpi ne, %arg1, %ne3A : i32
      %convert_element_type3A_42 = arith.extui %ne3A_41 : i1 to i32
      %cond3A_43 = arith.constant 0 : i32
      %cond3A_44 = arith.cmpi ne, %convert_element_type3A_42, %cond3A_43 : i32
      scf.if %cond3A_44 {
        %get3A_45 = arith.constant 0 : index
        %get3A_46 = arith.constant 0 : index
        %get3A_47 = vector.load %arg15[%get3A_45, %get3A_46] : memref<2x128xf32, #tpu.memory_space<vmem>>, vector<2x128xf32>
        %add3A_48 = arith.addf %get3A_47, %concatenate3A : vector<2x128xf32>
        %swap3A_49 = arith.constant 0 : index
        %swap3A_50 = arith.constant 0 : index
        %swap3A_51 = vector.load %arg15[%swap3A_49, %swap3A_50] : memref<2x128xf32, #tpu.memory_space<vmem>>, vector<2x128xf32>
        tpu.vector_store %arg15[%swap3A_49, %swap3A_50], %add3A_48 {strides = array<i32>} : memref<2x128xf32, #tpu.memory_space<vmem>>, vector<2x128xf32>,
      } else {
      }
    } else {
    }
    %eq3A_2 = arith.constant 1 : i32
    %eq3A_3 = arith.cmpi eq, %arg0, %eq3A_2 : i32
    %convert_element_type3A_4 = arith.extui %eq3A_3 : i1 to i32
    %cond3A_5 = arith.constant 0 : i32
    %cond3A_6 = arith.cmpi ne, %convert_element_type3A_4, %cond3A_5 : i32
    scf.if %cond3A_6 {
      %eq3A_7 = arith.constant 0 : i32
      %eq3A_8 = arith.cmpi eq, %arg1, %eq3A_7 : i32
      %convert_element_type3A_9 = arith.extui %eq3A_8 : i1 to i32
      %cond3A_10 = arith.constant 0 : i32
      %cond3A_11 = arith.cmpi ne, %convert_element_type3A_9, %cond3A_10 : i32
      scf.if %cond3A_11 {
        %get3A_62 = arith.constant 0 : index
        %get3A_63 = arith.constant 0 : index
        %get3A_64 = vector.load %arg15[%get3A_62, %get3A_63] : memref<2x128xf32, #tpu.memory_space<vmem>>, vector<1x128xf32>
        %div3A = arith.constant 1.000000e+04 : f32
        %div3A_65 = vector.broadcast %div3A : f32 to vector<1x128xf32>
        %div3A_66 = arith.divf %get3A_64, %div3A_65 : vector<1x128xf32>
        %get3A_67 = arith.constant 1 : index
        %get3A_68 = arith.constant 0 : index
        %get3A_69 = vector.load %arg15[%get3A_67, %get3A_68] : memref<2x128xf32, #tpu.memory_space<vmem>>, vector<1x128xf32>
        %div3A_70 = arith.constant 1.000000e+04 : f32
        %div3A_71 = vector.broadcast %div3A_70 : f32 to vector<1x128xf32>
        %div3A_72 = arith.divf %get3A_69, %div3A_71 : vector<1x128xf32>
        %mul3A_73 = arith.mulf %div3A_66, %div3A_66 : vector<1x128xf32>
        %sub3A = arith.subf %div3A_72, %mul3A_73 : vector<1x128xf32>
        %add3A_74 = arith.constant 9.99999974E-6 : f32
        %add3A_75 = vector.broadcast %add3A_74 : f32 to vector<1x128xf32>
        %add3A_76 = arith.addf %sub3A, %add3A_75 : vector<1x128xf32>
        %rsqrt3A = math.rsqrt %add3A_76 : vector<1x128xf32>
        %get3A_77 = arith.constant 0 : index
        %get3A_78 = arith.constant 0 : index
        %get3A_79 = vector.load %arg7[%get3A_77, %get3A_78] : memref<1x128xf32, #tpu.memory_space<vmem>>, vector<1x128xf32>
        %mul3A_80 = arith.mulf %get3A_79, %rsqrt3A : vector<1x128xf32>
        %get3A_81 = arith.constant 0 : index
        %get3A_82 = arith.constant 0 : index
        %get3A_83 = vector.load %arg8[%get3A_81, %get3A_82] : memref<1x128xf32, #tpu.memory_space<vmem>>, vector<1x128xf32>
        %mul3A_84 = arith.mulf %div3A_66, %mul3A_80 : vector<1x128xf32>
        %sub3A_85 = arith.subf %get3A_83, %mul3A_84 : vector<1x128xf32>
        %concatenate3A = tpu.concatenate %mul3A_80, %sub3A_85 in 0 : vector<1x128xf32>, vector<1x128xf32> -> vector<2x128xf32>
        %swap3A_86 = arith.constant 0 : index
        %swap3A_87 = arith.constant 0 : index
        %swap3A_88 = vector.load %arg16[%swap3A_86, %swap3A_87] : memref<2x128xf32, #tpu.memory_space<vmem>>, vector<2x128xf32>
        tpu.vector_store %arg16[%swap3A_86, %swap3A_87], %concatenate3A {strides = array<i32>} : memref<2x128xf32, #tpu.memory_space<vmem>>, vector<2x128xf32>,
      } else {
      }
      %get3A = arith.index_cast %arg1 : i32 to index
      %get3A_12 = arith.constant 0 : index
      %get3A_13 = arith.constant 0 : index
      %get3A_14 = vector.load %arg14[%get3A, %get3A_12, %get3A_13] : memref<10x1000x128xf32, #tpu.memory_space<vmem>>, vector<1x1000x128xf32>
      %get3A_15 = vector.shape_cast %get3A_14 : vector<1x1000x128xf32> to vector<1000x128xf32>
      %get3A_16 = arith.constant 0 : index
      %get3A_17 = arith.constant 0 : index
      %get3A_18 = vector.load %arg16[%get3A_16, %get3A_17] : memref<2x128xf32, #tpu.memory_space<vmem>>, vector<1x128xf32>
      %mul3A = vector.broadcast %get3A_18 : vector<1x128xf32> to vector<1000x128xf32>
      %mul3A_19 = arith.mulf %get3A_15, %mul3A : vector<1000x128xf32>
      %get3A_20 = arith.constant 1 : index
      %get3A_21 = arith.constant 0 : index
      %get3A_22 = vector.load %arg16[%get3A_20, %get3A_21] : memref<2x128xf32, #tpu.memory_space<vmem>>, vector<1x128xf32>
      %add3A = vector.broadcast %get3A_22 : vector<1x128xf32> to vector<1000x128xf32>
      %add3A_23 = arith.addf %mul3A_19, %add3A : vector<1000x128xf32>
      %max3A = arith.constant 0.000000e+00 : f32
      %max3A_24 = vector.broadcast %max3A : f32 to vector<1000x128xf32>
      %max3A_25 = arith.maximumf %add3A_23, %max3A_24 : vector<1000x128xf32>
      %convert_element_type3A_26 = arith.truncf %max3A_25 : vector<1000x128xf32> to vector<1000x128xbf16>
      %get3A_27 = arith.constant 0 : index
      %get3A_28 = arith.constant 0 : index
      %get3A_29 = vector.load %arg9[%get3A_27, %get3A_28] : memref<128x128xf32, #tpu.memory_space<vmem>>, vector<128x128xf32>
      %convert_element_type3A_30 = arith.truncf %get3A_29 : vector<128x128xf32> to vector<128x128xbf16>
      %dot_general3A = arith.constant dense<0.000000e+00> : vector<1000x128xf32>
      %dot_general3A_31 = tpu.matmul %convert_element_type3A_26, %convert_element_type3A_30, %dot_general3A {dimension_numbers = #tpu.dot_dimension_numbers<[1], [0], [0], [1], [0, 0, 1, 1], [], []>, transpose_lhs_hint = false} : vector<1000x128xbf16>, vector<128x128xbf16>, vector<1000x128xf32> -> vector<1000x128xf32>
      %get3A_32 = arith.constant 0 : index
      %get3A_33 = arith.constant 0 : index
      %get3A_34 = vector.load %arg10[%get3A_32, %get3A_33] : memref<1x128xf32, #tpu.memory_space<vmem>>, vector<1x128xf32>
      %add3A_35 = vector.broadcast %get3A_34 : vector<1x128xf32> to vector<1000x128xf32>
      %add3A_36 = arith.addf %dot_general3A_31, %add3A_35 : vector<1000x128xf32>
      %max3A_37 = arith.constant 0.000000e+00 : f32
      %max3A_38 = vector.broadcast %max3A_37 : f32 to vector<1000x128xf32>
      %max3A_39 = arith.maximumf %add3A_36, %max3A_38 : vector<1000x128xf32>
      %swap3A = arith.constant 0 : index
      %swap3A_40 = arith.constant 0 : index
      %swap3A_41 = vector.load %arg12[%swap3A, %swap3A_40] : memref<1000x128xf32, #tpu.memory_space<vmem>>, vector<1000x128xf32>
      tpu.vector_store %arg12[%swap3A, %swap3A_40], %max3A_39 {strides = array<i32>} : memref<1000x128xf32, #tpu.memory_space<vmem>>, vector<1000x128xf32>,
      %iota3A = tpu.iota {dimensions = array<i32: 0>} : vector<64x1000xi32>
      %get3A_42 = arith.constant 0 : index
      %get3A_43 = arith.constant 0 : index
      %get3A_44 = arith.constant 0 : index
      %get3A_45 = vector.load %arg11[%get3A_42, %get3A_43, %get3A_44] : memref<1x1x1000xi32, #tpu.memory_space<vmem>>, vector<1x1x1000xi32>
      %get3A_46 = vector.shape_cast %get3A_45 : vector<1x1x1000xi32> to vector<1x1000xi32>
      %eq3A_47 = vector.broadcast %get3A_46 : vector<1x1000xi32> to vector<64x1000xi32>
      %eq3A_48 = arith.cmpi eq, %iota3A, %eq3A_47 : vector<64x1000xi32>
      %convert_element_type3A_49 = arith.extui %eq3A_48 : vector<64x1000xi1> to vector<64x1000xi32>
      %convert_element_type3A_50 = arith.sitofp %convert_element_type3A_49 : vector<64x1000xi32> to vector<64x1000xf32>
      %dot_general3A_51 = arith.constant dense<0.000000e+00> : vector<64x128xf32>
      %dot_general3A_52 = tpu.matmul %convert_element_type3A_50, %max3A_39, %dot_general3A_51 {dimension_numbers = #tpu.dot_dimension_numbers<[1], [0], [0], [1], [0, 0, 1, 1], [], []>, precision = #tpu.contract_precision<fp32>, transpose_lhs_hint = false} : vector<64x1000xf32>, vector<1000x128xf32>, vector<64x128xf32> -> vector<64x128xf32>
      %eq3A_53 = arith.constant 0 : i32
      %eq3A_54 = arith.cmpi eq, %arg1, %eq3A_53 : i32
      %convert_element_type3A_55 = arith.extui %eq3A_54 : i1 to i32
      %cond3A_56 = arith.constant 0 : i32
      %cond3A_57 = arith.cmpi ne, %convert_element_type3A_55, %cond3A_56 : i32
      scf.if %cond3A_57 {
        %swap3A_62 = arith.constant 0 : index
        %swap3A_63 = arith.constant 0 : index
        %swap3A_64 = vector.load %arg13[%swap3A_62, %swap3A_63] : memref<64x128xf32, #tpu.memory_space<vmem>>, vector<64x128xf32>
        tpu.vector_store %arg13[%swap3A_62, %swap3A_63], %dot_general3A_52 {strides = array<i32>} : memref<64x128xf32, #tpu.memory_space<vmem>>, vector<64x128xf32>,
      } else {
      }
      %ne3A = arith.constant 0 : i32
      %ne3A_58 = arith.cmpi ne, %arg1, %ne3A : i32
      %convert_element_type3A_59 = arith.extui %ne3A_58 : i1 to i32
      %cond3A_60 = arith.constant 0 : i32
      %cond3A_61 = arith.cmpi ne, %convert_element_type3A_59, %cond3A_60 : i32
      scf.if %cond3A_61 {
        %get3A_62 = arith.constant 0 : index
        %get3A_63 = arith.constant 0 : index
        %get3A_64 = vector.load %arg13[%get3A_62, %get3A_63] : memref<64x128xf32, #tpu.memory_space<vmem>>, vector<64x128xf32>
        %add3A_65 = arith.addf %get3A_64, %dot_general3A_52 : vector<64x128xf32>
        %swap3A_66 = arith.constant 0 : index
        %swap3A_67 = arith.constant 0 : index
        %swap3A_68 = vector.load %arg13[%swap3A_66, %swap3A_67] : memref<64x128xf32, #tpu.memory_space<vmem>>, vector<64x128xf32>
        tpu.vector_store %arg13[%swap3A_66, %swap3A_67], %add3A_65 {strides = array<i32>} : memref<64x128xf32, #tpu.memory_space<vmem>>, vector<64x128xf32>,
      } else {
      }
    } else {
    }
    return
  }
  func.func @transform_0(%arg0: i32, %arg1: i32) -> (i32, i32) {
    %c0_i32 = arith.constant 0 : i32
    %c0_i32_0 = arith.constant 0 : i32
    return %arg1, %c0_i32 : i32, i32
  }
  func.func @transform_1(%arg0: i32, %arg1: i32) -> (i32, i32) {
    %c0_i32 = arith.constant 0 : i32
    %c0_i32_0 = arith.constant 0 : i32
    return %arg1, %c0_i32 : i32, i32
  }
  func.func @transform_2(%arg0: i32, %arg1: i32) -> (i32, i32) {
    %c0_i32 = arith.constant 0 : i32
    %c0_i32_0 = arith.constant 0 : i32
    return %arg1, %c0_i32 : i32, i32
  }
  func.func @transform_3(%arg0: i32, %arg1: i32) -> (i32, i32) {
    %c0_i32 = arith.constant 0 : i32
    %c0_i32_0 = arith.constant 0 : i32
    %c0_i32_1 = arith.constant 0 : i32
    return %c0_i32, %c0_i32_0 : i32, i32
  }
  func.func @transform_4(%arg0: i32, %arg1: i32) -> (i32, i32) {
    %c0_i32 = arith.constant 0 : i32
    %c0_i32_0 = arith.constant 0 : i32
    %c0_i32_1 = arith.constant 0 : i32
    return %c0_i32, %c0_i32_0 : i32, i32
  }
  func.func @transform_5(%arg0: i32, %arg1: i32) -> (i32, i32) {
    %c0_i32 = arith.constant 0 : i32
    %c0_i32_0 = arith.constant 0 : i32
    %c0_i32_1 = arith.constant 0 : i32
    return %c0_i32, %c0_i32_0 : i32, i32
  }
  func.func @transform_6(%arg0: i32, %arg1: i32) -> (i32, i32) {
    %c0_i32 = arith.constant 0 : i32
    %c0_i32_0 = arith.constant 0 : i32
    %c0_i32_1 = arith.constant 0 : i32
    return %c0_i32, %c0_i32_0 : i32, i32
  }
  func.func @transform_7(%arg0: i32, %arg1: i32) -> (i32, i32) {
    %c0_i32 = arith.constant 0 : i32
    %c0_i32_0 = arith.constant 0 : i32
    %c0_i32_1 = arith.constant 0 : i32
    return %c0_i32, %c0_i32_0 : i32, i32
  }
  func.func @transform_8(%arg0: i32, %arg1: i32) -> (i32, i32) {
    %c0_i32 = arith.constant 0 : i32
    %c0_i32_0 = arith.constant 0 : i32
    %c0_i32_1 = arith.constant 0 : i32
    return %c0_i32, %c0_i32_0 : i32, i32
  }
  func.func @transform_9(%arg0: i32, %arg1: i32) -> (i32, i32, i32) {
    %c0_i32 = arith.constant 0 : i32
    %c0_i32_0 = arith.constant 0 : i32
    %c0_i32_1 = arith.constant 0 : i32
    return %arg1, %c0_i32, %c0_i32_0 : i32, i32, i32
  }
  func.func @transform_10(%arg0: i32, %arg1: i32) -> (i32, i32) {
    %mul3A = arith.muli %arg1, %arg0 : i32
    %c0_i32 = arith.constant 0 : i32
    %c0_i32_0 = arith.constant 0 : i32
    return %mul3A, %c0_i32 : i32, i32
  }
  func.func @transform_11(%arg0: i32, %arg1: i32) -> (i32, i32) {
    %c0_i32 = arith.constant 0 : i32
    %c0_i32_0 = arith.constant 0 : i32
    %c0_i32_1 = arith.constant 0 : i32
    return %c0_i32, %c0_i32_0 : i32, i32
  }
}

module attributes {stable_mosaic.version = 14 : i64} {
  func.func @_head_body(%arg0: memref<64x128xf32, #tpu.memory_space<vmem>>, %arg1: memref<64x128xf32, #tpu.memory_space<vmem>>, %arg2: memref<64x128xf32, #tpu.memory_space<vmem>>, %arg3: memref<384x10xf32, #tpu.memory_space<vmem>>, %arg4: memref<1x10xf32, #tpu.memory_space<vmem>>, %arg5: memref<384x64xf32, #tpu.memory_space<vmem>>, %arg6: memref<1x64xf32, #tpu.memory_space<vmem>>, %arg7: memref<64x1xf32, #tpu.memory_space<vmem>>, %arg8: memref<1x1xf32, #tpu.memory_space<vmem>>, %arg9: memref<64x10xf32, #tpu.memory_space<vmem>>, %arg10: memref<64x1xf32, #tpu.memory_space<vmem>>) attributes {dimension_semantics = [], scalar_prefetch = 0 : i64, scratch_operands = 0 : i64, tpu.core_type = #tpu.core_type<tc>} {
    %get3A = arith.constant 0 : index
    %get3A_0 = arith.constant 0 : index
    %get3A_1 = vector.load %arg0[%get3A, %get3A_0] : memref<64x128xf32, #tpu.memory_space<vmem>>, vector<64x128xf32>
    %get3A_2 = arith.constant 0 : index
    %get3A_3 = arith.constant 0 : index
    %get3A_4 = vector.load %arg1[%get3A_2, %get3A_3] : memref<64x128xf32, #tpu.memory_space<vmem>>, vector<64x128xf32>
    %get3A_5 = arith.constant 0 : index
    %get3A_6 = arith.constant 0 : index
    %get3A_7 = vector.load %arg2[%get3A_5, %get3A_6] : memref<64x128xf32, #tpu.memory_space<vmem>>, vector<64x128xf32>
    %concatenate3A = tpu.concatenate %get3A_1, %get3A_4, %get3A_7 in 1 : vector<64x128xf32>, vector<64x128xf32>, vector<64x128xf32> -> vector<64x384xf32>
    %get3A_8 = arith.constant 0 : index
    %get3A_9 = arith.constant 0 : index
    %get3A_10 = vector.load %arg3[%get3A_8, %get3A_9] : memref<384x10xf32, #tpu.memory_space<vmem>>, vector<384x10xf32>
    %convert_element_type3A = arith.truncf %concatenate3A : vector<64x384xf32> to vector<64x384xbf16>
    %convert_element_type3A_11 = arith.truncf %get3A_10 : vector<384x10xf32> to vector<384x10xbf16>
    %dot_general3A = arith.constant dense<0.000000e+00> : vector<64x10xf32>
    %dot_general3A_12 = tpu.matmul %convert_element_type3A, %convert_element_type3A_11, %dot_general3A {dimension_numbers = #tpu.dot_dimension_numbers<[1], [0], [0], [1], [0, 0, 1, 1], [], []>, transpose_lhs_hint = false} : vector<64x384xbf16>, vector<384x10xbf16>, vector<64x10xf32> -> vector<64x10xf32>
    %get3A_13 = arith.constant 0 : index
    %get3A_14 = arith.constant 0 : index
    %get3A_15 = vector.load %arg4[%get3A_13, %get3A_14] : memref<1x10xf32, #tpu.memory_space<vmem>>, vector<1x10xf32>
    %add3A = vector.broadcast %get3A_15 : vector<1x10xf32> to vector<64x10xf32>
    %add3A_16 = arith.addf %dot_general3A_12, %add3A : vector<64x10xf32>
    %swap3A = arith.constant 0 : index
    %swap3A_17 = arith.constant 0 : index
    %swap3A_18 = vector.load %arg9[%swap3A, %swap3A_17] : memref<64x10xf32, #tpu.memory_space<vmem>>, vector<64x10xf32>
    tpu.vector_store %arg9[%swap3A, %swap3A_17], %add3A_16 {strides = array<i32>} : memref<64x10xf32, #tpu.memory_space<vmem>>, vector<64x10xf32>,
    %get3A_19 = arith.constant 0 : index
    %get3A_20 = arith.constant 0 : index
    %get3A_21 = vector.load %arg5[%get3A_19, %get3A_20] : memref<384x64xf32, #tpu.memory_space<vmem>>, vector<384x64xf32>
    %convert_element_type3A_22 = arith.truncf %concatenate3A : vector<64x384xf32> to vector<64x384xbf16>
    %convert_element_type3A_23 = arith.truncf %get3A_21 : vector<384x64xf32> to vector<384x64xbf16>
    %dot_general3A_24 = arith.constant dense<0.000000e+00> : vector<64x64xf32>
    %dot_general3A_25 = tpu.matmul %convert_element_type3A_22, %convert_element_type3A_23, %dot_general3A_24 {dimension_numbers = #tpu.dot_dimension_numbers<[1], [0], [0], [1], [0, 0, 1, 1], [], []>, transpose_lhs_hint = false} : vector<64x384xbf16>, vector<384x64xbf16>, vector<64x64xf32> -> vector<64x64xf32>
    %get3A_26 = arith.constant 0 : index
    %get3A_27 = arith.constant 0 : index
    %get3A_28 = vector.load %arg6[%get3A_26, %get3A_27] : memref<1x64xf32, #tpu.memory_space<vmem>>, vector<1x64xf32>
    %add3A_29 = vector.broadcast %get3A_28 : vector<1x64xf32> to vector<64x64xf32>
    %add3A_30 = arith.addf %dot_general3A_25, %add3A_29 : vector<64x64xf32>
    %max3A = arith.constant 0.000000e+00 : f32
    %max3A_31 = vector.broadcast %max3A : f32 to vector<64x64xf32>
    %max3A_32 = arith.maximumf %add3A_30, %max3A_31 : vector<64x64xf32>
    %get3A_33 = arith.constant 0 : index
    %get3A_34 = arith.constant 0 : index
    %get3A_35 = vector.load %arg7[%get3A_33, %get3A_34] : memref<64x1xf32, #tpu.memory_space<vmem>>, vector<64x1xf32>
    %convert_element_type3A_36 = arith.truncf %max3A_32 : vector<64x64xf32> to vector<64x64xbf16>
    %convert_element_type3A_37 = arith.truncf %get3A_35 : vector<64x1xf32> to vector<64x1xbf16>
    %dot_general3A_38 = arith.constant dense<0.000000e+00> : vector<64x1xf32>
    %dot_general3A_39 = tpu.matmul %convert_element_type3A_36, %convert_element_type3A_37, %dot_general3A_38 {dimension_numbers = #tpu.dot_dimension_numbers<[1], [0], [0], [1], [0, 0, 1, 1], [], []>, transpose_lhs_hint = false} : vector<64x64xbf16>, vector<64x1xbf16>, vector<64x1xf32> -> vector<64x1xf32>
    %get3A_40 = arith.constant 0 : index
    %get3A_41 = arith.constant 0 : index
    %get3A_42 = vector.load %arg8[%get3A_40, %get3A_41] : memref<1x1xf32, #tpu.memory_space<vmem>>, vector<1x1xf32>
    %add3A_43 = vector.broadcast %get3A_42 : vector<1x1xf32> to vector<64x1xf32>
    %add3A_44 = arith.addf %dot_general3A_39, %add3A_43 : vector<64x1xf32>
    %neg3A = arith.constant 0.000000e+00 : f32
    %neg3A_45 = vector.broadcast %neg3A : f32 to vector<64x1xf32>
    %neg3A_46 = arith.subf %neg3A_45, %add3A_44 : vector<64x1xf32>
    %exp3A = math.exp %neg3A_46 : vector<64x1xf32>
    %add3A_47 = arith.constant 1.000000e+00 : f32
    %add3A_48 = vector.broadcast %add3A_47 : f32 to vector<64x1xf32>
    %add3A_49 = arith.addf %add3A_48, %exp3A : vector<64x1xf32>
    %div3A = arith.constant 1.000000e+00 : f32
    %div3A_50 = vector.broadcast %div3A : f32 to vector<64x1xf32>
    %div3A_51 = arith.divf %div3A_50, %add3A_49 : vector<64x1xf32>
    %swap3A_52 = arith.constant 0 : index
    %swap3A_53 = arith.constant 0 : index
    %swap3A_54 = vector.load %arg10[%swap3A_52, %swap3A_53] : memref<64x1xf32, #tpu.memory_space<vmem>>, vector<64x1xf32>
    tpu.vector_store %arg10[%swap3A_52, %swap3A_53], %div3A_51 {strides = array<i32>} : memref<64x1xf32, #tpu.memory_space<vmem>>, vector<64x1xf32>,
    return
  }
}

</mosaic_0001>

<sc_bundles>
// kernel: kernel.12.cloned.1.call-start
scs
__scs_entry_jumppad:
0x0: {  	(pc) =	sbr.rel $0x88, $3  }
0x1: {  	(tag) =	ssettag $0x0;
	lr =	simm.s32 $0x1  }
0x2: {  	[smem:$0x3F86] =	sst lr;
	_ =	strace $0xD0000000  }
0x3: {  	_ = 	snop  }
0x4: {  	_ = 	snop  }
0x5: {  	_ = 	snop  }
0x6: {  	_ = 	snop  }
0x7: {  	_ = 	snop  }
__scs_overlays_trampoline_lowered:
0x8: {  	[smem:$0x3F95] =	sst s0  }
0x9: {  	[smem:$0x3F96] =	sst s1  }
0xa: {  	[smem:$0x3F97] =	sst s2  }
0xb: {  	[smem:$0x3F98] =	sst s3  }
0xc: {  	[smem:$0x3F99] =	sst s4  }
0xd: {  	[smem:$0x3F9A] =	sst s5  }
0xe: {  	[smem:$0x3F9B] =	sst s6  }
0xf: {  	[smem:$0x3F9C] =	sst s7  }
0x10: {  	[smem:$0x3F9D] =	sst s8  }
0x11: {  	[smem:$0x3F9E] =	sst s9;
	s0 =	simm.s32 @!p0 $0x0  }
0x12: {  	s1 =	sld [smem:$0x3F84];
	s0 =	simm.s32 @p0 $0x1  }
0x13: {  	[smem:$0x3F9F] =	sst s0;
	s0 =	simm.s32 @!p1 $0x0  }
0x14: {  	s2 =	sld [smem:$0x3F83];
	s0 =	simm.s32 @p1 $0x1  }
0x15: {  	[smem:$0x3FA0] =	sst s0;
	s0 =	simm.s32 @!p2 $0x0  }
0x16: {  	s3 =	sld [smem:$0x3FDB];
	s0 =	simm.s32 @p2 $0x1  }
0x17: {  	s4 =	simm.s32 $0x1BF5;
	[smem:$0x3FA2] =	sst s0  }
0x18: {  	s0 =	sld [smem:$0x3F85];
	_ =	swait.ge [sflag:s4], $0x0  }
0x19: {  	s7 =	sld [smem:$0x3F86]  }
0x1a: {  	s8 =	sadd.s32 $0xFFFFE003, lr  }
0x1b: {  	s9 =	sadd.s32 $0xFFFFFEF7, lr;
	s5 =	simm.s32 $0xFFFFFFFF;
	p2 =	slt.u32 s8, $0xFFFFF086  }
0x1c: {  	p1 =	slt.u32 s9, $0xF7A;
	s5 =	simm.s32 @!p2 $0x0  }
0x1d: {  	s5 =	simm.s32 @p1 $0x1;
	p0 =	seq.s32 s7, s2  }
0x1e: {  	s7 =	smul.u32 @!p0 $0xF7A, s2;
	p2 =	seq.s32 @!p0 s5, $0x0  }
0x1f: {  	s9 =	smul.u32 $0xF7A, s1;
	s8 =	simm.s32 @!p0 $0x1BF5;
	p2 =	por !p2, p0  }
0x20: {  	[sflag:s8] =	ssyncset.s32 @!p0 $0xFFFFF086;
	s6 =	sadd.s32 @!p0 s3, s7;
	s7 =	simm.s32 @!p0 $0x108  }
0x21: {  	s3 =	sadd.s32 s3, s9;
	s6 =	sadd.s32 @!p0 $0x88, s6;
	s7 =	simm.s32 @p2 $0x1082  }
0x22: {  	[simem:s7], [sflag:s8] =	dma.local @!p0 [hbm:s6], $0xF7A  }
0x23: {  	s9 =	sor.u32 $0xD0000000, s2;
	s6 =	simm.s32 $0x108;
	_ =	swait.ge @!p0 [sflag:s8], $0x0  }
0x24: {  	s3 =	sadd.s32 $0x88, s3;
	s6 =	simm.s32 @!p1 $0x1082;
	[sflag:s4] =	ssyncset.s32 $0xFFFFF086  }
0x25: {  	[simem:s6], [sflag:s4] =	dma.local [hbm:s3], $0xF7A  }
0x26: {  	[smem:$0x3F86] =	sst s1;
	(tag) =	ssettag s2;
	_ =	strace s9  }
0x27: {  	s1 =	sld [smem:$0x3F96]  }
0x28: {  	s2 =	sld [smem:$0x3F97]  }
0x29: {  	s4 =	sld [smem:$0x3F99]  }
0x2a: {  	p0 =	seq.s32 s5, $0x0;
	s5 =	sld [smem:$0x3F9A]  }
0x2b: {  	s6 =	sld [smem:$0x3F9B]  }
0x2c: {  	s7 =	sld [smem:$0x3F9C]  }
0x2d: {  	s3 =	simm.s32 $0x108;
	s8 =	sld [smem:$0x3F9D]  }
0x2e: {  	s3 =	simm.s32 @!p0 $0x1082;
	s9 =	sld [smem:$0x3F9E]  }
0x2f: {  	lr =	sadd.s32 s0, s3;
	s0 =	sld [smem:$0x3F95]  }
0x30: {  	s3 =	sld [smem:$0x3F98]  }
0x31: {  	[smem:$0x3FA1] =	sst s10  }
0x32: {  	s10 =	sld [smem:$0x3F9F];
	_ =	sdelay $0x3  }
0x33: {  	p0 =	seq.s32 s10, $0x1;
	s10 =	sld [smem:$0x3FA1];
	_ =	sdelay $0x3  }
0x34: {  	[smem:$0x3FA1] =	sst s10  }
0x35: {  	s10 =	sld [smem:$0x3FA0];
	_ =	sdelay $0x3  }
0x36: {  	p1 =	seq.s32 s10, $0x1;
	s10 =	sld [smem:$0x3FA1];
	_ =	sdelay $0x3  }
0x37: {  	[smem:$0x3FA1] =	sst s10  }
0x38: {  	s10 =	sld [smem:$0x3FA2]  }
0x39: {  	_ = 	snop;
	(pc) =	sbr.ind lr, $3  }
0x3a: {  	_ = 	snop  }
0x3b: {  	_ = 	snop  }
0x3c: {  	p2 =	seq.s32 s10, $0x1;
	s10 =	sld [smem:$0x3FA1]  }
0x3d: {  	_ =	shalt  }
0x3e: {  	_ =	shalt  }
0x3f: {  	_ =	shalt  }
0x40: {  	_ =	shalt  }
0x41: {  	_ =	shalt  }
0x42: {  	_ =	shalt  }
0x43: {  	_ =	shalt  }
0x44: {  	_ =	shalt  }
0x45: {  	_ =	shalt  }
0x46: {  	_ =	shalt  }
0x47: {  	_ =	shalt  }
0x48: {  	_ =	shalt  }
0x49: {  	_ =	shalt  }
0x4a: {  	_ =	shalt  }
0x4b: {  	_ =	shalt  }
0x4c: {  	_ =	shalt  }
0x4d: {  	_ =	shalt  }
0x4e: {  	_ =	shalt  }
0x4f: {  	_ =	shalt  }
0x50: {  	_ =	shalt  }
0x51: {  	_ =	shalt  }
0x52: {  	_ =	shalt  }
0x53: {  	_ =	shalt  }
0x54: {  	_ =	shalt  }
0x55: {  	_ =	shalt  }
0x56: {  	_ =	shalt  }
0x57: {  	_ =	shalt  }
0x58: {  	_ =	shalt  }
0x59: {  	_ =	shalt  }
0x5a: {  	_ =	shalt  }
0x5b: {  	_ =	shalt  }
0x5c: {  	_ =	shalt  }
0x5d: {  	_ =	shalt  }
0x5e: {  	_ =	shalt  }
0x5f: {  	_ =	shalt  }
0x60: {  	_ =	shalt  }
0x61: {  	_ =	shalt  }
0x62: {  	_ =	shalt  }
0x63: {  	_ =	shalt  }
0x64: {  	_ =	shalt  }
0x65: {  	_ =	shalt  }
0x66: {  	_ =	shalt  }
0x67: {  	_ =	shalt  }
0x68: {  	_ =	shalt  }
0x69: {  	_ =	shalt  }
0x6a: {  	_ =	shalt  }
0x6b: {  	_ =	shalt  }
0x6c: {  	_ =	shalt  }
0x6d: {  	_ =	shalt  }
0x6e: {  	_ =	shalt  }
0x6f: {  	_ =	shalt  }
0x70: {  	_ =	shalt  }
0x71: {  	_ =	shalt  }
0x72: {  	_ =	shalt  }
0x73: {  	_ =	shalt  }
0x74: {  	_ =	shalt  }
0x75: {  	_ =	shalt  }
0x76: {  	_ =	shalt  }
0x77: {  	_ =	shalt  }
0x78: {  	_ =	shalt  }
0x79: {  	_ =	shalt  }
0x7a: {  	_ =	shalt  }
0x7b: {  	_ =	shalt  }
0x7c: {  	_ =	shalt  }
0x7d: {  	_ =	shalt  }
0x7e: {  	_ =	shalt  }
0x7f: {  	_ =	shalt  }
0x80: {  	_ =	shalt  }
0x81: {  	_ =	shalt  }
0x82: {  	_ =	shalt  }
0x83: {  	_ =	shalt  }
0x84: {  	_ =	shalt  }
0x85: {  	_ =	shalt  }
0x86: {  	_ =	shalt  }
0x87: {  	_ =	shalt  }
.Lfunc_end0:
.L_simem_size_0:
called_computation.1_lowered:
.L_overlay_start_0:
0x88: {  	s2 =	sld [smem:$0x3FD9]  }
0x89: {  	s3 =	sld [smem:$0x3FFE];
	_ =	sdelay $0x1  }
0x8a: {  	s1 =	srdreg.scid  }
0x8b: {  	s0 =	sand.u32 $0x1, s1  }
0x8c: {  	s16 =	sshll.u32 s0, $0xA;
	s2 =	sadd.s32 s3, s2  }
0x8d: {  	s2 =	sadd.s32 s2, s16  }
0x8e: {  	[smem:$0x3FAD] =	sst s2  }
0x8f: {  	_ = 	snop  }
0x90: {  	(tm) =	ssettm $0x1  }
0x91: {  	s17 =	sld [smem:$0x3FFB];
	_ =	sdelay $0x3  }
0x92: {  	_ =	strace s17  }
0x93: {  	s2 =	sld [smem:$0x3FFC];
	_ =	sdelay $0x3  }
0x94: {  	_ =	strace s2  }
0x95: {  	s2 =	sld [smem:$0x3FFD];
	_ =	sdelay $0x3  }
0x96: {  	_ =	strace s2  }
0x97: {  	_ =	strace $0x8FFFFFFF  }
0x98: {  	s18 =	sld [smem:$0x3FDB];
	_ =	sdelay $0x1  }
0x99: {  	s19 =	simm.s32 $_scs_section_size  }
0x9a: {  	s4 =	simm.s32 $_size__tile_overlayer_lowered;
	s5 =	simm.s32 $_tile_overlayer_lowered  }
0x9b: {  	s22 =	simm.s32 $0x1BFF;
	s21 =	sshll.u32 s5, $0x1;
	s2 =	sadd.s32 s19, s18  }
0x9c: {  	s6 =	simm.s32 $0x0;
	s20 =	sshll.u32 s4, $0x1;
	s4 =	sadd.s32 s21, s2  }
0x9d: {  	[timem:s6], [sflag:s22] =	dma.local [hbm:s4], s20  }
0x9e: {  	_ =	swait.ge [sflag:s22], s20  }
0x9f: {  	s3 =	ssub.s32 $0x0, s20;
	[sflag:s22] =	ssyncset.done $0x0  }
0xa0: {  	[sflag:s22] =	ssyncadd.s32 s3;
	_ =	sdelay $0x1  }
0xa1: {  	s23 =	simm.s32 $0x1B8B  }
0xa2: {  	_ =	swait.ge [sflag:s23], $0x1  }
0xa3: {  	[sflag:s23] =	ssyncset.done $0x0  }
0xa4: {  	s25 =	simm.s32 $0x1B8E;
	s24 =	sld [smem:$0x3FFE];
	[sflag:s23] =	ssyncadd.s32 $0xFFFFFFFF  }
0xa5: {  	s26 =	simm.s32 $execute0_lowered;
	[smem:$0x3FD2] =	sst s25  }
0xa6: {  	s4 =	sshll.u32 s26, $0x1;
	_ =	strace $0x80000049;
	[dreg:$0x1] =	wrdreg $0xFFFFFFFF  }
0xa7: {  	s28 =	simm.s32 $_size_execute0_lowered;
	s2 =	sadd.s32 s2, s4;
	[dreg:$0x0] =	wrdreg $0x0  }
0xa8: {  	s4 =	sshll.u32 s28, $0x1;
	[dreg:$0x2] =	wrdreg s2  }
0xa9: {  	[dreg:$0x3] =	wrdreg s4  }
0xaa: {  	[dreg:$0x4] =	wrdreg $0xC0  }
0xab: {  	_ =	task [dreg:s6], $0x5FFFF  }
0xac: {  	[dreg:$0x1] =	wrdreg $0xFFFFFFFF  }
0xad: {  	[dreg:$0x0] =	wrdreg $0x60  }
0xae: {  	[dreg:$0x2] =	wrdreg s24  }
0xaf: {  	[dreg:$0x3] =	wrdreg $0xC0000  }
0xb0: {  	[dreg:$0x4] =	wrdreg $0x9  }
0xb1: {  	_ =	task.clear_ibuf [dreg:s6], $0x5FFFF;
	_ =	strace $0x90000049  }
0xb2: {  	s29 =	simm.s32 $0x9;
	_ =	strace $0x8000004B  }
0xb3: {  	_ =	swait.ge [sflag:s29], $0x1  }
0xb4: {  	[sflag:s29] =	ssyncadd.s32 $0xFFFFFFFF  }
0xb5: {  	_ =	strace $0x9000004B  }
0xb6: {  	_ =	sfence  }
0xb7: {  	s30 =	sld [smem:$0x0];
	_ =	sdelay $0x2  }
0xb8: {  	s31 =	sshll.u32 s1, $0xD;
	s1 =	sshrl.u32 s1, $0x2  }
0xb9: {  	s3 =	sand.u32 $0x4000, s31;
	s1 =	sadd.s32 s1, s30  }
0xba: {  	s0 =	sor.u32 s3, s0;
	s1 =	sshll.u32 s1, $0x11  }
0xbb: {  	s0 =	sor.u32 s1, s0  }
0xbc: {  	s0 =	sadd.s32 $0x8F2B, s0  }
0xbd: {  	[sflag:s0] =	ssyncadd.remote.s32 $0x1  }
0xbe: {  	_ =	sfence.sel $0xFFFF  }
0xbf: {  	[dreg:$0x0] =	wrdreg $0xFFFFFFFF;
	(pc) =	sbr.abs _section_cstart, $3  }
0xc0: {  	[dreg:$0x1] =	wrdreg $0xFFFFFFFF  }
0xc1: {  	_ =	task.clear_ibuf [dreg:s6], $0x2FFFF;
	_ =	strace $0x9FFFFFFF  }
0xc2: {  	(tm) =	ssettm $0x7FFFFFFF  }
0xc3: {  	_ =	shalt  }
tec
execute0_lowered:
.L_overlay_start_1:
0x0: {  	(tag) =	ssettag $0x1  }
0x1: {  	s6 =	rddreg [dreg:$0x0];
	s26 =	stileid.u32  }
0x2: {  	s0 =	srdreg.scid;
	s8 =	smul.u32 $0xA000, s26  }
0x3: {  	s2 =	rddreg [dreg:$0x1];
	s1 =	sshrl.u32 s26, $0x2;
	s11 =	smul.u32 $0x2800, s26  }
0x4: {  	s3 =	simm.s32 $0x0;
	s5 =	sand.u32 $0x1, s0;
	s1 =	smul.u32 $0x14000, s1  }
0x5: {  	s31 =	simm.s32 $0x60;
	s10 =	sor.u32 $0x10, s26;
	s9 =	smul.u32 $0x138800, s5  }
0x6: {  	s28 =	simm.s32 $0x1;
	s13 =	sor.u32 $0x30, s26;
	s12 =	smul.u32 $0x2800, s10  }
0x7: {  	s29 =	simm.s32 $0x2;
	s16 =	sor.u32 $0x40, s26;
	s17 =	smul.u32 $0x2800, s13  }
0x8: {  	s30 =	simm.s32 $0x0;
	s18 =	sor.u32 $0x50, s26;
	s23 =	smul.u32 $0x2800, s16  }
0x9: {  	s21 =	sshll.u32 s26, $0x1;
	s19 =	sor.u32 $0x60, s26;
	s24 =	smul.u32 $0x2800, s18  }
0xa: {  	[smem:$0x7FF] =	sst s3;
	s0 =	sor.u32 s5, s21;
	s21 =	smul.u32 $0x2800, s19  }
0xb: {  	s20 =	sor.u32 $0x70, s26;
	p0 =	sgt.u32 s26, $0xC;
	s10 =	smul.u32 $0xA000, s10  }
0xc: {  	_ =	strace $0x8000004A;
	s5 =	ssub.s32 $0x2, s5;
	s13 =	smul.u32 $0xA000, s13  }
0xd: {  	s4 =	sshll.u32 s0, $0x7;
	s7 =	smul.u32 $0x700, s0;
	s15 =	sshrl.u32 s5, $0x1  }
0xe: {  	s8 =	sshrl.u32 s8, $0x2;
	s4 =	sand.u32 $0x380, s4;
	s25 =	ssub.s32 s5, s15  }
0xf: {  	s11 =	sadd.s32 s11, s9;
	s12 =	sadd.s32 s9, s12;
	s17 =	sadd.s32 s9, s17  }
0x10: {  	s23 =	sadd.s32 s9, s23;
	s15 =	sadd.s32 s9, s24;
	s21 =	sadd.s32 s9, s21  }
0x11: {  	s5 =	sadd.s32 $0x1DE00, s6;
	s8 =	sadd.s32 s8, s2;
	s22 =	sor.u32 s1, s4  }
0x12: {  	s1 =	sadd.s32 s7, s6;
	s7 =	sor.u32 $0x20, s26;
	s24 =	sshrl.u32 s17, $0x3  }
0x13: {  	s17 =	sshrl.u32 s23, $0x3;
	s23 =	sshrl.u32 s21, $0x3;
	s21 =	smul.u32 $0xA000, s20  }
0x14: {  	s4 =	sadd.s32 $0x1E400, s6;
	s11 =	sshrl.u32 s11, $0x3;
	s14 =	smul.u32 $0x2800, s7  }
0x15: {  	s12 =	sshrl.u32 s12, $0x3;
	s0 =	sshrl.u32 s22, $0x3;
	s22 =	smul.u32 $0x2800, s20  }
0x16: {  	[dreg:$0xb] =	wrdreg s8;
	s25 =	smax.u32 s25, $0x1;
	s7 =	smul.u32 $0xA000, s7  }
0x17: {  	s0 =	sadd.s32 s0, s6;
	s6 =	sadd.s32 $0x45600, s6;
	s14 =	sadd.s32 s9, s14  }
0x18: {  	s9 =	sadd.s32 s9, s22;
	s11 =	sadd.s32 s6, s11;
	s7 =	sshrl.u32 s7, $0x2  }
0x19: {  	[dreg:$0x3] =	wrdreg s11;
	s11 =	sadd.s32 s6, s12;
	s22 =	sshrl.u32 s14, $0x3  }
0x1a: {  	s14 =	sadd.s32 s6, s24;
	s24 =	sadd.s32 s6, s23;
	s9 =	sshrl.u32 s9, $0x3  }
0x1b: {  	s12 =	sshll.u32 s26, $0x6;
	s7 =	sadd.s32 s7, s2;
	[dreg:$0x4] =	wrdreg s11  }
0x1c: {  	s26 =	simm.s32 $0x3;
	s11 =	sadd.s32 s6, s22;
	[dreg:$0x6] =	wrdreg s14  }
0x1d: {  	s22 =	sshrl.u32 s15, $0x3;
	[dreg:$0x9] =	wrdreg s24;
	s15 =	sor.u32 $0x1C03, s12  }
0x1e: {  	s14 =	smul.u32 $0xA000, s16;
	s16 =	sshrl.u32 s10, $0x2;
	[dreg:$0xd] =	wrdreg s7  }
0x1f: {  	s24 =	sshrl.u32 s21, $0x2;
	[dreg:$0x5] =	wrdreg s11;
	s11 =	sadd.s32 s6, s17  }
0x20: {  	s17 =	smul.u32 $0xA000, s18;
	s8 =	sadd.s32 s16, s2;
	[dreg:$0x7] =	wrdreg s11  }
0x21: {  	s18 =	smul.u32 $0xA000, s19;
	s11 =	sadd.s32 s6, s22;
	[dreg:$0xc] =	wrdreg s8  }
0x22: {  	s19 =	sshrl.u32 s13, $0x2;
	s6 =	sadd.s32 s6, s9;
	[dreg:$0x8] =	wrdreg s11  }
0x23: {  	s8 =	sadd.s32 s19, s2;
	[dreg:$0xa] =	wrdreg s6;
	s6 =	sshrl.u32 s14, $0x2  }
0x24: {  	[dreg:$0xe] =	wrdreg s8;
	s22 =	sshrl.u32 s17, $0x2;
	s23 =	sshrl.u32 s18, $0x2  }
0x25: {  	s6 =	sadd.s32 s6, s2;
	s20 =	sadd.s32 s22, s2;
	s21 =	sadd.s32 s23, s2  }
0x26: {  	s22 =	sadd.s32 s24, s2;
	s23 =	sadd.s32 $0x13E00, s0;
	s24 =	sadd.s32 $0x5E00, s1  }
0x27: {  	s1 =	simm.s32 $0x6000;
	s0 =	simm.s32 $0x9000;
	[dreg:$0xf] =	wrdreg s6  }
.LBB2_1:
0x28: {  	s6 =	rddreg [dreg:$0xb]  }
0x29: {  	s6 =	sshrl.u32 s6, $0x3  }
0x2a: {  	[spmem:s6], [sflag:s15] =	dma.local [hbm:s5], $0x500  }
0x2b: {  	_ =	swait.ge [sflag:s26], $0x500  }
0x2c: {  	[sflag:s26] =	ssyncset.done $0x0;
	s7 =	rddreg [dreg:$0xc]  }
0x2d: {  	[sflag:s26] =	ssyncadd.s32 $0xFFFFFB00;
	s7 =	sshrl.u32 s7, $0x3  }
0x2e: {  	[spmem:s7], [sflag:s15] =	dma.local [hbm:s5], $0x500  }
0x2f: {  	_ =	swait.ge [sflag:s26], $0x500  }
0x30: {  	[sflag:s26] =	ssyncset.done $0x0;
	s8 =	rddreg [dreg:$0xd]  }
0x31: {  	[sflag:s26] =	ssyncadd.s32 $0xFFFFFB00;
	s8 =	sshrl.u32 s8, $0x3  }
0x32: {  	[spmem:s8], [sflag:s15] =	dma.local [hbm:s5], $0x500  }
0x33: {  	_ =	swait.ge [sflag:s26], $0x500  }
0x34: {  	[sflag:s26] =	ssyncset.done $0x0;
	s9 =	rddreg [dreg:$0xe]  }
0x35: {  	[sflag:s26] =	ssyncadd.s32 $0xFFFFFB00;
	s9 =	sshrl.u32 s9, $0x3  }
0x36: {  	[spmem:s9], [sflag:s15] =	dma.local [hbm:s5], $0x500  }
0x37: {  	_ =	swait.ge [sflag:s26], $0x500  }
0x38: {  	[sflag:s26] =	ssyncset.done $0x0;
	s10 =	rddreg [dreg:$0xf]  }
0x39: {  	[sflag:s26] =	ssyncadd.s32 $0xFFFFFB00;
	s10 =	sshrl.u32 s10, $0x3  }
0x3a: {  	[spmem:s10], [sflag:s15] =	dma.local [hbm:s5], $0x500  }
0x3b: {  	_ =	swait.ge [sflag:s26], $0x500  }
0x3c: {  	[sflag:s26] =	ssyncset.done $0x0  }
0x3d: {  	s11 =	sshrl.u32 s20, $0x3;
	[sflag:s26] =	ssyncadd.s32 $0xFFFFFB00  }
0x3e: {  	[spmem:s11], [sflag:s15] =	dma.local [hbm:s5], $0x500  }
0x3f: {  	_ =	swait.ge [sflag:s26], $0x500  }
0x40: {  	[sflag:s26] =	ssyncset.done $0x0  }
0x41: {  	s12 =	sshrl.u32 s21, $0x3;
	[sflag:s26] =	ssyncadd.s32 $0xFFFFFB00  }
0x42: {  	[spmem:s12], [sflag:s15] =	dma.local [hbm:s5], $0x500  }
0x43: {  	_ =	swait.ge [sflag:s26], $0x500  }
0x44: {  	[sflag:s26] =	ssyncset.done $0x0  }
0x45: {  	s13 =	sshrl.u32 @!p0 s22, $0x3;
	s14 =	simm.s32 @!p0 $0x3;
	[sflag:s26] =	ssyncadd.s32 $0xFFFFFB00  }
0x46: {  	[spmem:s13], [sflag:s15] =	dma.local @!p0 [hbm:s5], $0x500  }
0x47: {  	_ =	swait.ge @!p0 [sflag:s14], $0x500  }
0x48: {  	[sflag:s14] =	ssyncset.done @!p0 $0x0  }
0x49: {  	s19 =	simm.s32 $0x80;
	s16 =	simm.s32 $0x400;
	[sflag:s14] =	ssyncadd.s32 @!p0 $0xFFFFFB00  }
0x4a: {  	[tilespmem:s3], [sflag:$0x3] =	stream.strided.gather [hbm4b:s23+s19], $0x2800, s16, s19, $0x38;
	[tilespmem:$0x1F8C0] =	vst v63  }
0x4b: {  	_ =	swait.ge [sflag:s26], $0x2800  }
0x4c: {  	[sflag:s26] =	ssyncset.done $0x0  }
0x4d: {  	s16 =	simm.s32 $0x2800;
	[sflag:s26] =	ssyncadd.s32 $0xFFFFD800  }
0x4e: {  	[tilespmem:s16], [sflag:$0x3] =	stream.linear.gather [hbm4b:s24+s3], $0x3500, $0x38;
	[tilespmem:$0x1F8C0] =	vst v63  }
0x4f: {  	_ =	swait.ge [sflag:s26], $0x3500  }
0x50: {  	[sflag:s26] =	ssyncset.done $0x0  }
0x51: {  	[sflag:s26] =	ssyncadd.s32 $0xFFFFCB00  }
0x52: {  	[bflag:$0x0] =	sbarrier.arrive $0xFFFF  }
0x53: {  	[tilespmem:s1], [sflag:$0x1] =	stream.indirect.gather [hbm4b:s4+s31], $0x80, s3, s31, $0xb8;
	[tilespmem:$0x1F8C0] =	vst v63  }
0x54: {  	_ = 	snop  }
0x55: {  	[tilespmem:s0], [sflag:$0x2] =	stream.indirect.gather [hbm4b:s4+s31], $0x80, s31, s31, $0xb8;
	[tilespmem:$0x1F8C0] =	vst v63  }
0x56: {  	_ =	swait.ge [sflag:s28], $0x3000  }
0x57: {  	[sflag:s28] =	ssyncset.done $0x0  }
0x58: {  	s17 =	simm.s32 $0x2800;
	[sflag:s28] =	ssyncadd.s32 $0xFFFFD000  }
0x59: {  	[spmem:s2] =	stream.indirect.scatter.add.f32 [tilespmem:s1], [sflag:$0x3], $0x80, s17, s31, $0xb8;
	[tilespmem:$0x1F8C0] =	vst v63  }
0x5a: {  	_ =	swait.ge [sflag:s26], $0x3000  }
0x5b: {  	[sflag:s26] =	ssyncset.done $0x0  }
0x5c: {  	s18 =	simm.s32 $0xC0;
	[sflag:s26] =	ssyncadd.s32 $0xFFFFD000  }
0x5d: {  	[tilespmem:s1], [sflag:$0x1] =	stream.indirect.gather [hbm4b:s4+s31], $0x80, s18, s31, $0xb8;
	[tilespmem:$0x1F8C0] =	vst v63  }
0x5e: {  	_ =	swait.ge [sflag:s29], $0x3000  }
0x5f: {  	[sflag:s29] =	ssyncset.done $0x0  }
0x60: {  	s19 =	simm.s32 $0x2880;
	[sflag:s29] =	ssyncadd.s32 $0xFFFFD000  }
0x61: {  	[spmem:s2] =	stream.indirect.scatter.add.f32 [tilespmem:s0], [sflag:$0x3], $0x80, s19, s31, $0xb8;
	[tilespmem:$0x1F8C0] =	vst v63  }
0x62: {  	_ =	swait.ge [sflag:s26], $0x3000  }
0x63: {  	s14 =	simm.s32 $0x120;
	[sflag:s26] =	ssyncset.done $0x0  }
0x64: {  	s16 =	simm.s32 $0x400;
	s17 =	simm.s32 $0x1E0;
	[sflag:s26] =	ssyncadd.s32 $0xFFFFD000  }
.LBB2_2:
0x65: {  	[tilespmem:s0], [sflag:$0x2] =	stream.indirect.gather [hbm4b:s4+s31], $0x80, s14, s31, $0xb8;
	[tilespmem:$0x1F8C0] =	vst v63  }
0x66: {  	s18 =	smov.u32 s16;
	s14 =	smov.u32 s17  }
0x67: {  	p1 =	sne.s32 s16, $0xCC00;
	s16 =	sadd.s32 $0x400, s16;
	_ =	swait.ge [sflag:s28], $0x3000  }
0x68: {  	s18 =	sshra.s32 s18, $0x2;
	[sflag:s28] =	ssyncset.done $0x0  }
0x69: {  	s19 =	sadd.s32 $0x2800, s18;
	[sflag:s28] =	ssyncadd.s32 $0xFFFFD000  }
0x6a: {  	[spmem:s2] =	stream.indirect.scatter.add.f32 [tilespmem:s1], [sflag:$0x3], $0x80, s19, s31, $0xb8;
	[tilespmem:$0x1F8C0] =	vst v63  }
0x6b: {  	_ =	swait.ge [sflag:s26], $0x3000  }
0x6c: {  	[sflag:s26] =	ssyncset.done $0x0  }
0x6d: {  	s19 =	sadd.s32 $0xFFFFFFA0, s17;
	[sflag:s26] =	ssyncadd.s32 $0xFFFFD000  }
0x6e: {  	[tilespmem:s1], [sflag:$0x1] =	stream.indirect.gather [hbm4b:s4+s31], $0x80, s19, s31, $0xb8;
	[tilespmem:$0x1F8C0] =	vst v63  }
0x6f: {  	_ =	swait.ge [sflag:s29], $0x3000  }
0x70: {  	[sflag:s29] =	ssyncset.done $0x0  }
.Ltmp0:
0x71: {  	s18 =	sadd.s32 $0x2880, s18;
	[sflag:s29] =	ssyncadd.s32 $0xFFFFD000;
	(pc) =	sbr.rel @p1 .LBB2_2-.Ltmp0, $4  }
0x72: {  	[spmem:s2] =	stream.indirect.scatter.add.f32 [tilespmem:s0], [sflag:$0x3], $0x80, s18, s31, $0xb8;
	[tilespmem:$0x1F8C0] =	vst v63  }
0x73: {  	_ =	swait.ge [sflag:s26], $0x3000  }
0x74: {  	[sflag:s26] =	ssyncset.done $0x0  }
0x75: {  	s17 =	sadd.s32 $0xC0, s17;
	[sflag:s26] =	ssyncadd.s32 $0xFFFFD000  }
0x76: {  	[tilespmem:s0], [sflag:$0x2] =	stream.indirect.gather [hbm4b:s4+s31], $0x80, s14, s31, $0xb8;
	[tilespmem:$0x1F8C0] =	vst v63  }
0x77: {  	_ =	swait.ge [sflag:s28], $0x3000  }
0x78: {  	[sflag:s28] =	ssyncset.done $0x0  }
0x79: {  	s16 =	simm.s32 $0x5C00;
	[sflag:s28] =	ssyncadd.s32 $0xFFFFD000  }
0x7a: {  	[spmem:s2] =	stream.indirect.scatter.add.f32 [tilespmem:s1], [sflag:$0x3], $0x80, s16, s31, $0xb8;
	[tilespmem:$0x1F8C0] =	vst v63  }
0x7b: {  	_ =	swait.ge [sflag:s26], $0x3000  }
0x7c: {  	[sflag:s26] =	ssyncset.done $0x0  }
0x7d: {  	[sflag:s26] =	ssyncadd.s32 $0xFFFFD000  }
0x7e: {  	_ =	swait.ge [sflag:s29], $0x3000  }
0x7f: {  	[sflag:s29] =	ssyncset.done $0x0  }
0x80: {  	s17 =	simm.s32 $0x5C80;
	[sflag:s29] =	ssyncadd.s32 $0xFFFFD000  }
0x81: {  	[spmem:s2] =	stream.indirect.scatter.add.f32 [tilespmem:s0], [sflag:$0x3], $0x80, s17, s31, $0xb8;
	[tilespmem:$0x1F8C0] =	vst v63  }
0x82: {  	_ =	swait.ge [sflag:s26], $0x3000  }
0x83: {  	[sflag:s26] =	ssyncset.done $0x0  }
0x84: {  	[sflag:s26] =	ssyncadd.s32 $0xFFFFD000  }
0x85: {  	[bflag:$0x0] =	sbarrier.arrive $0xFFFF  }
0x86: {  	s18 =	rddreg [dreg:$0x3]  }
0x87: {  	[hbm:s18], [sflag:s15] =	dma.local [spmem:s6], $0x500  }
0x88: {  	_ =	swait.ge [sflag:s26], $0x500  }
0x89: {  	[sflag:s26] =	ssyncset.done $0x0  }
0x8a: {  	s19 =	rddreg [dreg:$0x4];
	[sflag:s26] =	ssyncadd.s32 $0xFFFFFB00  }
0x8b: {  	[hbm:s19], [sflag:s15] =	dma.local [spmem:s7], $0x500  }
0x8c: {  	_ =	swait.ge [sflag:s26], $0x500  }
0x8d: {  	[sflag:s26] =	ssyncset.done $0x0  }
0x8e: {  	s14 =	rddreg [dreg:$0x5];
	[sflag:s26] =	ssyncadd.s32 $0xFFFFFB00  }
0x8f: {  	[hbm:s14], [sflag:s15] =	dma.local [spmem:s8], $0x500  }
0x90: {  	_ =	swait.ge [sflag:s26], $0x500  }
0x91: {  	[sflag:s26] =	ssyncset.done $0x0  }
0x92: {  	s16 =	rddreg [dreg:$0x6];
	[sflag:s26] =	ssyncadd.s32 $0xFFFFFB00  }
0x93: {  	[hbm:s16], [sflag:s15] =	dma.local [spmem:s9], $0x500  }
0x94: {  	_ =	swait.ge [sflag:s26], $0x500  }
0x95: {  	[sflag:s26] =	ssyncset.done $0x0  }
0x96: {  	s17 =	rddreg [dreg:$0x7];
	[sflag:s26] =	ssyncadd.s32 $0xFFFFFB00  }
0x97: {  	[hbm:s17], [sflag:s15] =	dma.local [spmem:s10], $0x500  }
0x98: {  	_ =	swait.ge [sflag:s26], $0x500  }
0x99: {  	[sflag:s26] =	ssyncset.done $0x0  }
0x9a: {  	s18 =	rddreg [dreg:$0x8];
	[sflag:s26] =	ssyncadd.s32 $0xFFFFFB00  }
0x9b: {  	[hbm:s18], [sflag:s15] =	dma.local [spmem:s11], $0x500  }
0x9c: {  	_ =	swait.ge [sflag:s26], $0x500  }
0x9d: {  	[sflag:s26] =	ssyncset.done $0x0  }
0x9e: {  	s19 =	rddreg [dreg:$0x9];
	[sflag:s26] =	ssyncadd.s32 $0xFFFFFB00  }
0x9f: {  	[hbm:s19], [sflag:s15] =	dma.local [spmem:s12], $0x500  }
0xa0: {  	_ =	swait.ge [sflag:s26], $0x500  }
0xa1: {  	s30 =	sadd.s32 $0x1, s30;
	[sflag:s26] =	ssyncset.done $0x0  }
0xa2: {  	p1 =	sne.s32 s30, s25;
	s6 =	rddreg [dreg:$0xa];
	[sflag:s26] =	ssyncadd.s32 $0xFFFFFB00  }
0xa3: {  	[hbm:s6], [sflag:s15] =	dma.local @!p0 [spmem:s13], $0x500  }
.Ltmp1:
0xa4: {  	_ = 	snop;
	(pc) =	sbr.rel @p1 .LBB2_1-.Ltmp1, $4  }
0xa5: {  	s6 =	simm.s32 @!p0 $0x3  }
0xa6: {  	_ =	swait.ge @!p0 [sflag:s6], $0x500  }
0xa7: {  	[sflag:s6] =	ssyncset.done @!p0 $0x0  }
0xa8: {  	[sflag:s6] =	ssyncadd.s32 @!p0 $0xFFFFFB00  }
0xa9: {  	_ =	sfence.sel $0x180000  }
0xaa: {  	[bflag:$0x0] =	sbarrier.arrive $0xFFFF  }
0xab: {  	_ =	strace $0x9000004A  }
0xac: {  	s0 =	stileid.u32;
	[bflag:$0x2] =	sbarrier.arrive $0xFFFF  }
0xad: {  	p0 =	sne.s32 s0, $0x0;
	s0 =	rddreg [dreg:$0x2]  }
0xae: {  	s0 =	sadd.s32 @!p0 $0x100000, s0  }
0xaf: {  	[sflag:s0] =	ssyncadd.tile.s32 @!p0 $0x1;
	_ =	shalt  }
.Lfunc_end2:
_tile_overlayer_lowered:
.L_overlay_start_2:
0xb0: {  	(tag) =	ssettag $0x2  }
0xb1: {  	s0 =	rddreg [dreg:$0x0];
	s2 =	stileid.u32  }
0xb2: {  	s1 =	rddreg [dreg:$0x1];
	p0 =	sne.s32 s2, $0x0  }
0xb3: {  	s3 =	rddreg [dreg:$0x2];
	[bflag:$0x3] =	sbarrier.arrive $0xFFFF;
	s2 =	simm.s32 @!p0 $0x1C03  }
0xb4: {  	[timem:s3], [sflag:s2] =	dma.local @!p0 [hbm:s0], s1  }
0xb5: {  	s0 =	simm.s32 @!p0 $0x3  }
0xb6: {  	_ =	swait.ge @!p0 [sflag:s0], s1  }
0xb7: {  	s1 =	ssub.s32 @!p0 $0x0, s1;
	[sflag:s0] =	ssyncset.done @!p0 $0x0  }
0xb8: {  	[sflag:s0] =	ssyncadd.s32 @!p0 s1  }
0xb9: {  	[bflag:$0x3] =	sbarrier.arrive $0xFFFF  }
0xba: {  	_ =	shalt  }

// kernel: kernel.15.cloned.1.call-start
scs
__scs_entry_jumppad:
0x0: {  	(pc) =	sbr.rel $0x88, $3  }
0x1: {  	(tag) =	ssettag $0x0;
	lr =	simm.s32 $0x1  }
0x2: {  	[smem:$0x3F86] =	sst lr;
	_ =	strace $0xD0000000  }
0x3: {  	_ = 	snop  }
0x4: {  	_ = 	snop  }
0x5: {  	_ = 	snop  }
0x6: {  	_ = 	snop  }
0x7: {  	_ = 	snop  }
__scs_overlays_trampoline_lowered:
0x8: {  	[smem:$0x3F95] =	sst s0  }
0x9: {  	[smem:$0x3F96] =	sst s1  }
0xa: {  	[smem:$0x3F97] =	sst s2  }
0xb: {  	[smem:$0x3F98] =	sst s3  }
0xc: {  	[smem:$0x3F99] =	sst s4  }
0xd: {  	[smem:$0x3F9A] =	sst s5  }
0xe: {  	[smem:$0x3F9B] =	sst s6  }
0xf: {  	[smem:$0x3F9C] =	sst s7  }
0x10: {  	[smem:$0x3F9D] =	sst s8  }
0x11: {  	[smem:$0x3F9E] =	sst s9;
	s0 =	simm.s32 @!p0 $0x0  }
0x12: {  	s1 =	sld [smem:$0x3F84];
	s0 =	simm.s32 @p0 $0x1  }
0x13: {  	[smem:$0x3F9F] =	sst s0;
	s0 =	simm.s32 @!p1 $0x0  }
0x14: {  	s2 =	sld [smem:$0x3F83];
	s0 =	simm.s32 @p1 $0x1  }
0x15: {  	[smem:$0x3FA0] =	sst s0;
	s0 =	simm.s32 @!p2 $0x0  }
0x16: {  	s3 =	sld [smem:$0x3FDB];
	s0 =	simm.s32 @p2 $0x1  }
0x17: {  	s4 =	simm.s32 $0x1BF5;
	[smem:$0x3FA2] =	sst s0  }
0x18: {  	s0 =	sld [smem:$0x3F85];
	_ =	swait.ge [sflag:s4], $0x0  }
0x19: {  	s7 =	sld [smem:$0x3F86]  }
0x1a: {  	s8 =	sadd.s32 $0xFFFFE003, lr  }
0x1b: {  	s9 =	sadd.s32 $0xFFFFFEF7, lr;
	s5 =	simm.s32 $0xFFFFFFFF;
	p2 =	slt.u32 s8, $0xFFFFF086  }
0x1c: {  	p1 =	slt.u32 s9, $0xF7A;
	s5 =	simm.s32 @!p2 $0x0  }
0x1d: {  	s5 =	simm.s32 @p1 $0x1;
	p0 =	seq.s32 s7, s2  }
0x1e: {  	s7 =	smul.u32 @!p0 $0xF7A, s2;
	p2 =	seq.s32 @!p0 s5, $0x0  }
0x1f: {  	s9 =	smul.u32 $0xF7A, s1;
	s8 =	simm.s32 @!p0 $0x1BF5;
	p2 =	por !p2, p0  }
0x20: {  	[sflag:s8] =	ssyncset.s32 @!p0 $0xFFFFF086;
	s6 =	sadd.s32 @!p0 s3, s7;
	s7 =	simm.s32 @!p0 $0x108  }
0x21: {  	s3 =	sadd.s32 s3, s9;
	s6 =	sadd.s32 @!p0 $0x88, s6;
	s7 =	simm.s32 @p2 $0x1082  }
0x22: {  	[simem:s7], [sflag:s8] =	dma.local @!p0 [hbm:s6], $0xF7A  }
0x23: {  	s9 =	sor.u32 $0xD0000000, s2;
	s6 =	simm.s32 $0x108;
	_ =	swait.ge @!p0 [sflag:s8], $0x0  }
0x24: {  	s3 =	sadd.s32 $0x88, s3;
	s6 =	simm.s32 @!p1 $0x1082;
	[sflag:s4] =	ssyncset.s32 $0xFFFFF086  }
0x25: {  	[simem:s6], [sflag:s4] =	dma.local [hbm:s3], $0xF7A  }
0x26: {  	[smem:$0x3F86] =	sst s1;
	(tag) =	ssettag s2;
	_ =	strace s9  }
0x27: {  	s1 =	sld [smem:$0x3F96]  }
0x28: {  	s2 =	sld [smem:$0x3F97]  }
0x29: {  	s4 =	sld [smem:$0x3F99]  }
0x2a: {  	p0 =	seq.s32 s5, $0x0;
	s5 =	sld [smem:$0x3F9A]  }
0x2b: {  	s6 =	sld [smem:$0x3F9B]  }
0x2c: {  	s7 =	sld [smem:$0x3F9C]  }
0x2d: {  	s3 =	simm.s32 $0x108;
	s8 =	sld [smem:$0x3F9D]  }
0x2e: {  	s3 =	simm.s32 @!p0 $0x1082;
	s9 =	sld [smem:$0x3F9E]  }
0x2f: {  	lr =	sadd.s32 s0, s3;
	s0 =	sld [smem:$0x3F95]  }
0x30: {  	s3 =	sld [smem:$0x3F98]  }
0x31: {  	[smem:$0x3FA1] =	sst s10  }
0x32: {  	s10 =	sld [smem:$0x3F9F];
	_ =	sdelay $0x3  }
0x33: {  	p0 =	seq.s32 s10, $0x1;
	s10 =	sld [smem:$0x3FA1];
	_ =	sdelay $0x3  }
0x34: {  	[smem:$0x3FA1] =	sst s10  }
0x35: {  	s10 =	sld [smem:$0x3FA0];
	_ =	sdelay $0x3  }
0x36: {  	p1 =	seq.s32 s10, $0x1;
	s10 =	sld [smem:$0x3FA1];
	_ =	sdelay $0x3  }
0x37: {  	[smem:$0x3FA1] =	sst s10  }
0x38: {  	s10 =	sld [smem:$0x3FA2]  }
0x39: {  	_ = 	snop;
	(pc) =	sbr.ind lr, $3  }
0x3a: {  	_ = 	snop  }
0x3b: {  	_ = 	snop  }
0x3c: {  	p2 =	seq.s32 s10, $0x1;
	s10 =	sld [smem:$0x3FA1]  }
0x3d: {  	_ =	shalt  }
0x3e: {  	_ =	shalt  }
0x3f: {  	_ =	shalt  }
0x40: {  	_ =	shalt  }
0x41: {  	_ =	shalt  }
0x42: {  	_ =	shalt  }
0x43: {  	_ =	shalt  }
0x44: {  	_ =	shalt  }
0x45: {  	_ =	shalt  }
0x46: {  	_ =	shalt  }
0x47: {  	_ =	shalt  }
0x48: {  	_ =	shalt  }
0x49: {  	_ =	shalt  }
0x4a: {  	_ =	shalt  }
0x4b: {  	_ =	shalt  }
0x4c: {  	_ =	shalt  }
0x4d: {  	_ =	shalt  }
0x4e: {  	_ =	shalt  }
0x4f: {  	_ =	shalt  }
0x50: {  	_ =	shalt  }
0x51: {  	_ =	shalt  }
0x52: {  	_ =	shalt  }
0x53: {  	_ =	shalt  }
0x54: {  	_ =	shalt  }
0x55: {  	_ =	shalt  }
0x56: {  	_ =	shalt  }
0x57: {  	_ =	shalt  }
0x58: {  	_ =	shalt  }
0x59: {  	_ =	shalt  }
0x5a: {  	_ =	shalt  }
0x5b: {  	_ =	shalt  }
0x5c: {  	_ =	shalt  }
0x5d: {  	_ =	shalt  }
0x5e: {  	_ =	shalt  }
0x5f: {  	_ =	shalt  }
0x60: {  	_ =	shalt  }
0x61: {  	_ =	shalt  }
0x62: {  	_ =	shalt  }
0x63: {  	_ =	shalt  }
0x64: {  	_ =	shalt  }
0x65: {  	_ =	shalt  }
0x66: {  	_ =	shalt  }
0x67: {  	_ =	shalt  }
0x68: {  	_ =	shalt  }
0x69: {  	_ =	shalt  }
0x6a: {  	_ =	shalt  }
0x6b: {  	_ =	shalt  }
0x6c: {  	_ =	shalt  }
0x6d: {  	_ =	shalt  }
0x6e: {  	_ =	shalt  }
0x6f: {  	_ =	shalt  }
0x70: {  	_ =	shalt  }
0x71: {  	_ =	shalt  }
0x72: {  	_ =	shalt  }
0x73: {  	_ =	shalt  }
0x74: {  	_ =	shalt  }
0x75: {  	_ =	shalt  }
0x76: {  	_ =	shalt  }
0x77: {  	_ =	shalt  }
0x78: {  	_ =	shalt  }
0x79: {  	_ =	shalt  }
0x7a: {  	_ =	shalt  }
0x7b: {  	_ =	shalt  }
0x7c: {  	_ =	shalt  }
0x7d: {  	_ =	shalt  }
0x7e: {  	_ =	shalt  }
0x7f: {  	_ =	shalt  }
0x80: {  	_ =	shalt  }
0x81: {  	_ =	shalt  }
0x82: {  	_ =	shalt  }
0x83: {  	_ =	shalt  }
0x84: {  	_ =	shalt  }
0x85: {  	_ =	shalt  }
0x86: {  	_ =	shalt  }
0x87: {  	_ =	shalt  }
.Lfunc_end0:
.L_simem_size_0:
called_computation.2_lowered:
.L_overlay_start_0:
0x88: {  	s2 =	sld [smem:$0x3FD9]  }
0x89: {  	s3 =	sld [smem:$0x3FFE];
	_ =	sdelay $0x1  }
0x8a: {  	s1 =	srdreg.scid  }
0x8b: {  	s0 =	sand.u32 $0x1, s1  }
0x8c: {  	s16 =	sshll.u32 s0, $0xA;
	s2 =	sadd.s32 s3, s2  }
0x8d: {  	s2 =	sadd.s32 s2, s16  }
0x8e: {  	[smem:$0x3FAD] =	sst s2  }
0x8f: {  	_ = 	snop  }
0x90: {  	(tm) =	ssettm $0x1  }
0x91: {  	s17 =	sld [smem:$0x3FFB];
	_ =	sdelay $0x3  }
0x92: {  	_ =	strace s17  }
0x93: {  	s2 =	sld [smem:$0x3FFC];
	_ =	sdelay $0x3  }
0x94: {  	_ =	strace s2  }
0x95: {  	s2 =	sld [smem:$0x3FFD];
	_ =	sdelay $0x3  }
0x96: {  	_ =	strace s2  }
0x97: {  	_ =	strace $0x8FFFFFFF  }
0x98: {  	s18 =	sld [smem:$0x3FDB];
	_ =	sdelay $0x1  }
0x99: {  	s19 =	simm.s32 $_scs_section_size  }
0x9a: {  	s4 =	simm.s32 $_size__tile_overlayer_lowered;
	s5 =	simm.s32 $_tile_overlayer_lowered  }
0x9b: {  	s22 =	simm.s32 $0x1BFF;
	s21 =	sshll.u32 s5, $0x1;
	s2 =	sadd.s32 s19, s18  }
0x9c: {  	s6 =	simm.s32 $0x0;
	s20 =	sshll.u32 s4, $0x1;
	s4 =	sadd.s32 s21, s2  }
0x9d: {  	[timem:s6], [sflag:s22] =	dma.local [hbm:s4], s20  }
0x9e: {  	_ =	swait.ge [sflag:s22], s20  }
0x9f: {  	s3 =	ssub.s32 $0x0, s20;
	[sflag:s22] =	ssyncset.done $0x0  }
0xa0: {  	[sflag:s22] =	ssyncadd.s32 s3;
	_ =	sdelay $0x1  }
0xa1: {  	s23 =	simm.s32 $0x1B8B  }
0xa2: {  	_ =	swait.ge [sflag:s23], $0x1  }
0xa3: {  	[sflag:s23] =	ssyncset.done $0x0  }
0xa4: {  	s25 =	simm.s32 $0x1B8E;
	s24 =	sld [smem:$0x3FFE];
	[sflag:s23] =	ssyncadd.s32 $0xFFFFFFFF  }
0xa5: {  	s26 =	simm.s32 $execute0_lowered;
	[smem:$0x3FD2] =	sst s25  }
0xa6: {  	s4 =	sshll.u32 s26, $0x1;
	_ =	strace $0x8000004C;
	[dreg:$0x1] =	wrdreg $0xFFFFFFFF  }
0xa7: {  	s28 =	simm.s32 $_size_execute0_lowered;
	s2 =	sadd.s32 s2, s4;
	[dreg:$0x0] =	wrdreg $0x0  }
0xa8: {  	s4 =	sshll.u32 s28, $0x1;
	[dreg:$0x2] =	wrdreg s2  }
0xa9: {  	[dreg:$0x3] =	wrdreg s4  }
0xaa: {  	[dreg:$0x4] =	wrdreg $0xC0  }
0xab: {  	_ =	task [dreg:s6], $0x5FFFF  }
0xac: {  	[dreg:$0x1] =	wrdreg $0xFFFFFFFF  }
0xad: {  	[dreg:$0x0] =	wrdreg $0x60  }
0xae: {  	[dreg:$0x2] =	wrdreg s24  }
0xaf: {  	[dreg:$0x3] =	wrdreg $0xC0000  }
0xb0: {  	[dreg:$0x4] =	wrdreg $0x9  }
0xb1: {  	_ =	task.clear_ibuf [dreg:s6], $0x5FFFF;
	_ =	strace $0x9000004C  }
0xb2: {  	s29 =	simm.s32 $0x9;
	_ =	strace $0x8000004E  }
0xb3: {  	_ =	swait.ge [sflag:s29], $0x1  }
0xb4: {  	[sflag:s29] =	ssyncadd.s32 $0xFFFFFFFF  }
0xb5: {  	_ =	strace $0x9000004E  }
0xb6: {  	_ =	sfence  }
0xb7: {  	s30 =	sld [smem:$0x0];
	_ =	sdelay $0x2  }
0xb8: {  	s31 =	sshll.u32 s1, $0xD;
	s1 =	sshrl.u32 s1, $0x2  }
0xb9: {  	s3 =	sand.u32 $0x4000, s31;
	s1 =	sadd.s32 s1, s30  }
0xba: {  	s0 =	sor.u32 s3, s0;
	s1 =	sshll.u32 s1, $0x11  }
0xbb: {  	s0 =	sor.u32 s1, s0  }
0xbc: {  	s0 =	sadd.s32 $0x8F2B, s0  }
0xbd: {  	[sflag:s0] =	ssyncadd.remote.s32 $0x1  }
0xbe: {  	_ =	sfence.sel $0xFFFF  }
0xbf: {  	[dreg:$0x0] =	wrdreg $0xFFFFFFFF;
	(pc) =	sbr.abs _section_cstart, $3  }
0xc0: {  	[dreg:$0x1] =	wrdreg $0xFFFFFFFF  }
0xc1: {  	_ =	task.clear_ibuf [dreg:s6], $0x2FFFF;
	_ =	strace $0x9FFFFFFF  }
0xc2: {  	(tm) =	ssettm $0x7FFFFFFF  }
0xc3: {  	_ =	shalt  }
tec
execute0_lowered:
.L_overlay_start_1:
0x0: {  	(tag) =	ssettag $0x1  }
0x1: {  	s6 =	rddreg [dreg:$0x0];
	s26 =	stileid.u32  }
0x2: {  	s0 =	srdreg.scid;
	s8 =	smul.u32 $0xA000, s26  }
0x3: {  	s2 =	rddreg [dreg:$0x1];
	s1 =	sshrl.u32 s26, $0x2;
	s11 =	smul.u32 $0x2800, s26  }
0x4: {  	s3 =	simm.s32 $0x0;
	s5 =	sand.u32 $0x1, s0;
	s1 =	smul.u32 $0x14000, s1  }
0x5: {  	s31 =	simm.s32 $0x60;
	s10 =	sor.u32 $0x10, s26;
	s9 =	smul.u32 $0x138800, s5  }
0x6: {  	s28 =	simm.s32 $0x1;
	s13 =	sor.u32 $0x30, s26;
	s12 =	smul.u32 $0x2800, s10  }
0x7: {  	s29 =	simm.s32 $0x2;
	s16 =	sor.u32 $0x40, s26;
	s17 =	smul.u32 $0x2800, s13  }
0x8: {  	s30 =	simm.s32 $0x0;
	s18 =	sor.u32 $0x50, s26;
	s23 =	smul.u32 $0x2800, s16  }
0x9: {  	s21 =	sshll.u32 s26, $0x1;
	s19 =	sor.u32 $0x60, s26;
	s24 =	smul.u32 $0x2800, s18  }
0xa: {  	[smem:$0x7FF] =	sst s3;
	s0 =	sor.u32 s5, s21;
	s21 =	smul.u32 $0x2800, s19  }
0xb: {  	s20 =	sor.u32 $0x70, s26;
	p0 =	sgt.u32 s26, $0xC;
	s10 =	smul.u32 $0xA000, s10  }
0xc: {  	_ =	strace $0x8000004D;
	s5 =	ssub.s32 $0x2, s5;
	s13 =	smul.u32 $0xA000, s13  }
0xd: {  	s4 =	sshll.u32 s0, $0x7;
	s7 =	smul.u32 $0x700, s0;
	s15 =	sshrl.u32 s5, $0x1  }
0xe: {  	s8 =	sshrl.u32 s8, $0x2;
	s4 =	sand.u32 $0x380, s4;
	s25 =	ssub.s32 s5, s15  }
0xf: {  	s11 =	sadd.s32 s11, s9;
	s12 =	sadd.s32 s9, s12;
	s17 =	sadd.s32 s9, s17  }
0x10: {  	s23 =	sadd.s32 s9, s23;
	s15 =	sadd.s32 s9, s24;
	s21 =	sadd.s32 s9, s21  }
0x11: {  	s5 =	sadd.s32 $0x1DE00, s6;
	s8 =	sadd.s32 s8, s2;
	s22 =	sor.u32 s1, s4  }
0x12: {  	s1 =	sadd.s32 s7, s6;
	s7 =	sor.u32 $0x20, s26;
	s24 =	sshrl.u32 s17, $0x3  }
0x13: {  	s17 =	sshrl.u32 s23, $0x3;
	s23 =	sshrl.u32 s21, $0x3;
	s21 =	smul.u32 $0xA000, s20  }
0x14: {  	s4 =	sadd.s32 $0x1E400, s6;
	s11 =	sshrl.u32 s11, $0x3;
	s14 =	smul.u32 $0x2800, s7  }
0x15: {  	s12 =	sshrl.u32 s12, $0x3;
	s0 =	sshrl.u32 s22, $0x3;
	s22 =	smul.u32 $0x2800, s20  }
0x16: {  	[dreg:$0xb] =	wrdreg s8;
	s25 =	smax.u32 s25, $0x1;
	s7 =	smul.u32 $0xA000, s7  }
0x17: {  	s0 =	sadd.s32 s0, s6;
	s6 =	sadd.s32 $0x45600, s6;
	s14 =	sadd.s32 s9, s14  }
0x18: {  	s9 =	sadd.s32 s9, s22;
	s11 =	sadd.s32 s6, s11;
	s7 =	sshrl.u32 s7, $0x2  }
0x19: {  	[dreg:$0x3] =	wrdreg s11;
	s11 =	sadd.s32 s6, s12;
	s22 =	sshrl.u32 s14, $0x3  }
0x1a: {  	s14 =	sadd.s32 s6, s24;
	s24 =	sadd.s32 s6, s23;
	s9 =	sshrl.u32 s9, $0x3  }
0x1b: {  	s12 =	sshll.u32 s26, $0x6;
	s7 =	sadd.s32 s7, s2;
	[dreg:$0x4] =	wrdreg s11  }
0x1c: {  	s26 =	simm.s32 $0x3;
	s11 =	sadd.s32 s6, s22;
	[dreg:$0x6] =	wrdreg s14  }
0x1d: {  	s22 =	sshrl.u32 s15, $0x3;
	[dreg:$0x9] =	wrdreg s24;
	s15 =	sor.u32 $0x1C03, s12  }
0x1e: {  	s14 =	smul.u32 $0xA000, s16;
	s16 =	sshrl.u32 s10, $0x2;
	[dreg:$0xd] =	wrdreg s7  }
0x1f: {  	s24 =	sshrl.u32 s21, $0x2;
	[dreg:$0x5] =	wrdreg s11;
	s11 =	sadd.s32 s6, s17  }
0x20: {  	s17 =	smul.u32 $0xA000, s18;
	s8 =	sadd.s32 s16, s2;
	[dreg:$0x7] =	wrdreg s11  }
0x21: {  	s18 =	smul.u32 $0xA000, s19;
	s11 =	sadd.s32 s6, s22;
	[dreg:$0xc] =	wrdreg s8  }
0x22: {  	s19 =	sshrl.u32 s13, $0x2;
	s6 =	sadd.s32 s6, s9;
	[dreg:$0x8] =	wrdreg s11  }
0x23: {  	s8 =	sadd.s32 s19, s2;
	[dreg:$0xa] =	wrdreg s6;
	s6 =	sshrl.u32 s14, $0x2  }
0x24: {  	[dreg:$0xe] =	wrdreg s8;
	s22 =	sshrl.u32 s17, $0x2;
	s23 =	sshrl.u32 s18, $0x2  }
0x25: {  	s6 =	sadd.s32 s6, s2;
	s20 =	sadd.s32 s22, s2;
	s21 =	sadd.s32 s23, s2  }
0x26: {  	s22 =	sadd.s32 s24, s2;
	s23 =	sadd.s32 $0x13E00, s0;
	s24 =	sadd.s32 $0x5E00, s1  }
0x27: {  	s1 =	simm.s32 $0x6000;
	s0 =	simm.s32 $0x9000;
	[dreg:$0xf] =	wrdreg s6  }
.LBB2_1:
0x28: {  	s6 =	rddreg [dreg:$0xb]  }
0x29: {  	s6 =	sshrl.u32 s6, $0x3  }
0x2a: {  	[spmem:s6], [sflag:s15] =	dma.local [hbm:s5], $0x500  }
0x2b: {  	_ =	swait.ge [sflag:s26], $0x500  }
0x2c: {  	[sflag:s26] =	ssyncset.done $0x0;
	s7 =	rddreg [dreg:$0xc]  }
0x2d: {  	[sflag:s26] =	ssyncadd.s32 $0xFFFFFB00;
	s7 =	sshrl.u32 s7, $0x3  }
0x2e: {  	[spmem:s7], [sflag:s15] =	dma.local [hbm:s5], $0x500  }
0x2f: {  	_ =	swait.ge [sflag:s26], $0x500  }
0x30: {  	[sflag:s26] =	ssyncset.done $0x0;
	s8 =	rddreg [dreg:$0xd]  }
0x31: {  	[sflag:s26] =	ssyncadd.s32 $0xFFFFFB00;
	s8 =	sshrl.u32 s8, $0x3  }
0x32: {  	[spmem:s8], [sflag:s15] =	dma.local [hbm:s5], $0x500  }
0x33: {  	_ =	swait.ge [sflag:s26], $0x500  }
0x34: {  	[sflag:s26] =	ssyncset.done $0x0;
	s9 =	rddreg [dreg:$0xe]  }
0x35: {  	[sflag:s26] =	ssyncadd.s32 $0xFFFFFB00;
	s9 =	sshrl.u32 s9, $0x3  }
0x36: {  	[spmem:s9], [sflag:s15] =	dma.local [hbm:s5], $0x500  }
0x37: {  	_ =	swait.ge [sflag:s26], $0x500  }
0x38: {  	[sflag:s26] =	ssyncset.done $0x0;
	s10 =	rddreg [dreg:$0xf]  }
0x39: {  	[sflag:s26] =	ssyncadd.s32 $0xFFFFFB00;
	s10 =	sshrl.u32 s10, $0x3  }
0x3a: {  	[spmem:s10], [sflag:s15] =	dma.local [hbm:s5], $0x500  }
0x3b: {  	_ =	swait.ge [sflag:s26], $0x500  }
0x3c: {  	[sflag:s26] =	ssyncset.done $0x0  }
0x3d: {  	s11 =	sshrl.u32 s20, $0x3;
	[sflag:s26] =	ssyncadd.s32 $0xFFFFFB00  }
0x3e: {  	[spmem:s11], [sflag:s15] =	dma.local [hbm:s5], $0x500  }
0x3f: {  	_ =	swait.ge [sflag:s26], $0x500  }
0x40: {  	[sflag:s26] =	ssyncset.done $0x0  }
0x41: {  	s12 =	sshrl.u32 s21, $0x3;
	[sflag:s26] =	ssyncadd.s32 $0xFFFFFB00  }
0x42: {  	[spmem:s12], [sflag:s15] =	dma.local [hbm:s5], $0x500  }
0x43: {  	_ =	swait.ge [sflag:s26], $0x500  }
0x44: {  	[sflag:s26] =	ssyncset.done $0x0  }
0x45: {  	s13 =	sshrl.u32 @!p0 s22, $0x3;
	s14 =	simm.s32 @!p0 $0x3;
	[sflag:s26] =	ssyncadd.s32 $0xFFFFFB00  }
0x46: {  	[spmem:s13], [sflag:s15] =	dma.local @!p0 [hbm:s5], $0x500  }
0x47: {  	_ =	swait.ge @!p0 [sflag:s14], $0x500  }
0x48: {  	[sflag:s14] =	ssyncset.done @!p0 $0x0  }
0x49: {  	s19 =	simm.s32 $0x80;
	s16 =	simm.s32 $0x400;
	[sflag:s14] =	ssyncadd.s32 @!p0 $0xFFFFFB00  }
0x4a: {  	[tilespmem:s3], [sflag:$0x3] =	stream.strided.gather [hbm4b:s23+s19], $0x2800, s16, s19, $0x38;
	[tilespmem:$0x1F8C0] =	vst v63  }
0x4b: {  	_ =	swait.ge [sflag:s26], $0x2800  }
0x4c: {  	[sflag:s26] =	ssyncset.done $0x0  }
0x4d: {  	s16 =	simm.s32 $0x2800;
	[sflag:s26] =	ssyncadd.s32 $0xFFFFD800  }
0x4e: {  	[tilespmem:s16], [sflag:$0x3] =	stream.linear.gather [hbm4b:s24+s3], $0x3500, $0x38;
	[tilespmem:$0x1F8C0] =	vst v63  }
0x4f: {  	_ =	swait.ge [sflag:s26], $0x3500  }
0x50: {  	[sflag:s26] =	ssyncset.done $0x0  }
0x51: {  	[sflag:s26] =	ssyncadd.s32 $0xFFFFCB00  }
0x52: {  	[bflag:$0x0] =	sbarrier.arrive $0xFFFF  }
0x53: {  	[tilespmem:s1], [sflag:$0x1] =	stream.indirect.gather [hbm4b:s4+s31], $0x80, s3, s31, $0xb8;
	[tilespmem:$0x1F8C0] =	vst v63  }
0x54: {  	_ = 	snop  }
0x55: {  	[tilespmem:s0], [sflag:$0x2] =	stream.indirect.gather [hbm4b:s4+s31], $0x80, s31, s31, $0xb8;
	[tilespmem:$0x1F8C0] =	vst v63  }
0x56: {  	_ =	swait.ge [sflag:s28], $0x3000  }
0x57: {  	[sflag:s28] =	ssyncset.done $0x0  }
0x58: {  	s17 =	simm.s32 $0x2800;
	[sflag:s28] =	ssyncadd.s32 $0xFFFFD000  }
0x59: {  	[spmem:s2] =	stream.indirect.scatter.add.f32 [tilespmem:s1], [sflag:$0x3], $0x80, s17, s31, $0xb8;
	[tilespmem:$0x1F8C0] =	vst v63  }
0x5a: {  	_ =	swait.ge [sflag:s26], $0x3000  }
0x5b: {  	[sflag:s26] =	ssyncset.done $0x0  }
0x5c: {  	s18 =	simm.s32 $0xC0;
	[sflag:s26] =	ssyncadd.s32 $0xFFFFD000  }
0x5d: {  	[tilespmem:s1], [sflag:$0x1] =	stream.indirect.gather [hbm4b:s4+s31], $0x80, s18, s31, $0xb8;
	[tilespmem:$0x1F8C0] =	vst v63  }
0x5e: {  	_ =	swait.ge [sflag:s29], $0x3000  }
0x5f: {  	[sflag:s29] =	ssyncset.done $0x0  }
0x60: {  	s19 =	simm.s32 $0x2880;
	[sflag:s29] =	ssyncadd.s32 $0xFFFFD000  }
0x61: {  	[spmem:s2] =	stream.indirect.scatter.add.f32 [tilespmem:s0], [sflag:$0x3], $0x80, s19, s31, $0xb8;
	[tilespmem:$0x1F8C0] =	vst v63  }
0x62: {  	_ =	swait.ge [sflag:s26], $0x3000  }
0x63: {  	s14 =	simm.s32 $0x120;
	[sflag:s26] =	ssyncset.done $0x0  }
0x64: {  	s16 =	simm.s32 $0x400;
	s17 =	simm.s32 $0x1E0;
	[sflag:s26] =	ssyncadd.s32 $0xFFFFD000  }
.LBB2_2:
0x65: {  	[tilespmem:s0], [sflag:$0x2] =	stream.indirect.gather [hbm4b:s4+s31], $0x80, s14, s31, $0xb8;
	[tilespmem:$0x1F8C0] =	vst v63  }
0x66: {  	s18 =	smov.u32 s16;
	s14 =	smov.u32 s17  }
0x67: {  	p1 =	sne.s32 s16, $0xCC00;
	s16 =	sadd.s32 $0x400, s16;
	_ =	swait.ge [sflag:s28], $0x3000  }
0x68: {  	s18 =	sshra.s32 s18, $0x2;
	[sflag:s28] =	ssyncset.done $0x0  }
0x69: {  	s19 =	sadd.s32 $0x2800, s18;
	[sflag:s28] =	ssyncadd.s32 $0xFFFFD000  }
0x6a: {  	[spmem:s2] =	stream.indirect.scatter.add.f32 [tilespmem:s1], [sflag:$0x3], $0x80, s19, s31, $0xb8;
	[tilespmem:$0x1F8C0] =	vst v63  }
0x6b: {  	_ =	swait.ge [sflag:s26], $0x3000  }
0x6c: {  	[sflag:s26] =	ssyncset.done $0x0  }
0x6d: {  	s19 =	sadd.s32 $0xFFFFFFA0, s17;
	[sflag:s26] =	ssyncadd.s32 $0xFFFFD000  }
0x6e: {  	[tilespmem:s1], [sflag:$0x1] =	stream.indirect.gather [hbm4b:s4+s31], $0x80, s19, s31, $0xb8;
	[tilespmem:$0x1F8C0] =	vst v63  }
0x6f: {  	_ =	swait.ge [sflag:s29], $0x3000  }
0x70: {  	[sflag:s29] =	ssyncset.done $0x0  }
.Ltmp0:
0x71: {  	s18 =	sadd.s32 $0x2880, s18;
	[sflag:s29] =	ssyncadd.s32 $0xFFFFD000;
	(pc) =	sbr.rel @p1 .LBB2_2-.Ltmp0, $4  }
0x72: {  	[spmem:s2] =	stream.indirect.scatter.add.f32 [tilespmem:s0], [sflag:$0x3], $0x80, s18, s31, $0xb8;
	[tilespmem:$0x1F8C0] =	vst v63  }
0x73: {  	_ =	swait.ge [sflag:s26], $0x3000  }
0x74: {  	[sflag:s26] =	ssyncset.done $0x0  }
0x75: {  	s17 =	sadd.s32 $0xC0, s17;
	[sflag:s26] =	ssyncadd.s32 $0xFFFFD000  }
0x76: {  	[tilespmem:s0], [sflag:$0x2] =	stream.indirect.gather [hbm4b:s4+s31], $0x80, s14, s31, $0xb8;
	[tilespmem:$0x1F8C0] =	vst v63  }
0x77: {  	_ =	swait.ge [sflag:s28], $0x3000  }
0x78: {  	[sflag:s28] =	ssyncset.done $0x0  }
0x79: {  	s16 =	simm.s32 $0x5C00;
	[sflag:s28] =	ssyncadd.s32 $0xFFFFD000  }
0x7a: {  	[spmem:s2] =	stream.indirect.scatter.add.f32 [tilespmem:s1], [sflag:$0x3], $0x80, s16, s31, $0xb8;
	[tilespmem:$0x1F8C0] =	vst v63  }
0x7b: {  	_ =	swait.ge [sflag:s26], $0x3000  }
0x7c: {  	[sflag:s26] =	ssyncset.done $0x0  }
0x7d: {  	[sflag:s26] =	ssyncadd.s32 $0xFFFFD000  }
0x7e: {  	_ =	swait.ge [sflag:s29], $0x3000  }
0x7f: {  	[sflag:s29] =	ssyncset.done $0x0  }
0x80: {  	s17 =	simm.s32 $0x5C80;
	[sflag:s29] =	ssyncadd.s32 $0xFFFFD000  }
0x81: {  	[spmem:s2] =	stream.indirect.scatter.add.f32 [tilespmem:s0], [sflag:$0x3], $0x80, s17, s31, $0xb8;
	[tilespmem:$0x1F8C0] =	vst v63  }
0x82: {  	_ =	swait.ge [sflag:s26], $0x3000  }
0x83: {  	[sflag:s26] =	ssyncset.done $0x0  }
0x84: {  	[sflag:s26] =	ssyncadd.s32 $0xFFFFD000  }
0x85: {  	[bflag:$0x0] =	sbarrier.arrive $0xFFFF  }
0x86: {  	s18 =	rddreg [dreg:$0x3]  }
0x87: {  	[hbm:s18], [sflag:s15] =	dma.local [spmem:s6], $0x500  }
0x88: {  	_ =	swait.ge [sflag:s26], $0x500  }
0x89: {  	[sflag:s26] =	ssyncset.done $0x0  }
0x8a: {  	s19 =	rddreg [dreg:$0x4];
	[sflag:s26] =	ssyncadd.s32 $0xFFFFFB00  }
0x8b: {  	[hbm:s19], [sflag:s15] =	dma.local [spmem:s7], $0x500  }
0x8c: {  	_ =	swait.ge [sflag:s26], $0x500  }
0x8d: {  	[sflag:s26] =	ssyncset.done $0x0  }
0x8e: {  	s14 =	rddreg [dreg:$0x5];
	[sflag:s26] =	ssyncadd.s32 $0xFFFFFB00  }
0x8f: {  	[hbm:s14], [sflag:s15] =	dma.local [spmem:s8], $0x500  }
0x90: {  	_ =	swait.ge [sflag:s26], $0x500  }
0x91: {  	[sflag:s26] =	ssyncset.done $0x0  }
0x92: {  	s16 =	rddreg [dreg:$0x6];
	[sflag:s26] =	ssyncadd.s32 $0xFFFFFB00  }
0x93: {  	[hbm:s16], [sflag:s15] =	dma.local [spmem:s9], $0x500  }
0x94: {  	_ =	swait.ge [sflag:s26], $0x500  }
0x95: {  	[sflag:s26] =	ssyncset.done $0x0  }
0x96: {  	s17 =	rddreg [dreg:$0x7];
	[sflag:s26] =	ssyncadd.s32 $0xFFFFFB00  }
0x97: {  	[hbm:s17], [sflag:s15] =	dma.local [spmem:s10], $0x500  }
0x98: {  	_ =	swait.ge [sflag:s26], $0x500  }
0x99: {  	[sflag:s26] =	ssyncset.done $0x0  }
0x9a: {  	s18 =	rddreg [dreg:$0x8];
	[sflag:s26] =	ssyncadd.s32 $0xFFFFFB00  }
0x9b: {  	[hbm:s18], [sflag:s15] =	dma.local [spmem:s11], $0x500  }
0x9c: {  	_ =	swait.ge [sflag:s26], $0x500  }
0x9d: {  	[sflag:s26] =	ssyncset.done $0x0  }
0x9e: {  	s19 =	rddreg [dreg:$0x9];
	[sflag:s26] =	ssyncadd.s32 $0xFFFFFB00  }
0x9f: {  	[hbm:s19], [sflag:s15] =	dma.local [spmem:s12], $0x500  }
0xa0: {  	_ =	swait.ge [sflag:s26], $0x500  }
0xa1: {  	s30 =	sadd.s32 $0x1, s30;
	[sflag:s26] =	ssyncset.done $0x0  }
0xa2: {  	p1 =	sne.s32 s30, s25;
	s6 =	rddreg [dreg:$0xa];
	[sflag:s26] =	ssyncadd.s32 $0xFFFFFB00  }
0xa3: {  	[hbm:s6], [sflag:s15] =	dma.local @!p0 [spmem:s13], $0x500  }
.Ltmp1:
0xa4: {  	_ = 	snop;
	(pc) =	sbr.rel @p1 .LBB2_1-.Ltmp1, $4  }
0xa5: {  	s6 =	simm.s32 @!p0 $0x3  }
0xa6: {  	_ =	swait.ge @!p0 [sflag:s6], $0x500  }
0xa7: {  	[sflag:s6] =	ssyncset.done @!p0 $0x0  }
0xa8: {  	[sflag:s6] =	ssyncadd.s32 @!p0 $0xFFFFFB00  }
0xa9: {  	_ =	sfence.sel $0x180000  }
0xaa: {  	[bflag:$0x0] =	sbarrier.arrive $0xFFFF  }
0xab: {  	_ =	strace $0x9000004D  }
0xac: {  	s0 =	stileid.u32;
	[bflag:$0x2] =	sbarrier.arrive $0xFFFF  }
0xad: {  	p0 =	sne.s32 s0, $0x0;
	s0 =	rddreg [dreg:$0x2]  }
0xae: {  	s0 =	sadd.s32 @!p0 $0x100000, s0  }
0xaf: {  	[sflag:s0] =	ssyncadd.tile.s32 @!p0 $0x1;
	_ =	shalt  }
.Lfunc_end2:
_tile_overlayer_lowered:
.L_overlay_start_2:
0xb0: {  	(tag) =	ssettag $0x2  }
0xb1: {  	s0 =	rddreg [dreg:$0x0];
	s2 =	stileid.u32  }
0xb2: {  	s1 =	rddreg [dreg:$0x1];
	p0 =	sne.s32 s2, $0x0  }
0xb3: {  	s3 =	rddreg [dreg:$0x2];
	[bflag:$0x3] =	sbarrier.arrive $0xFFFF;
	s2 =	simm.s32 @!p0 $0x1C03  }
0xb4: {  	[timem:s3], [sflag:s2] =	dma.local @!p0 [hbm:s0], s1  }
0xb5: {  	s0 =	simm.s32 @!p0 $0x3  }
0xb6: {  	_ =	swait.ge @!p0 [sflag:s0], s1  }
0xb7: {  	s1 =	ssub.s32 @!p0 $0x0, s1;
	[sflag:s0] =	ssyncset.done @!p0 $0x0  }
0xb8: {  	[sflag:s0] =	ssyncadd.s32 @!p0 s1  }
0xb9: {  	[bflag:$0x3] =	sbarrier.arrive $0xFFFF  }
0xba: {  	_ =	shalt  }

// kernel: kernel.9.cloned.1.call-start
scs
__scs_entry_jumppad:
0x0: {  	(pc) =	sbr.rel $0x88, $3  }
0x1: {  	(tag) =	ssettag $0x0;
	lr =	simm.s32 $0x1  }
0x2: {  	[smem:$0x3F86] =	sst lr;
	_ =	strace $0xD0000000  }
0x3: {  	_ = 	snop  }
0x4: {  	_ = 	snop  }
0x5: {  	_ = 	snop  }
0x6: {  	_ = 	snop  }
0x7: {  	_ = 	snop  }
__scs_overlays_trampoline_lowered:
0x8: {  	[smem:$0x3F95] =	sst s0  }
0x9: {  	[smem:$0x3F96] =	sst s1  }
0xa: {  	[smem:$0x3F97] =	sst s2  }
0xb: {  	[smem:$0x3F98] =	sst s3  }
0xc: {  	[smem:$0x3F99] =	sst s4  }
0xd: {  	[smem:$0x3F9A] =	sst s5  }
0xe: {  	[smem:$0x3F9B] =	sst s6  }
0xf: {  	[smem:$0x3F9C] =	sst s7  }
0x10: {  	[smem:$0x3F9D] =	sst s8  }
0x11: {  	[smem:$0x3F9E] =	sst s9;
	s0 =	simm.s32 @!p0 $0x0  }
0x12: {  	s1 =	sld [smem:$0x3F84];
	s0 =	simm.s32 @p0 $0x1  }
0x13: {  	[smem:$0x3F9F] =	sst s0;
	s0 =	simm.s32 @!p1 $0x0  }
0x14: {  	s2 =	sld [smem:$0x3F83];
	s0 =	simm.s32 @p1 $0x1  }
0x15: {  	[smem:$0x3FA0] =	sst s0;
	s0 =	simm.s32 @!p2 $0x0  }
0x16: {  	s3 =	sld [smem:$0x3FDB];
	s0 =	simm.s32 @p2 $0x1  }
0x17: {  	s4 =	simm.s32 $0x1BF5;
	[smem:$0x3FA2] =	sst s0  }
0x18: {  	s0 =	sld [smem:$0x3F85];
	_ =	swait.ge [sflag:s4], $0x0  }
0x19: {  	s7 =	sld [smem:$0x3F86]  }
0x1a: {  	s8 =	sadd.s32 $0xFFFFE003, lr  }
0x1b: {  	s9 =	sadd.s32 $0xFFFFFEF7, lr;
	s5 =	simm.s32 $0xFFFFFFFF;
	p2 =	slt.u32 s8, $0xFFFFF086  }
0x1c: {  	p1 =	slt.u32 s9, $0xF7A;
	s5 =	simm.s32 @!p2 $0x0  }
0x1d: {  	s5 =	simm.s32 @p1 $0x1;
	p0 =	seq.s32 s7, s2  }
0x1e: {  	s7 =	smul.u32 @!p0 $0xF7A, s2;
	p2 =	seq.s32 @!p0 s5, $0x0  }
0x1f: {  	s9 =	smul.u32 $0xF7A, s1;
	s8 =	simm.s32 @!p0 $0x1BF5;
	p2 =	por !p2, p0  }
0x20: {  	[sflag:s8] =	ssyncset.s32 @!p0 $0xFFFFF086;
	s6 =	sadd.s32 @!p0 s3, s7;
	s7 =	simm.s32 @!p0 $0x108  }
0x21: {  	s3 =	sadd.s32 s3, s9;
	s6 =	sadd.s32 @!p0 $0x88, s6;
	s7 =	simm.s32 @p2 $0x1082  }
0x22: {  	[simem:s7], [sflag:s8] =	dma.local @!p0 [hbm:s6], $0xF7A  }
0x23: {  	s9 =	sor.u32 $0xD0000000, s2;
	s6 =	simm.s32 $0x108;
	_ =	swait.ge @!p0 [sflag:s8], $0x0  }
0x24: {  	s3 =	sadd.s32 $0x88, s3;
	s6 =	simm.s32 @!p1 $0x1082;
	[sflag:s4] =	ssyncset.s32 $0xFFFFF086  }
0x25: {  	[simem:s6], [sflag:s4] =	dma.local [hbm:s3], $0xF7A  }
0x26: {  	[smem:$0x3F86] =	sst s1;
	(tag) =	ssettag s2;
	_ =	strace s9  }
0x27: {  	s1 =	sld [smem:$0x3F96]  }
0x28: {  	s2 =	sld [smem:$0x3F97]  }
0x29: {  	s4 =	sld [smem:$0x3F99]  }
0x2a: {  	p0 =	seq.s32 s5, $0x0;
	s5 =	sld [smem:$0x3F9A]  }
0x2b: {  	s6 =	sld [smem:$0x3F9B]  }
0x2c: {  	s7 =	sld [smem:$0x3F9C]  }
0x2d: {  	s3 =	simm.s32 $0x108;
	s8 =	sld [smem:$0x3F9D]  }
0x2e: {  	s3 =	simm.s32 @!p0 $0x1082;
	s9 =	sld [smem:$0x3F9E]  }
0x2f: {  	lr =	sadd.s32 s0, s3;
	s0 =	sld [smem:$0x3F95]  }
0x30: {  	s3 =	sld [smem:$0x3F98]  }
0x31: {  	[smem:$0x3FA1] =	sst s10  }
0x32: {  	s10 =	sld [smem:$0x3F9F];
	_ =	sdelay $0x3  }
0x33: {  	p0 =	seq.s32 s10, $0x1;
	s10 =	sld [smem:$0x3FA1];
	_ =	sdelay $0x3  }
0x34: {  	[smem:$0x3FA1] =	sst s10  }
0x35: {  	s10 =	sld [smem:$0x3FA0];
	_ =	sdelay $0x3  }
0x36: {  	p1 =	seq.s32 s10, $0x1;
	s10 =	sld [smem:$0x3FA1];
	_ =	sdelay $0x3  }
0x37: {  	[smem:$0x3FA1] =	sst s10  }
0x38: {  	s10 =	sld [smem:$0x3FA2]  }
0x39: {  	_ = 	snop;
	(pc) =	sbr.ind lr, $3  }
0x3a: {  	_ = 	snop  }
0x3b: {  	_ = 	snop  }
0x3c: {  	p2 =	seq.s32 s10, $0x1;
	s10 =	sld [smem:$0x3FA1]  }
0x3d: {  	_ =	shalt  }
0x3e: {  	_ =	shalt  }
0x3f: {  	_ =	shalt  }
0x40: {  	_ =	shalt  }
0x41: {  	_ =	shalt  }
0x42: {  	_ =	shalt  }
0x43: {  	_ =	shalt  }
0x44: {  	_ =	shalt  }
0x45: {  	_ =	shalt  }
0x46: {  	_ =	shalt  }
0x47: {  	_ =	shalt  }
0x48: {  	_ =	shalt  }
0x49: {  	_ =	shalt  }
0x4a: {  	_ =	shalt  }
0x4b: {  	_ =	shalt  }
0x4c: {  	_ =	shalt  }
0x4d: {  	_ =	shalt  }
0x4e: {  	_ =	shalt  }
0x4f: {  	_ =	shalt  }
0x50: {  	_ =	shalt  }
0x51: {  	_ =	shalt  }
0x52: {  	_ =	shalt  }
0x53: {  	_ =	shalt  }
0x54: {  	_ =	shalt  }
0x55: {  	_ =	shalt  }
0x56: {  	_ =	shalt  }
0x57: {  	_ =	shalt  }
0x58: {  	_ =	shalt  }
0x59: {  	_ =	shalt  }
0x5a: {  	_ =	shalt  }
0x5b: {  	_ =	shalt  }
0x5c: {  	_ =	shalt  }
0x5d: {  	_ =	shalt  }
0x5e: {  	_ =	shalt  }
0x5f: {  	_ =	shalt  }
0x60: {  	_ =	shalt  }
0x61: {  	_ =	shalt  }
0x62: {  	_ =	shalt  }
0x63: {  	_ =	shalt  }
0x64: {  	_ =	shalt  }
0x65: {  	_ =	shalt  }
0x66: {  	_ =	shalt  }
0x67: {  	_ =	shalt  }
0x68: {  	_ =	shalt  }
0x69: {  	_ =	shalt  }
0x6a: {  	_ =	shalt  }
0x6b: {  	_ =	shalt  }
0x6c: {  	_ =	shalt  }
0x6d: {  	_ =	shalt  }
0x6e: {  	_ =	shalt  }
0x6f: {  	_ =	shalt  }
0x70: {  	_ =	shalt  }
0x71: {  	_ =	shalt  }
0x72: {  	_ =	shalt  }
0x73: {  	_ =	shalt  }
0x74: {  	_ =	shalt  }
0x75: {  	_ =	shalt  }
0x76: {  	_ =	shalt  }
0x77: {  	_ =	shalt  }
0x78: {  	_ =	shalt  }
0x79: {  	_ =	shalt  }
0x7a: {  	_ =	shalt  }
0x7b: {  	_ =	shalt  }
0x7c: {  	_ =	shalt  }
0x7d: {  	_ =	shalt  }
0x7e: {  	_ =	shalt  }
0x7f: {  	_ =	shalt  }
0x80: {  	_ =	shalt  }
0x81: {  	_ =	shalt  }
0x82: {  	_ =	shalt  }
0x83: {  	_ =	shalt  }
0x84: {  	_ =	shalt  }
0x85: {  	_ =	shalt  }
0x86: {  	_ =	shalt  }
0x87: {  	_ =	shalt  }
.Lfunc_end0:
.L_simem_size_0:
called_computation_lowered:
.L_overlay_start_0:
0x88: {  	s2 =	sld [smem:$0x3FD9]  }
0x89: {  	s3 =	sld [smem:$0x3FFE];
	_ =	sdelay $0x1  }
0x8a: {  	s1 =	srdreg.scid  }
0x8b: {  	s0 =	sand.u32 $0x1, s1  }
0x8c: {  	s17 =	sshll.u32 s0, $0xA;
	s2 =	sadd.s32 s3, s2  }
0x8d: {  	s2 =	sadd.s32 s2, s17  }
0x8e: {  	[smem:$0x3FAD] =	sst s2  }
0x8f: {  	_ = 	snop  }
0x90: {  	s2 =	sld [smem:$0x3FC9];
	(tm) =	ssettm $0x1  }
0x91: {  	s18 =	sld [smem:$0x3FFB];
	_ =	sdelay $0x3  }
0x92: {  	_ =	strace s18  }
0x93: {  	s3 =	sld [smem:$0x3FFC];
	_ =	sdelay $0x3  }
0x94: {  	_ =	strace s3  }
0x95: {  	s3 =	sld [smem:$0x3FFD];
	_ =	sdelay $0x3  }
0x96: {  	_ =	strace s3  }
0x97: {  	_ =	strace $0x8FFFFFFF  }
0x98: {  	s19 =	sld [smem:$0x3FDB];
	_ =	sdelay $0x1  }
0x99: {  	s4 =	simm.s32 $_scs_section_size  }
0x9a: {  	s5 =	simm.s32 $_size__tile_overlayer_lowered;
	s6 =	simm.s32 $_tile_overlayer_lowered  }
0x9b: {  	s22 =	simm.s32 $0x1BFF;
	s21 =	sshll.u32 s6, $0x1;
	s3 =	sadd.s32 s4, s19  }
0x9c: {  	s7 =	simm.s32 $0x0;
	s20 =	sshll.u32 s5, $0x1;
	s5 =	sadd.s32 s21, s3  }
0x9d: {  	[timem:s7], [sflag:s22] =	dma.local [hbm:s5], s20  }
0x9e: {  	_ =	swait.ge [sflag:s22], s20  }
0x9f: {  	s4 =	ssub.s32 $0x0, s20;
	[sflag:s22] =	ssyncset.done $0x0  }
0xa0: {  	[sflag:s22] =	ssyncadd.s32 s4;
	_ =	sdelay $0x1  }
0xa1: {  	s23 =	simm.s32 $0x1B8B  }
0xa2: {  	_ =	swait.ge [sflag:s23], $0x1  }
0xa3: {  	[sflag:s23] =	ssyncset.done $0x0  }
0xa4: {  	s25 =	simm.s32 $0x1B8E;
	s24 =	sld [smem:$0x3FFE];
	[sflag:s23] =	ssyncadd.s32 $0xFFFFFFFF  }
0xa5: {  	s26 =	simm.s32 $execute0_lowered;
	[smem:$0x3FD2] =	sst s25  }
0xa6: {  	s5 =	sshll.u32 s26, $0x1;
	_ =	strace $0x80000046;
	[dreg:$0x1] =	wrdreg $0xFFFFFFFF  }
0xa7: {  	s28 =	simm.s32 $_size_execute0_lowered;
	s3 =	sadd.s32 s3, s5;
	[dreg:$0x0] =	wrdreg $0x0  }
0xa8: {  	s5 =	sshll.u32 s28, $0x1;
	[dreg:$0x2] =	wrdreg s3  }
0xa9: {  	[dreg:$0x3] =	wrdreg s5  }
0xaa: {  	[dreg:$0x4] =	wrdreg $0xC0  }
0xab: {  	_ =	task [dreg:s7], $0x5FFFF  }
0xac: {  	[dreg:$0x1] =	wrdreg $0xFFFFFFFF  }
0xad: {  	[dreg:$0x0] =	wrdreg $0x60  }
0xae: {  	[dreg:$0x2] =	wrdreg s2  }
0xaf: {  	[dreg:$0x3] =	wrdreg s24  }
0xb0: {  	[dreg:$0x4] =	wrdreg $0xC0000  }
0xb1: {  	[dreg:$0x5] =	wrdreg $0x9  }
0xb2: {  	_ =	task.clear_ibuf [dreg:s7], $0x6FFFF;
	_ =	strace $0x90000046  }
0xb3: {  	s29 =	simm.s32 $0x9;
	_ =	strace $0x80000048  }
0xb4: {  	_ =	swait.ge [sflag:s29], $0x1  }
0xb5: {  	[sflag:s29] =	ssyncadd.s32 $0xFFFFFFFF  }
0xb6: {  	_ =	strace $0x90000048  }
0xb7: {  	_ =	sfence  }
0xb8: {  	s30 =	sld [smem:$0x0];
	_ =	sdelay $0x2  }
0xb9: {  	s31 =	sshll.u32 s1, $0xD;
	s1 =	sshrl.u32 s1, $0x2  }
0xba: {  	s3 =	sand.u32 $0x4000, s31;
	s1 =	sadd.s32 s1, s30  }
0xbb: {  	s0 =	sor.u32 s3, s0;
	s1 =	sshll.u32 s1, $0x11  }
0xbc: {  	s0 =	sor.u32 s1, s0  }
0xbd: {  	s0 =	sadd.s32 $0x8F2B, s0  }
0xbe: {  	[sflag:s0] =	ssyncadd.remote.s32 $0x1  }
0xbf: {  	_ =	sfence.sel $0xFFFF  }
0xc0: {  	[dreg:$0x0] =	wrdreg $0xFFFFFFFF;
	(pc) =	sbr.abs _section_cstart, $3  }
0xc1: {  	[dreg:$0x1] =	wrdreg $0xFFFFFFFF  }
0xc2: {  	_ =	task.clear_ibuf [dreg:s7], $0x2FFFF;
	_ =	strace $0x9FFFFFFF  }
0xc3: {  	(tm) =	ssettm $0x7FFFFFFF  }
tec
execute0_lowered:
.L_overlay_start_1:
0x0: {  	(tag) =	ssettag $0x1  }
0x1: {  	s1 =	rddreg [dreg:$0x0];
	s0 =	srdreg.scid  }
0x2: {  	s26 =	stileid.u32;
	s6 =	rddreg [dreg:$0x1]  }
0x3: {  	s3 =	rddreg [dreg:$0x2];
	s4 =	simm.s32 $0x0;
	s31 =	simm.s32 $0x60  }
0x4: {  	s28 =	simm.s32 $0x1;
	s2 =	sshrl.u32 s26, $0x2;
	s11 =	smul.u32 $0x2800, s26  }
0x5: {  	s29 =	simm.s32 $0x2;
	s5 =	sand.u32 $0x1, s0;
	s2 =	smul.u32 $0x14000, s2  }
0x6: {  	s30 =	simm.s32 $0x0;
	s10 =	sor.u32 $0x10, s26;
	s9 =	smul.u32 $0x138800, s5  }
0x7: {  	s21 =	sshll.u32 s26, $0x1;
	s13 =	sor.u32 $0x30, s26;
	s12 =	smul.u32 $0x2800, s10  }
0x8: {  	[smem:$0x7FF] =	sst s4;
	s16 =	sor.u32 $0x40, s26;
	s17 =	smul.u32 $0x2800, s13  }
0x9: {  	s18 =	sor.u32 $0x50, s26;
	s19 =	sor.u32 $0x60, s26;
	s23 =	smul.u32 $0x2800, s16  }
0xa: {  	s20 =	sor.u32 $0x70, s26;
	p0 =	sgt.u32 s26, $0xC;
	s24 =	smul.u32 $0x2800, s18  }
0xb: {  	s0 =	sor.u32 s5, s21;
	_ =	strace $0x80000047;
	s21 =	smul.u32 $0x2800, s19  }
0xc: {  	s5 =	ssub.s32 $0x2, s5;
	s10 =	smul.u32 $0xA000, s10;
	s7 =	sshll.u32 s0, $0x7  }
0xd: {  	s8 =	smul.u32 $0x700, s0;
	s15 =	sshrl.u32 s5, $0x1;
	s7 =	sand.u32 $0x380, s7  }
0xe: {  	s25 =	ssub.s32 s5, s15;
	s11 =	sadd.s32 s11, s9;
	s12 =	sadd.s32 s9, s12  }
0xf: {  	s17 =	sadd.s32 s9, s17;
	s23 =	sadd.s32 s9, s23;
	s15 =	sadd.s32 s9, s24  }
0x10: {  	s21 =	sadd.s32 s9, s21;
	s22 =	sor.u32 s2, s7;
	s7 =	smul.u32 $0xA000, s26  }
0x11: {  	s2 =	sadd.s32 s8, s6;
	s8 =	sor.u32 $0x20, s26;
	s24 =	sshrl.u32 s17, $0x3  }
0x12: {  	s17 =	sshrl.u32 s23, $0x3;
	s23 =	sshrl.u32 s21, $0x3;
	s21 =	smul.u32 $0xA000, s20  }
0x13: {  	s5 =	sadd.s32 $0x1DE00, s6;
	s11 =	sshrl.u32 s11, $0x3;
	s14 =	smul.u32 $0x2800, s8  }
0x14: {  	s12 =	sshrl.u32 s12, $0x3;
	s0 =	sshrl.u32 s22, $0x3;
	s22 =	smul.u32 $0x2800, s20  }
0x15: {  	s25 =	smax.u32 s25, $0x1;
	s8 =	smul.u32 $0xA000, s8;
	s0 =	sadd.s32 s0, s6  }
0x16: {  	s6 =	sadd.s32 $0x1E400, s6;
	s7 =	sshrl.u32 s7, $0x2;
	s14 =	sadd.s32 s9, s14  }
0x17: {  	s9 =	sadd.s32 s9, s22;
	s11 =	sadd.s32 s6, s11;
	s7 =	sadd.s32 s7, s3  }
0x18: {  	s8 =	sshrl.u32 s8, $0x2;
	[dreg:$0x4] =	wrdreg s11;
	s11 =	sadd.s32 s6, s12  }
0x19: {  	s22 =	sshrl.u32 s14, $0x3;
	s14 =	sadd.s32 s6, s24;
	s12 =	smul.u32 $0xA000, s13  }
0x1a: {  	s24 =	sadd.s32 s6, s23;
	[dreg:$0xc] =	wrdreg s7;
	s13 =	smul.u32 $0xA000, s16  }
0x1b: {  	s9 =	sshrl.u32 s9, $0x3;
	s16 =	smul.u32 $0xA000, s18;
	[dreg:$0x5] =	wrdreg s11  }
0x1c: {  	s18 =	smul.u32 $0xA000, s19;
	s11 =	sadd.s32 s6, s22;
	[dreg:$0x7] =	wrdreg s14  }
0x1d: {  	s22 =	sshrl.u32 s15, $0x3;
	[dreg:$0xa] =	wrdreg s24;
	s14 =	sshrl.u32 s10, $0x2  }
0x1e: {  	s24 =	sshrl.u32 s21, $0x2;
	[dreg:$0x6] =	wrdreg s11;
	s11 =	sadd.s32 s6, s17  }
0x1f: {  	s7 =	sadd.s32 s14, s3;
	s17 =	sadd.s32 s8, s3;
	[dreg:$0x8] =	wrdreg s11  }
0x20: {  	s19 =	sshrl.u32 s12, $0x2;
	s23 =	sshrl.u32 s18, $0x2;
	[dreg:$0xd] =	wrdreg s7  }
0x21: {  	s11 =	sadd.s32 s6, s22;
	s6 =	sadd.s32 s6, s9;
	[dreg:$0xe] =	wrdreg s17  }
0x22: {  	s8 =	sadd.s32 s19, s3;
	s22 =	sshrl.u32 s16, $0x2;
	s21 =	sadd.s32 s23, s3  }
0x23: {  	s23 =	sadd.s32 $0x13E00, s0;
	s0 =	simm.s32 $0x9000;
	[dreg:$0x9] =	wrdreg s11  }
0x24: {  	[dreg:$0xb] =	wrdreg s6;
	s11 =	sshll.u32 s26, $0x6;
	s6 =	sshrl.u32 s13, $0x2  }
0x25: {  	[dreg:$0xf] =	wrdreg s8;
	s20 =	sadd.s32 s22, s3;
	s22 =	sadd.s32 s24, s3  }
0x26: {  	s24 =	sadd.s32 $0x5E00, s2;
	s26 =	simm.s32 $0x3;
	s6 =	sadd.s32 s6, s3  }
0x27: {  	s2 =	simm.s32 $0x6000;
	s15 =	sor.u32 $0x1C03, s11;
	[dreg:$0x10] =	wrdreg s6  }
.LBB2_1:
0x28: {  	s6 =	rddreg [dreg:$0xc]  }
0x29: {  	s6 =	sshrl.u32 s6, $0x3  }
0x2a: {  	[spmem:s6], [sflag:s15] =	dma.local [hbm:s5], $0x500  }
0x2b: {  	_ =	swait.ge [sflag:s26], $0x500  }
0x2c: {  	[sflag:s26] =	ssyncset.done $0x0;
	s7 =	rddreg [dreg:$0xd]  }
0x2d: {  	[sflag:s26] =	ssyncadd.s32 $0xFFFFFB00;
	s7 =	sshrl.u32 s7, $0x3  }
0x2e: {  	[spmem:s7], [sflag:s15] =	dma.local [hbm:s5], $0x500  }
0x2f: {  	_ =	swait.ge [sflag:s26], $0x500  }
0x30: {  	[sflag:s26] =	ssyncset.done $0x0;
	s8 =	rddreg [dreg:$0xe]  }
0x31: {  	[sflag:s26] =	ssyncadd.s32 $0xFFFFFB00;
	s8 =	sshrl.u32 s8, $0x3  }
0x32: {  	[spmem:s8], [sflag:s15] =	dma.local [hbm:s5], $0x500  }
0x33: {  	_ =	swait.ge [sflag:s26], $0x500  }
0x34: {  	[sflag:s26] =	ssyncset.done $0x0;
	s9 =	rddreg [dreg:$0xf]  }
0x35: {  	[sflag:s26] =	ssyncadd.s32 $0xFFFFFB00;
	s9 =	sshrl.u32 s9, $0x3  }
0x36: {  	[spmem:s9], [sflag:s15] =	dma.local [hbm:s5], $0x500  }
0x37: {  	_ =	swait.ge [sflag:s26], $0x500  }
0x38: {  	[sflag:s26] =	ssyncset.done $0x0;
	s10 =	rddreg [dreg:$0x10]  }
0x39: {  	[sflag:s26] =	ssyncadd.s32 $0xFFFFFB00;
	s10 =	sshrl.u32 s10, $0x3  }
0x3a: {  	[spmem:s10], [sflag:s15] =	dma.local [hbm:s5], $0x500  }
0x3b: {  	_ =	swait.ge [sflag:s26], $0x500  }
0x3c: {  	[sflag:s26] =	ssyncset.done $0x0  }
0x3d: {  	s11 =	sshrl.u32 s20, $0x3;
	[sflag:s26] =	ssyncadd.s32 $0xFFFFFB00  }
0x3e: {  	[spmem:s11], [sflag:s15] =	dma.local [hbm:s5], $0x500  }
0x3f: {  	_ =	swait.ge [sflag:s26], $0x500  }
0x40: {  	[sflag:s26] =	ssyncset.done $0x0  }
0x41: {  	s12 =	sshrl.u32 s21, $0x3;
	[sflag:s26] =	ssyncadd.s32 $0xFFFFFB00  }
0x42: {  	[spmem:s12], [sflag:s15] =	dma.local [hbm:s5], $0x500  }
0x43: {  	_ =	swait.ge [sflag:s26], $0x500  }
0x44: {  	[sflag:s26] =	ssyncset.done $0x0  }
0x45: {  	s13 =	sshrl.u32 @!p0 s22, $0x3;
	s14 =	simm.s32 @!p0 $0x3;
	[sflag:s26] =	ssyncadd.s32 $0xFFFFFB00  }
0x46: {  	[spmem:s13], [sflag:s15] =	dma.local @!p0 [hbm:s5], $0x500  }
0x47: {  	_ =	swait.ge @!p0 [sflag:s14], $0x500  }
0x48: {  	[sflag:s14] =	ssyncset.done @!p0 $0x0  }
0x49: {  	s19 =	simm.s32 $0x80;
	s16 =	simm.s32 $0x400;
	[sflag:s14] =	ssyncadd.s32 @!p0 $0xFFFFFB00  }
0x4a: {  	[tilespmem:s4], [sflag:$0x3] =	stream.strided.gather [hbm4b:s23+s19], $0x2800, s16, s19, $0x38;
	[tilespmem:$0x1F8C0] =	vst v63  }
0x4b: {  	_ =	swait.ge [sflag:s26], $0x2800  }
0x4c: {  	[sflag:s26] =	ssyncset.done $0x0  }
0x4d: {  	s16 =	simm.s32 $0x2800;
	[sflag:s26] =	ssyncadd.s32 $0xFFFFD800  }
0x4e: {  	[tilespmem:s16], [sflag:$0x3] =	stream.linear.gather [hbm4b:s24+s4], $0x3500, $0x38;
	[tilespmem:$0x1F8C0] =	vst v63  }
0x4f: {  	_ =	swait.ge [sflag:s26], $0x3500  }
0x50: {  	[sflag:s26] =	ssyncset.done $0x0  }
0x51: {  	[sflag:s26] =	ssyncadd.s32 $0xFFFFCB00  }
0x52: {  	[bflag:$0x0] =	sbarrier.arrive $0xFFFF  }
0x53: {  	[tilespmem:s2], [sflag:$0x1] =	stream.indirect.gather [hbm4b:s1+s31], $0x80, s4, s31, $0xb8;
	[tilespmem:$0x1F8C0] =	vst v63  }
0x54: {  	_ = 	snop  }
0x55: {  	[tilespmem:s0], [sflag:$0x2] =	stream.indirect.gather [hbm4b:s1+s31], $0x80, s31, s31, $0xb8;
	[tilespmem:$0x1F8C0] =	vst v63  }
0x56: {  	_ =	swait.ge [sflag:s28], $0x3000  }
0x57: {  	[sflag:s28] =	ssyncset.done $0x0  }
0x58: {  	s17 =	simm.s32 $0x2800;
	[sflag:s28] =	ssyncadd.s32 $0xFFFFD000  }
0x59: {  	[spmem:s3] =	stream.indirect.scatter.add.f32 [tilespmem:s2], [sflag:$0x3], $0x80, s17, s31, $0xb8;
	[tilespmem:$0x1F8C0] =	vst v63  }
0x5a: {  	_ =	swait.ge [sflag:s26], $0x3000  }
0x5b: {  	[sflag:s26] =	ssyncset.done $0x0  }
0x5c: {  	s18 =	simm.s32 $0xC0;
	[sflag:s26] =	ssyncadd.s32 $0xFFFFD000  }
0x5d: {  	[tilespmem:s2], [sflag:$0x1] =	stream.indirect.gather [hbm4b:s1+s31], $0x80, s18, s31, $0xb8;
	[tilespmem:$0x1F8C0] =	vst v63  }
0x5e: {  	_ =	swait.ge [sflag:s29], $0x3000  }
0x5f: {  	[sflag:s29] =	ssyncset.done $0x0  }
0x60: {  	s19 =	simm.s32 $0x2880;
	[sflag:s29] =	ssyncadd.s32 $0xFFFFD000  }
0x61: {  	[spmem:s3] =	stream.indirect.scatter.add.f32 [tilespmem:s0], [sflag:$0x3], $0x80, s19, s31, $0xb8;
	[tilespmem:$0x1F8C0] =	vst v63  }
0x62: {  	_ =	swait.ge [sflag:s26], $0x3000  }
0x63: {  	s14 =	simm.s32 $0x120;
	[sflag:s26] =	ssyncset.done $0x0  }
0x64: {  	s16 =	simm.s32 $0x400;
	s17 =	simm.s32 $0x1E0;
	[sflag:s26] =	ssyncadd.s32 $0xFFFFD000  }
.LBB2_2:
0x65: {  	[tilespmem:s0], [sflag:$0x2] =	stream.indirect.gather [hbm4b:s1+s31], $0x80, s14, s31, $0xb8;
	[tilespmem:$0x1F8C0] =	vst v63  }
0x66: {  	s18 =	smov.u32 s16;
	s14 =	smov.u32 s17  }
0x67: {  	p1 =	sne.s32 s16, $0xCC00;
	s16 =	sadd.s32 $0x400, s16;
	_ =	swait.ge [sflag:s28], $0x3000  }
0x68: {  	s18 =	sshra.s32 s18, $0x2;
	[sflag:s28] =	ssyncset.done $0x0  }
0x69: {  	s19 =	sadd.s32 $0x2800, s18;
	[sflag:s28] =	ssyncadd.s32 $0xFFFFD000  }
0x6a: {  	[spmem:s3] =	stream.indirect.scatter.add.f32 [tilespmem:s2], [sflag:$0x3], $0x80, s19, s31, $0xb8;
	[tilespmem:$0x1F8C0] =	vst v63  }
0x6b: {  	_ =	swait.ge [sflag:s26], $0x3000  }
0x6c: {  	[sflag:s26] =	ssyncset.done $0x0  }
0x6d: {  	s19 =	sadd.s32 $0xFFFFFFA0, s17;
	[sflag:s26] =	ssyncadd.s32 $0xFFFFD000  }
0x6e: {  	[tilespmem:s2], [sflag:$0x1] =	stream.indirect.gather [hbm4b:s1+s31], $0x80, s19, s31, $0xb8;
	[tilespmem:$0x1F8C0] =	vst v63  }
0x6f: {  	_ =	swait.ge [sflag:s29], $0x3000  }
0x70: {  	[sflag:s29] =	ssyncset.done $0x0  }
.Ltmp0:
0x71: {  	s18 =	sadd.s32 $0x2880, s18;
	[sflag:s29] =	ssyncadd.s32 $0xFFFFD000;
	(pc) =	sbr.rel @p1 .LBB2_2-.Ltmp0, $4  }
0x72: {  	[spmem:s3] =	stream.indirect.scatter.add.f32 [tilespmem:s0], [sflag:$0x3], $0x80, s18, s31, $0xb8;
	[tilespmem:$0x1F8C0] =	vst v63  }
0x73: {  	_ =	swait.ge [sflag:s26], $0x3000  }
0x74: {  	[sflag:s26] =	ssyncset.done $0x0  }
0x75: {  	s17 =	sadd.s32 $0xC0, s17;
	[sflag:s26] =	ssyncadd.s32 $0xFFFFD000  }
0x76: {  	[tilespmem:s0], [sflag:$0x2] =	stream.indirect.gather [hbm4b:s1+s31], $0x80, s14, s31, $0xb8;
	[tilespmem:$0x1F8C0] =	vst v63  }
0x77: {  	_ =	swait.ge [sflag:s28], $0x3000  }
0x78: {  	[sflag:s28] =	ssyncset.done $0x0  }
0x79: {  	s16 =	simm.s32 $0x5C00;
	[sflag:s28] =	ssyncadd.s32 $0xFFFFD000  }
0x7a: {  	[spmem:s3] =	stream.indirect.scatter.add.f32 [tilespmem:s2], [sflag:$0x3], $0x80, s16, s31, $0xb8;
	[tilespmem:$0x1F8C0] =	vst v63  }
0x7b: {  	_ =	swait.ge [sflag:s26], $0x3000  }
0x7c: {  	[sflag:s26] =	ssyncset.done $0x0  }
0x7d: {  	[sflag:s26] =	ssyncadd.s32 $0xFFFFD000  }
0x7e: {  	_ =	swait.ge [sflag:s29], $0x3000  }
0x7f: {  	[sflag:s29] =	ssyncset.done $0x0  }
0x80: {  	s17 =	simm.s32 $0x5C80;
	[sflag:s29] =	ssyncadd.s32 $0xFFFFD000  }
0x81: {  	[spmem:s3] =	stream.indirect.scatter.add.f32 [tilespmem:s0], [sflag:$0x3], $0x80, s17, s31, $0xb8;
	[tilespmem:$0x1F8C0] =	vst v63  }
0x82: {  	_ =	swait.ge [sflag:s26], $0x3000  }
0x83: {  	[sflag:s26] =	ssyncset.done $0x0  }
0x84: {  	[sflag:s26] =	ssyncadd.s32 $0xFFFFD000  }
0x85: {  	[bflag:$0x0] =	sbarrier.arrive $0xFFFF  }
0x86: {  	s18 =	rddreg [dreg:$0x4]  }
0x87: {  	[hbm:s18], [sflag:s15] =	dma.local [spmem:s6], $0x500  }
0x88: {  	_ =	swait.ge [sflag:s26], $0x500  }
0x89: {  	[sflag:s26] =	ssyncset.done $0x0  }
0x8a: {  	s19 =	rddreg [dreg:$0x5];
	[sflag:s26] =	ssyncadd.s32 $0xFFFFFB00  }
0x8b: {  	[hbm:s19], [sflag:s15] =	dma.local [spmem:s7], $0x500  }
0x8c: {  	_ =	swait.ge [sflag:s26], $0x500  }
0x8d: {  	[sflag:s26] =	ssyncset.done $0x0  }
0x8e: {  	s14 =	rddreg [dreg:$0x6];
	[sflag:s26] =	ssyncadd.s32 $0xFFFFFB00  }
0x8f: {  	[hbm:s14], [sflag:s15] =	dma.local [spmem:s8], $0x500  }
0x90: {  	_ =	swait.ge [sflag:s26], $0x500  }
0x91: {  	[sflag:s26] =	ssyncset.done $0x0  }
0x92: {  	s16 =	rddreg [dreg:$0x7];
	[sflag:s26] =	ssyncadd.s32 $0xFFFFFB00  }
0x93: {  	[hbm:s16], [sflag:s15] =	dma.local [spmem:s9], $0x500  }
0x94: {  	_ =	swait.ge [sflag:s26], $0x500  }
0x95: {  	[sflag:s26] =	ssyncset.done $0x0  }
0x96: {  	s17 =	rddreg [dreg:$0x8];
	[sflag:s26] =	ssyncadd.s32 $0xFFFFFB00  }
0x97: {  	[hbm:s17], [sflag:s15] =	dma.local [spmem:s10], $0x500  }
0x98: {  	_ =	swait.ge [sflag:s26], $0x500  }
0x99: {  	[sflag:s26] =	ssyncset.done $0x0  }
0x9a: {  	s18 =	rddreg [dreg:$0x9];
	[sflag:s26] =	ssyncadd.s32 $0xFFFFFB00  }
0x9b: {  	[hbm:s18], [sflag:s15] =	dma.local [spmem:s11], $0x500  }
0x9c: {  	_ =	swait.ge [sflag:s26], $0x500  }
0x9d: {  	[sflag:s26] =	ssyncset.done $0x0  }
0x9e: {  	s19 =	rddreg [dreg:$0xa];
	[sflag:s26] =	ssyncadd.s32 $0xFFFFFB00  }
0x9f: {  	[hbm:s19], [sflag:s15] =	dma.local [spmem:s12], $0x500  }
0xa0: {  	_ =	swait.ge [sflag:s26], $0x500  }
0xa1: {  	s30 =	sadd.s32 $0x1, s30;
	[sflag:s26] =	ssyncset.done $0x0  }
0xa2: {  	p1 =	sne.s32 s30, s25;
	s6 =	rddreg [dreg:$0xb];
	[sflag:s26] =	ssyncadd.s32 $0xFFFFFB00  }
0xa3: {  	[hbm:s6], [sflag:s15] =	dma.local @!p0 [spmem:s13], $0x500  }
.Ltmp1:
0xa4: {  	_ = 	snop;
	(pc) =	sbr.rel @p1 .LBB2_1-.Ltmp1, $4  }
0xa5: {  	s6 =	simm.s32 @!p0 $0x3  }
0xa6: {  	_ =	swait.ge @!p0 [sflag:s6], $0x500  }
0xa7: {  	[sflag:s6] =	ssyncset.done @!p0 $0x0  }
0xa8: {  	[sflag:s6] =	ssyncadd.s32 @!p0 $0xFFFFFB00  }
0xa9: {  	_ =	sfence.sel $0x180000  }
0xaa: {  	[bflag:$0x0] =	sbarrier.arrive $0xFFFF  }
0xab: {  	_ =	strace $0x90000047  }
0xac: {  	s0 =	stileid.u32;
	[bflag:$0x2] =	sbarrier.arrive $0xFFFF  }
0xad: {  	p0 =	sne.s32 s0, $0x0;
	s0 =	rddreg [dreg:$0x3]  }
0xae: {  	s0 =	sadd.s32 @!p0 $0x100000, s0  }
0xaf: {  	[sflag:s0] =	ssyncadd.tile.s32 @!p0 $0x1;
	_ =	shalt  }
.Lfunc_end2:
_tile_overlayer_lowered:
.L_overlay_start_2:
0xb0: {  	(tag) =	ssettag $0x2  }
0xb1: {  	s0 =	rddreg [dreg:$0x0];
	s2 =	stileid.u32  }
0xb2: {  	s1 =	rddreg [dreg:$0x1];
	p0 =	sne.s32 s2, $0x0  }
0xb3: {  	s3 =	rddreg [dreg:$0x2];
	[bflag:$0x3] =	sbarrier.arrive $0xFFFF;
	s2 =	simm.s32 @!p0 $0x1C03  }
0xb4: {  	[timem:s3], [sflag:s2] =	dma.local @!p0 [hbm:s0], s1  }
0xb5: {  	s0 =	simm.s32 @!p0 $0x3  }
0xb6: {  	_ =	swait.ge @!p0 [sflag:s0], s1  }
0xb7: {  	s1 =	ssub.s32 @!p0 $0x0, s1;
	[sflag:s0] =	ssyncset.done @!p0 $0x0  }
0xb8: {  	[sflag:s0] =	ssyncadd.s32 @!p0 s1  }
0xb9: {  	[bflag:$0x3] =	sbarrier.arrive $0xFFFF  }
0xba: {  	_ =	shalt  }

</sc_bundles>
